<compile_context>
chip_gen: v7x
topology: tpu7x:2x2x1
jax: 0.10.2.dev20260603
libtpu: 0.0.44.dev20260713+nightly
codegen_flags: <defaults>
</compile_context>

<pallas_src>
import functools

import jax
import jax.numpy as jnp
from jax import lax
from jax.experimental import pallas as pl
from jax.experimental.pallas import tpu as pltpu
from jax.experimental.pallas import tpu_sc as plsc

NUM_BINS = 256
IMG_B, IMG_C, IMG_H, IMG_W = 16, 3, 512, 512
N_CH = IMG_B * IMG_C
LANES = 16
UNITS_PER_TILE = 3
HALF_ROWS = IMG_H // 2
ROWS = 32
CHUNK = ROWS * IMG_W
N_CHUNKS = HALF_ROWS // ROWS
STEPS = 2 * N_CHUNKS
VREGS = CHUNK // LANES
HSIZE = NUM_BINS * LANES
NBUF = 4


def _hist_body(pred_hbm, target_hbm, out_hbm, buf0, buf1, buf2, buf3, hist,
               outbuf, sem0, sem1, sem2, sem3):
    cid = lax.axis_index("c")
    sid = lax.axis_index("s")
    wid = sid * 2 + cid
    lane = lax.iota(jnp.int32, LANES)
    lane_t = lane | (1 << 12)
    ones = jnp.ones((LANES,), jnp.float32)
    zeros = jnp.zeros((LANES,), jnp.float32)
    bufs = (buf0, buf1, buf2, buf3)
    sems = (sem0, sem1, sem2, sem3)
    u0 = wid * UNITS_PER_TILE

    def start_copy(q, row0):
        src = pred_hbm if q % 2 == 0 else target_hbm
        pltpu.async_copy(src.at[pl.ds(row0, ROWS), :], bufs[q], sems[q])

    def wait_copy(q):
        pltpu.make_async_copy(
            pred_hbm.at[pl.ds(0, ROWS), :], bufs[q], sems[q]).wait()

    def row_of(t_unit, t_step):
        return (u0 + t_unit) * HALF_ROWS + (t_step // 2) * ROWS

    for q in range(NBUF):
        start_copy(q, row_of(0, q))

    for j in range(UNITS_PER_TILE):

        @plsc.parallel_loop(0, 2 * NUM_BINS, 1, unroll=8)
        def _(k):
            hist[pl.ds(k * LANES, LANES)] = zeros

        def quad_body(s4, carry):
            for q in range(NBUF):
                wait_copy(q)
                buf = bufs[q]
                lane_c = lane if q % 2 == 0 else lane_t

                @plsc.parallel_loop(0, VREGS, 1, unroll=8)
                def _(i):
                    x = buf[i >> 5, pl.ds((i & 31) * LANES, LANES)]
                    off = (x * 4096.0).astype(jnp.int32)
                    off = (off & 0xFF0) | lane_c
                    plsc.addupdate_scatter(hist, [off], ones)

                t_next = j * STEPS + s4 * NBUF + q + NBUF

                @pl.when(t_next < UNITS_PER_TILE * STEPS)
                def _():
                    s_next = s4 * NBUF + q + NBUF
                    j_next = j + s_next // STEPS
                    start_copy(q, row_of(j_next, lax.rem(s_next, STEPS)))
            return carry

        lax.fori_loop(0, STEPS // NBUF, quad_body, 0)

        @plsc.parallel_loop(0, 2 * NUM_BINS, 1, unroll=4)
        def _(g):
            row = hist[pl.ds(g * LANES, LANES)]
            s = jnp.sum(row)
            plsc.store_scatter(outbuf, [jnp.broadcast_to(g, (LANES,))],
                               jnp.broadcast_to(s, (LANES,)),
                               mask=lane == 0)

        u = u0 + j
        pltpu.sync_copy(outbuf,
                        out_hbm.at[pl.ds(u * 2 * NUM_BINS, 2 * NUM_BINS)])


@functools.partial(
    pl.kernel,
    mesh=plsc.VectorSubcoreMesh(core_axis_name="c", subcore_axis_name="s"),
    out_type=jax.ShapeDtypeStruct((96 * 2 * NUM_BINS,), jnp.float32),
    scratch_types=[
        pltpu.VMEM((ROWS, IMG_W), jnp.float32),
        pltpu.VMEM((ROWS, IMG_W), jnp.float32),
        pltpu.VMEM((ROWS, IMG_W), jnp.float32),
        pltpu.VMEM((ROWS, IMG_W), jnp.float32),
        pltpu.VMEM((2 * HSIZE,), jnp.float32),
        pltpu.VMEM((2 * NUM_BINS,), jnp.float32),
        pltpu.SemaphoreType.DMA,
        pltpu.SemaphoreType.DMA,
        pltpu.SemaphoreType.DMA,
        pltpu.SemaphoreType.DMA,
    ],
    compiler_params=pltpu.CompilerParams(needs_layout_passes=False),
)
def _hist_kernel(pred_hbm, target_hbm, out_hbm, buf0, buf1, buf2, buf3,
                 hist, outbuf, sem0, sem1, sem2, sem3):
    _hist_body(pred_hbm, target_hbm, out_hbm, buf0, buf1, buf2, buf3, hist,
               outbuf, sem0, sem1, sem2, sem3)


def kernel(pred, target):
    part = _hist_kernel(pred.reshape(N_CH * IMG_H, IMG_W),
                        target.reshape(N_CH * IMG_H, IMG_W))
    part = part.reshape(N_CH, 2, 2, NUM_BINS).sum(axis=1)
    p = part[:, 0, :]
    t = part[:, 1, :]
    p = p / (p.sum(axis=1, keepdims=True) + 1e-8)
    t = t / (t.sum(axis=1, keepdims=True) + 1e-8)
    return jnp.mean((p - t) ** 2)

# --- scband reference (transcript-rebuilt; emitter-appended) ---
"""Pipeline reference for scband-histogram-loss-88433376625133 (READ-ONLY COPY).

The authoritative reference and input builder live on the scoring server;
editing this copy changes nothing except your own understanding.
"""

import jax, jax.numpy as jnp
import numpy as np

NUM_BINS = 256

def setup_inputs(seed: int = 0) -> dict:
    key = jax.random.key(seed)
    k1, k2 = jax.random.split(key)
    pred = jax.random.uniform(k1, (16, 3, 512, 512), dtype=jnp.float32)
    target = jax.random.uniform(k2, (16, 3, 512, 512), dtype=jnp.float32)
    return {"pred": pred, "target": target}

def _compute_histogram(x, num_bins):
    # x: [B, C, H, W] with values in [0, 1]; mimics torch.histc(bins=num_bins, min=0, max=1)
    B, C, H, W = x.shape
    flat = x.reshape(B * C, H * W)
    # bin index: floor(x * num_bins), value == 1.0 goes into last bin (matches histc)
    idx = jnp.clip(jnp.floor(flat * num_bins).astype(jnp.int32), 0, num_bins - 1)
    # torch.histc ignores values outside [min, max]; mask them out
    in_range = jnp.logical_and(flat >= 0.0, flat <= 1.0).astype(jnp.float32)
    def one_hist(i, w):
        return jnp.zeros((num_bins,), dtype=jnp.float32).at[i].add(w)
    hist = jax.vmap(one_hist)(idx, in_range)  # [B*C, num_bins]
    return hist.reshape(B, C, num_bins)

def reference(pred, target):
    pred_hist = _compute_histogram(pred, NUM_BINS)
    target_hist = _compute_histogram(target, NUM_BINS)
    pred_hist = pred_hist / (pred_hist.sum(axis=2, keepdims=True) + 1e-08)
    target_hist = target_hist / (target_hist.sum(axis=2, keepdims=True) + 1e-08)
    hist_loss = jnp.mean((pred_hist - target_hist) ** 2)
    return hist_loss

if __name__ == "__main__":
    import jax
    _d = setup_inputs()
    print(jax.jit(kernel)(*tuple(_d.values())))

</pallas_src>

<mosaic_0001>
#map = affine_map<(d0, d1) -> (0, 0)>
#map1 = affine_map<(d0, d1) -> (0)>
module attributes {stable_mosaic.version = 14 : i64} {
  func.func @_hist_kernel(%arg0: i32, %arg1: i32, %arg2: memref<24576x512xf32, #tpu.memory_space<hbm>>, %arg3: memref<24576x512xf32, #tpu.memory_space<hbm>>, %arg4: memref<49152xf32, #tpu.memory_space<hbm>>, %arg5: memref<32x512xf32, #tpu.memory_space<vmem>>, %arg6: memref<32x512xf32, #tpu.memory_space<vmem>>, %arg7: memref<32x512xf32, #tpu.memory_space<vmem>>, %arg8: memref<32x512xf32, #tpu.memory_space<vmem>>, %arg9: memref<8192xf32, #tpu.memory_space<vmem>>, %arg10: memref<512xf32, #tpu.memory_space<vmem>>, %arg11: memref<!tpu.dma_semaphore, #tpu.memory_space<semaphore_mem>>, %arg12: memref<!tpu.dma_semaphore, #tpu.memory_space<semaphore_mem>>, %arg13: memref<!tpu.dma_semaphore, #tpu.memory_space<semaphore_mem>>, %arg14: memref<!tpu.dma_semaphore, #tpu.memory_space<semaphore_mem>>) attributes {dimension_semantics = [#tpu.dimension_semantics<core_parallel>, #tpu.dimension_semantics<subcore_parallel>], iteration_bounds = array<i64: 2, 16>, scalar_prefetch = 0 : i64, scratch_operands = 10 : i64, tpu.core_type = #tpu.core_type<sc_vector_subcore>, window_params = [{transform_indices = #map}, {transform_indices = #map}, {transform_indices = #map1}]} {
    %mul3A = arith.constant 2 : i32
    %mul3A_0 = arith.muli %arg1, %mul3A : i32
    %add3A = arith.addi %mul3A_0, %arg0 : i32
    %iota3A = tpu.iota {dimensions = array<i32: 0>} : vector<16xi32>
    %or3A = arith.constant 4096 : i32
    %or3A_1 = vector.broadcast %or3A : i32 to vector<16xi32>
    %or3A_2 = arith.ori %iota3A, %or3A_1 : vector<16xi32>
    %broadcast_in_dim3A = arith.constant 1.000000e+00 : f32
    %broadcast_in_dim3A_3 = vector.broadcast %broadcast_in_dim3A : f32 to vector<16xf32>
    %broadcast_in_dim3A_4 = arith.constant 0.000000e+00 : f32
    %broadcast_in_dim3A_5 = vector.broadcast %broadcast_in_dim3A_4 : f32 to vector<16xf32>
    %mul3A_6 = arith.constant 3 : i32
    %mul3A_7 = arith.muli %add3A, %mul3A_6 : i32
    %add3A_8 = arith.constant 0 : i32
    %add3A_9 = arith.addi %mul3A_7, %add3A_8 : i32
    %mul3A_10 = arith.constant 256 : i32
    %mul3A_11 = arith.muli %add3A_9, %mul3A_10 : i32
    %add3A_12 = arith.constant 0 : i32
    %add3A_13 = arith.addi %mul3A_11, %add3A_12 : i32
    %dma_start3A = arith.constant 0 : i32
    %dma_start3A_14 = tpu.memref_slice %arg2[%add3A_13, %dma_start3A] : memref<24576x512xf32, #tpu.memory_space<hbm>> -> memref<32x512xf32, #tpu.memory_space<hbm>>
    %dma_start3A_15 = arith.constant 0 : i32
    %dma_start3A_16 = tpu.memref_slice %arg2[%add3A_13, %dma_start3A_15] : memref<24576x512xf32, #tpu.memory_space<hbm>> -> memref<32x512xf32, #tpu.memory_space<hbm>>
    tpu.enqueue_dma source(%dma_start3A_16 : memref<32x512xf32, #tpu.memory_space<hbm>>) target(%arg5 : memref<32x512xf32, #tpu.memory_space<vmem>>) target_semaphore(%arg11 : memref<!tpu.dma_semaphore, #tpu.memory_space<semaphore_mem>>)
    %add3A_17 = arith.constant 0 : i32
    %add3A_18 = arith.addi %mul3A_7, %add3A_17 : i32
    %mul3A_19 = arith.constant 256 : i32
    %mul3A_20 = arith.muli %add3A_18, %mul3A_19 : i32
    %add3A_21 = arith.constant 0 : i32
    %add3A_22 = arith.addi %mul3A_20, %add3A_21 : i32
    %dma_start3A_23 = arith.constant 0 : i32
    %dma_start3A_24 = tpu.memref_slice %arg3[%add3A_22, %dma_start3A_23] : memref<24576x512xf32, #tpu.memory_space<hbm>> -> memref<32x512xf32, #tpu.memory_space<hbm>>
    %dma_start3A_25 = arith.constant 0 : i32
    %dma_start3A_26 = tpu.memref_slice %arg3[%add3A_22, %dma_start3A_25] : memref<24576x512xf32, #tpu.memory_space<hbm>> -> memref<32x512xf32, #tpu.memory_space<hbm>>
    tpu.enqueue_dma source(%dma_start3A_26 : memref<32x512xf32, #tpu.memory_space<hbm>>) target(%arg6 : memref<32x512xf32, #tpu.memory_space<vmem>>) target_semaphore(%arg12 : memref<!tpu.dma_semaphore, #tpu.memory_space<semaphore_mem>>)
    %add3A_27 = arith.constant 0 : i32
    %add3A_28 = arith.addi %mul3A_7, %add3A_27 : i32
    %mul3A_29 = arith.constant 256 : i32
    %mul3A_30 = arith.muli %add3A_28, %mul3A_29 : i32
    %add3A_31 = arith.constant 32 : i32
    %add3A_32 = arith.addi %mul3A_30, %add3A_31 : i32
    %dma_start3A_33 = arith.constant 0 : i32
    %dma_start3A_34 = tpu.memref_slice %arg2[%add3A_32, %dma_start3A_33] : memref<24576x512xf32, #tpu.memory_space<hbm>> -> memref<32x512xf32, #tpu.memory_space<hbm>>
    %dma_start3A_35 = arith.constant 0 : i32
    %dma_start3A_36 = tpu.memref_slice %arg2[%add3A_32, %dma_start3A_35] : memref<24576x512xf32, #tpu.memory_space<hbm>> -> memref<32x512xf32, #tpu.memory_space<hbm>>
    tpu.enqueue_dma source(%dma_start3A_36 : memref<32x512xf32, #tpu.memory_space<hbm>>) target(%arg7 : memref<32x512xf32, #tpu.memory_space<vmem>>) target_semaphore(%arg13 : memref<!tpu.dma_semaphore, #tpu.memory_space<semaphore_mem>>)
    %add3A_37 = arith.constant 0 : i32
    %add3A_38 = arith.addi %mul3A_7, %add3A_37 : i32
    %mul3A_39 = arith.constant 256 : i32
    %mul3A_40 = arith.muli %add3A_38, %mul3A_39 : i32
    %add3A_41 = arith.constant 32 : i32
    %add3A_42 = arith.addi %mul3A_40, %add3A_41 : i32
    %dma_start3A_43 = arith.constant 0 : i32
    %dma_start3A_44 = tpu.memref_slice %arg3[%add3A_42, %dma_start3A_43] : memref<24576x512xf32, #tpu.memory_space<hbm>> -> memref<32x512xf32, #tpu.memory_space<hbm>>
    %dma_start3A_45 = arith.constant 0 : i32
    %dma_start3A_46 = tpu.memref_slice %arg3[%add3A_42, %dma_start3A_45] : memref<24576x512xf32, #tpu.memory_space<hbm>> -> memref<32x512xf32, #tpu.memory_space<hbm>>
    tpu.enqueue_dma source(%dma_start3A_46 : memref<32x512xf32, #tpu.memory_space<hbm>>) target(%arg8 : memref<32x512xf32, #tpu.memory_space<vmem>>) target_semaphore(%arg14 : memref<!tpu.dma_semaphore, #tpu.memory_space<semaphore_mem>>)
    %parallel_loop3A = arith.constant 0 : i32
    %parallel_loop3A_47 = arith.constant 512 : i32
    %parallel_loop3A_48 = arith.constant 1 : i32
    scf.for %parallel_loop3A_99 = %parallel_loop3A to %parallel_loop3A_47 step %parallel_loop3A_48  : i32 {
      %parallel_loop3A_100 = arith.constant 16 : i32
      %parallel_loop3A_101 = arith.muli %parallel_loop3A_99, %parallel_loop3A_100 : i32
      %parallel_loop3A_102 = arith.index_cast %parallel_loop3A_101 : i32 to index
      %parallel_loop3A_103 = tpu.vector_load %arg9[%parallel_loop3A_102] {strides = array<i32>} : memref<8192xf32, #tpu.memory_space<vmem>>, vector<16xf32>,
      tpu.vector_store %arg9[%parallel_loop3A_102], %broadcast_in_dim3A_5 {strides = array<i32>} : memref<8192xf32, #tpu.memory_space<vmem>>, vector<16xf32>,
    } {sc.loop_unroll_factor = 8 : i64, sc.parallel_access}
    %scan3A = arith.constant 0 : i32
    %scan3A_49 = arith.constant 0 : i32
    %scan3A_50 = arith.constant 4 : i32
    %scan3A_51 = arith.addi %scan3A_49, %scan3A_50 : i32
    %scan3A_52 = arith.constant 1 : i32
    scf.for %scan3A_99 = %scan3A_49 to %scan3A_51 step %scan3A_52  : i32 {
      %dma_wait3A = arith.constant 0 : i32
      %dma_wait3A_100 = arith.constant 0 : i32
      %dma_wait3A_101 = tpu.memref_slice %arg2[%dma_wait3A, %dma_wait3A_100] : memref<24576x512xf32, #tpu.memory_space<hbm>> -> memref<32x512xf32, #tpu.memory_space<hbm>>
      %dma_wait3A_102 = arith.constant 0 : i32
      %dma_wait3A_103 = arith.constant 0 : i32
      %dma_wait3A_104 = tpu.memref_slice %arg2[%dma_wait3A_102, %dma_wait3A_103] : memref<24576x512xf32, #tpu.memory_space<hbm>> -> memref<32x512xf32, #tpu.memory_space<hbm>>
      tpu.wait_dma2 semaphore(%arg11 : memref<!tpu.dma_semaphore, #tpu.memory_space<semaphore_mem>>) src(%dma_wait3A_104 : memref<32x512xf32, #tpu.memory_space<hbm>>) dst(%arg5 : memref<32x512xf32, #tpu.memory_space<vmem>>)
      %parallel_loop3A_105 = arith.constant 0 : i32
      %parallel_loop3A_106 = arith.constant 1024 : i32
      %parallel_loop3A_107 = arith.constant 1 : i32
      scf.for %parallel_loop3A_184 = %parallel_loop3A_105 to %parallel_loop3A_106 step %parallel_loop3A_107  : i32 {
        %parallel_loop3A_185 = arith.constant 5 : i32
        %parallel_loop3A_186 = arith.shrsi %parallel_loop3A_184, %parallel_loop3A_185 : i32
        %parallel_loop3A_187 = arith.constant 31 : i32
        %parallel_loop3A_188 = arith.andi %parallel_loop3A_184, %parallel_loop3A_187 : i32
        %parallel_loop3A_189 = arith.constant 16 : i32
        %parallel_loop3A_190 = arith.muli %parallel_loop3A_188, %parallel_loop3A_189 : i32
        %parallel_loop3A_191 = arith.index_cast %parallel_loop3A_186 : i32 to index
        %parallel_loop3A_192 = arith.index_cast %parallel_loop3A_190 : i32 to index
        %parallel_loop3A_193 = tpu.vector_load %arg5[%parallel_loop3A_191, %parallel_loop3A_192] {strides = array<i32>} : memref<32x512xf32, #tpu.memory_space<vmem>>, vector<16xf32>,
        %parallel_loop3A_194 = arith.constant 4.096000e+03 : f32
        %parallel_loop3A_195 = vector.broadcast %parallel_loop3A_194 : f32 to vector<16xf32>
        %parallel_loop3A_196 = arith.mulf %parallel_loop3A_193, %parallel_loop3A_195 : vector<16xf32>
        %parallel_loop3A_197 = arith.fptosi %parallel_loop3A_196 : vector<16xf32> to vector<16xi32>
        %parallel_loop3A_198 = arith.constant 4080 : i32
        %parallel_loop3A_199 = vector.broadcast %parallel_loop3A_198 : i32 to vector<16xi32>
        %parallel_loop3A_200 = arith.andi %parallel_loop3A_197, %parallel_loop3A_199 : vector<16xi32>
        %parallel_loop3A_201 = arith.ori %parallel_loop3A_200, %iota3A : vector<16xi32>
        tpu.vector_store_idx %arg9[%parallel_loop3A_201], %broadcast_in_dim3A_3 {add = true} : memref<8192xf32, #tpu.memory_space<vmem>>[vector<16xi32>], vector<16xf32>,
      } {sc.loop_unroll_factor = 8 : i64, sc.parallel_access}
      %mul3A_108 = arith.constant 4 : i32
      %mul3A_109 = arith.muli %scan3A_99, %mul3A_108 : i32
      %add3A_110 = arith.constant 0 : i32
      %add3A_111 = arith.addi %add3A_110, %mul3A_109 : i32
      %add3A_112 = arith.constant 0 : i32
      %add3A_113 = arith.addi %add3A_111, %add3A_112 : i32
      %add3A_114 = arith.constant 4 : i32
      %add3A_115 = arith.addi %add3A_113, %add3A_114 : i32
      %lt3A = arith.constant 48 : i32
      %lt3A_116 = arith.cmpi slt, %add3A_115, %lt3A : i32
      %convert_element_type3A = arith.extui %lt3A_116 : i1 to i32
      %cond3A = arith.constant 0 : i32
      %cond3A_117 = arith.cmpi ne, %convert_element_type3A, %cond3A : i32
      scf.if %cond3A_117 {
        %mul3A_184 = arith.constant 4 : i32
        %mul3A_185 = arith.muli %scan3A_99, %mul3A_184 : i32
        %add3A_186 = arith.constant 0 : i32
        %add3A_187 = arith.addi %mul3A_185, %add3A_186 : i32
        %add3A_188 = arith.constant 4 : i32
        %add3A_189 = arith.addi %add3A_187, %add3A_188 : i32
        %jit3A = arith.constant 16 : i32
        %div3A = arith.divsi %add3A_189, %jit3A : i32
        %sign3A = arith.constant 0 : i32
        %sign3A_190 = arith.cmpi sgt, %add3A_189, %sign3A : i32
        %sign3A_191 = arith.extui %sign3A_190 : i1 to i32
        %sign3A_192 = arith.constant 0 : i32
        %sign3A_193 = arith.cmpi slt, %add3A_189, %sign3A_192 : i32
        %sign3A_194 = arith.extui %sign3A_193 : i1 to i32
        %sign3A_195 = arith.subi %sign3A_191, %sign3A_194 : i32
        %sign3A_196 = arith.constant 0 : i32
        %sign3A_197 = arith.cmpi sgt, %jit3A, %sign3A_196 : i32
        %sign3A_198 = arith.extui %sign3A_197 : i1 to i32
        %sign3A_199 = arith.constant 0 : i32
        %sign3A_200 = arith.cmpi slt, %jit3A, %sign3A_199 : i32
        %sign3A_201 = arith.extui %sign3A_200 : i1 to i32
        %sign3A_202 = arith.subi %sign3A_198, %sign3A_201 : i32
        %ne3A = arith.cmpi ne, %sign3A_195, %sign3A_202 : i32
        %rem3A = arith.remsi %add3A_189, %jit3A : i32
        %ne3A_203 = arith.constant 0 : i32
        %ne3A_204 = arith.cmpi ne, %rem3A, %ne3A_203 : i32
        %and3A = arith.andi %ne3A, %ne3A_204 : i1
        %sub3A = arith.constant 1 : i32
        %sub3A_205 = arith.subi %div3A, %sub3A : i32
        %select_n3A = arith.select %and3A, %sub3A_205, %div3A : i32
        %add3A_206 = arith.constant 0 : i32
        %add3A_207 = arith.addi %add3A_206, %select_n3A : i32
        %rem3A_208 = arith.constant 16 : i32
        %rem3A_209 = arith.remsi %add3A_189, %rem3A_208 : i32
        %add3A_210 = arith.addi %mul3A_7, %add3A_207 : i32
        %mul3A_211 = arith.constant 256 : i32
        %mul3A_212 = arith.muli %add3A_210, %mul3A_211 : i32
        %jit3A_213 = arith.constant 2 : i32
        %div3A_214 = arith.divsi %rem3A_209, %jit3A_213 : i32
        %sign3A_215 = arith.constant 0 : i32
        %sign3A_216 = arith.cmpi sgt, %rem3A_209, %sign3A_215 : i32
        %sign3A_217 = arith.extui %sign3A_216 : i1 to i32
        %sign3A_218 = arith.constant 0 : i32
        %sign3A_219 = arith.cmpi slt, %rem3A_209, %sign3A_218 : i32
        %sign3A_220 = arith.extui %sign3A_219 : i1 to i32
        %sign3A_221 = arith.subi %sign3A_217, %sign3A_220 : i32
        %sign3A_222 = arith.constant 0 : i32
        %sign3A_223 = arith.cmpi sgt, %jit3A_213, %sign3A_222 : i32
        %sign3A_224 = arith.extui %sign3A_223 : i1 to i32
        %sign3A_225 = arith.constant 0 : i32
        %sign3A_226 = arith.cmpi slt, %jit3A_213, %sign3A_225 : i32
        %sign3A_227 = arith.extui %sign3A_226 : i1 to i32
        %sign3A_228 = arith.subi %sign3A_224, %sign3A_227 : i32
        %ne3A_229 = arith.cmpi ne, %sign3A_221, %sign3A_228 : i32
        %rem3A_230 = arith.remsi %rem3A_209, %jit3A_213 : i32
        %ne3A_231 = arith.constant 0 : i32
        %ne3A_232 = arith.cmpi ne, %rem3A_230, %ne3A_231 : i32
        %and3A_233 = arith.andi %ne3A_229, %ne3A_232 : i1
        %sub3A_234 = arith.constant 1 : i32
        %sub3A_235 = arith.subi %div3A_214, %sub3A_234 : i32
        %select_n3A_236 = arith.select %and3A_233, %sub3A_235, %div3A_214 : i32
        %mul3A_237 = arith.constant 32 : i32
        %mul3A_238 = arith.muli %select_n3A_236, %mul3A_237 : i32
        %add3A_239 = arith.addi %mul3A_212, %mul3A_238 : i32
        %dma_start3A_240 = arith.constant 0 : i32
        %dma_start3A_241 = tpu.memref_slice %arg2[%add3A_239, %dma_start3A_240] : memref<24576x512xf32, #tpu.memory_space<hbm>> -> memref<32x512xf32, #tpu.memory_space<hbm>>
        %dma_start3A_242 = arith.constant 0 : i32
        %dma_start3A_243 = tpu.memref_slice %arg2[%add3A_239, %dma_start3A_242] : memref<24576x512xf32, #tpu.memory_space<hbm>> -> memref<32x512xf32, #tpu.memory_space<hbm>>
        tpu.enqueue_dma source(%dma_start3A_243 : memref<32x512xf32, #tpu.memory_space<hbm>>) target(%arg5 : memref<32x512xf32, #tpu.memory_space<vmem>>) target_semaphore(%arg11 : memref<!tpu.dma_semaphore, #tpu.memory_space<semaphore_mem>>)
      } else {
      }
      %dma_wait3A_118 = arith.constant 0 : i32
      %dma_wait3A_119 = arith.constant 0 : i32
      %dma_wait3A_120 = tpu.memref_slice %arg2[%dma_wait3A_118, %dma_wait3A_119] : memref<24576x512xf32, #tpu.memory_space<hbm>> -> memref<32x512xf32, #tpu.memory_space<hbm>>
      %dma_wait3A_121 = arith.constant 0 : i32
      %dma_wait3A_122 = arith.constant 0 : i32
      %dma_wait3A_123 = tpu.memref_slice %arg2[%dma_wait3A_121, %dma_wait3A_122] : memref<24576x512xf32, #tpu.memory_space<hbm>> -> memref<32x512xf32, #tpu.memory_space<hbm>>
      tpu.wait_dma2 semaphore(%arg12 : memref<!tpu.dma_semaphore, #tpu.memory_space<semaphore_mem>>) src(%dma_wait3A_123 : memref<32x512xf32, #tpu.memory_space<hbm>>) dst(%arg6 : memref<32x512xf32, #tpu.memory_space<vmem>>)
      %parallel_loop3A_124 = arith.constant 0 : i32
      %parallel_loop3A_125 = arith.constant 1024 : i32
      %parallel_loop3A_126 = arith.constant 1 : i32
      scf.for %parallel_loop3A_184 = %parallel_loop3A_124 to %parallel_loop3A_125 step %parallel_loop3A_126  : i32 {
        %parallel_loop3A_185 = arith.constant 5 : i32
        %parallel_loop3A_186 = arith.shrsi %parallel_loop3A_184, %parallel_loop3A_185 : i32
        %parallel_loop3A_187 = arith.constant 31 : i32
        %parallel_loop3A_188 = arith.andi %parallel_loop3A_184, %parallel_loop3A_187 : i32
        %parallel_loop3A_189 = arith.constant 16 : i32
        %parallel_loop3A_190 = arith.muli %parallel_loop3A_188, %parallel_loop3A_189 : i32
        %parallel_loop3A_191 = arith.index_cast %parallel_loop3A_186 : i32 to index
        %parallel_loop3A_192 = arith.index_cast %parallel_loop3A_190 : i32 to index
        %parallel_loop3A_193 = tpu.vector_load %arg6[%parallel_loop3A_191, %parallel_loop3A_192] {strides = array<i32>} : memref<32x512xf32, #tpu.memory_space<vmem>>, vector<16xf32>,
        %parallel_loop3A_194 = arith.constant 4.096000e+03 : f32
        %parallel_loop3A_195 = vector.broadcast %parallel_loop3A_194 : f32 to vector<16xf32>
        %parallel_loop3A_196 = arith.mulf %parallel_loop3A_193, %parallel_loop3A_195 : vector<16xf32>
        %parallel_loop3A_197 = arith.fptosi %parallel_loop3A_196 : vector<16xf32> to vector<16xi32>
        %parallel_loop3A_198 = arith.constant 4080 : i32
        %parallel_loop3A_199 = vector.broadcast %parallel_loop3A_198 : i32 to vector<16xi32>
        %parallel_loop3A_200 = arith.andi %parallel_loop3A_197, %parallel_loop3A_199 : vector<16xi32>
        %parallel_loop3A_201 = arith.ori %parallel_loop3A_200, %or3A_2 : vector<16xi32>
        tpu.vector_store_idx %arg9[%parallel_loop3A_201], %broadcast_in_dim3A_3 {add = true} : memref<8192xf32, #tpu.memory_space<vmem>>[vector<16xi32>], vector<16xf32>,
      } {sc.loop_unroll_factor = 8 : i64, sc.parallel_access}
      %mul3A_127 = arith.constant 4 : i32
      %mul3A_128 = arith.muli %scan3A_99, %mul3A_127 : i32
      %add3A_129 = arith.constant 0 : i32
      %add3A_130 = arith.addi %add3A_129, %mul3A_128 : i32
      %add3A_131 = arith.constant 1 : i32
      %add3A_132 = arith.addi %add3A_130, %add3A_131 : i32
      %add3A_133 = arith.constant 4 : i32
      %add3A_134 = arith.addi %add3A_132, %add3A_133 : i32
      %lt3A_135 = arith.constant 48 : i32
      %lt3A_136 = arith.cmpi slt, %add3A_134, %lt3A_135 : i32
      %convert_element_type3A_137 = arith.extui %lt3A_136 : i1 to i32
      %cond3A_138 = arith.constant 0 : i32
      %cond3A_139 = arith.cmpi ne, %convert_element_type3A_137, %cond3A_138 : i32
      scf.if %cond3A_139 {
        %mul3A_184 = arith.constant 4 : i32
        %mul3A_185 = arith.muli %scan3A_99, %mul3A_184 : i32
        %add3A_186 = arith.constant 1 : i32
        %add3A_187 = arith.addi %mul3A_185, %add3A_186 : i32
        %add3A_188 = arith.constant 4 : i32
        %add3A_189 = arith.addi %add3A_187, %add3A_188 : i32
        %jit3A = arith.constant 16 : i32
        %div3A = arith.divsi %add3A_189, %jit3A : i32
        %sign3A = arith.constant 0 : i32
        %sign3A_190 = arith.cmpi sgt, %add3A_189, %sign3A : i32
        %sign3A_191 = arith.extui %sign3A_190 : i1 to i32
        %sign3A_192 = arith.constant 0 : i32
        %sign3A_193 = arith.cmpi slt, %add3A_189, %sign3A_192 : i32
        %sign3A_194 = arith.extui %sign3A_193 : i1 to i32
        %sign3A_195 = arith.subi %sign3A_191, %sign3A_194 : i32
        %sign3A_196 = arith.constant 0 : i32
        %sign3A_197 = arith.cmpi sgt, %jit3A, %sign3A_196 : i32
        %sign3A_198 = arith.extui %sign3A_197 : i1 to i32
        %sign3A_199 = arith.constant 0 : i32
        %sign3A_200 = arith.cmpi slt, %jit3A, %sign3A_199 : i32
        %sign3A_201 = arith.extui %sign3A_200 : i1 to i32
        %sign3A_202 = arith.subi %sign3A_198, %sign3A_201 : i32
        %ne3A = arith.cmpi ne, %sign3A_195, %sign3A_202 : i32
        %rem3A = arith.remsi %add3A_189, %jit3A : i32
        %ne3A_203 = arith.constant 0 : i32
        %ne3A_204 = arith.cmpi ne, %rem3A, %ne3A_203 : i32
        %and3A = arith.andi %ne3A, %ne3A_204 : i1
        %sub3A = arith.constant 1 : i32
        %sub3A_205 = arith.subi %div3A, %sub3A : i32
        %select_n3A = arith.select %and3A, %sub3A_205, %div3A : i32
        %add3A_206 = arith.constant 0 : i32
        %add3A_207 = arith.addi %add3A_206, %select_n3A : i32
        %rem3A_208 = arith.constant 16 : i32
        %rem3A_209 = arith.remsi %add3A_189, %rem3A_208 : i32
        %add3A_210 = arith.addi %mul3A_7, %add3A_207 : i32
        %mul3A_211 = arith.constant 256 : i32
        %mul3A_212 = arith.muli %add3A_210, %mul3A_211 : i32
        %jit3A_213 = arith.constant 2 : i32
        %div3A_214 = arith.divsi %rem3A_209, %jit3A_213 : i32
        %sign3A_215 = arith.constant 0 : i32
        %sign3A_216 = arith.cmpi sgt, %rem3A_209, %sign3A_215 : i32
        %sign3A_217 = arith.extui %sign3A_216 : i1 to i32
        %sign3A_218 = arith.constant 0 : i32
        %sign3A_219 = arith.cmpi slt, %rem3A_209, %sign3A_218 : i32
        %sign3A_220 = arith.extui %sign3A_219 : i1 to i32
        %sign3A_221 = arith.subi %sign3A_217, %sign3A_220 : i32
        %sign3A_222 = arith.constant 0 : i32
        %sign3A_223 = arith.cmpi sgt, %jit3A_213, %sign3A_222 : i32
        %sign3A_224 = arith.extui %sign3A_223 : i1 to i32
        %sign3A_225 = arith.constant 0 : i32
        %sign3A_226 = arith.cmpi slt, %jit3A_213, %sign3A_225 : i32
        %sign3A_227 = arith.extui %sign3A_226 : i1 to i32
        %sign3A_228 = arith.subi %sign3A_224, %sign3A_227 : i32
        %ne3A_229 = arith.cmpi ne, %sign3A_221, %sign3A_228 : i32
        %rem3A_230 = arith.remsi %rem3A_209, %jit3A_213 : i32
        %ne3A_231 = arith.constant 0 : i32
        %ne3A_232 = arith.cmpi ne, %rem3A_230, %ne3A_231 : i32
        %and3A_233 = arith.andi %ne3A_229, %ne3A_232 : i1
        %sub3A_234 = arith.constant 1 : i32
        %sub3A_235 = arith.subi %div3A_214, %sub3A_234 : i32
        %select_n3A_236 = arith.select %and3A_233, %sub3A_235, %div3A_214 : i32
        %mul3A_237 = arith.constant 32 : i32
        %mul3A_238 = arith.muli %select_n3A_236, %mul3A_237 : i32
        %add3A_239 = arith.addi %mul3A_212, %mul3A_238 : i32
        %dma_start3A_240 = arith.constant 0 : i32
        %dma_start3A_241 = tpu.memref_slice %arg3[%add3A_239, %dma_start3A_240] : memref<24576x512xf32, #tpu.memory_space<hbm>> -> memref<32x512xf32, #tpu.memory_space<hbm>>
        %dma_start3A_242 = arith.constant 0 : i32
        %dma_start3A_243 = tpu.memref_slice %arg3[%add3A_239, %dma_start3A_242] : memref<24576x512xf32, #tpu.memory_space<hbm>> -> memref<32x512xf32, #tpu.memory_space<hbm>>
        tpu.enqueue_dma source(%dma_start3A_243 : memref<32x512xf32, #tpu.memory_space<hbm>>) target(%arg6 : memref<32x512xf32, #tpu.memory_space<vmem>>) target_semaphore(%arg12 : memref<!tpu.dma_semaphore, #tpu.memory_space<semaphore_mem>>)
      } else {
      }
      %dma_wait3A_140 = arith.constant 0 : i32
      %dma_wait3A_141 = arith.constant 0 : i32
      %dma_wait3A_142 = tpu.memref_slice %arg2[%dma_wait3A_140, %dma_wait3A_141] : memref<24576x512xf32, #tpu.memory_space<hbm>> -> memref<32x512xf32, #tpu.memory_space<hbm>>
      %dma_wait3A_143 = arith.constant 0 : i32
      %dma_wait3A_144 = arith.constant 0 : i32
      %dma_wait3A_145 = tpu.memref_slice %arg2[%dma_wait3A_143, %dma_wait3A_144] : memref<24576x512xf32, #tpu.memory_space<hbm>> -> memref<32x512xf32, #tpu.memory_space<hbm>>
      tpu.wait_dma2 semaphore(%arg13 : memref<!tpu.dma_semaphore, #tpu.memory_space<semaphore_mem>>) src(%dma_wait3A_145 : memref<32x512xf32, #tpu.memory_space<hbm>>) dst(%arg7 : memref<32x512xf32, #tpu.memory_space<vmem>>)
      %parallel_loop3A_146 = arith.constant 0 : i32
      %parallel_loop3A_147 = arith.constant 1024 : i32
      %parallel_loop3A_148 = arith.constant 1 : i32
      scf.for %parallel_loop3A_184 = %parallel_loop3A_146 to %parallel_loop3A_147 step %parallel_loop3A_148  : i32 {
        %parallel_loop3A_185 = arith.constant 5 : i32
        %parallel_loop3A_186 = arith.shrsi %parallel_loop3A_184, %parallel_loop3A_185 : i32
        %parallel_loop3A_187 = arith.constant 31 : i32
        %parallel_loop3A_188 = arith.andi %parallel_loop3A_184, %parallel_loop3A_187 : i32
        %parallel_loop3A_189 = arith.constant 16 : i32
        %parallel_loop3A_190 = arith.muli %parallel_loop3A_188, %parallel_loop3A_189 : i32
        %parallel_loop3A_191 = arith.index_cast %parallel_loop3A_186 : i32 to index
        %parallel_loop3A_192 = arith.index_cast %parallel_loop3A_190 : i32 to index
        %parallel_loop3A_193 = tpu.vector_load %arg7[%parallel_loop3A_191, %parallel_loop3A_192] {strides = array<i32>} : memref<32x512xf32, #tpu.memory_space<vmem>>, vector<16xf32>,
        %parallel_loop3A_194 = arith.constant 4.096000e+03 : f32
        %parallel_loop3A_195 = vector.broadcast %parallel_loop3A_194 : f32 to vector<16xf32>
        %parallel_loop3A_196 = arith.mulf %parallel_loop3A_193, %parallel_loop3A_195 : vector<16xf32>
        %parallel_loop3A_197 = arith.fptosi %parallel_loop3A_196 : vector<16xf32> to vector<16xi32>
        %parallel_loop3A_198 = arith.constant 4080 : i32
        %parallel_loop3A_199 = vector.broadcast %parallel_loop3A_198 : i32 to vector<16xi32>
        %parallel_loop3A_200 = arith.andi %parallel_loop3A_197, %parallel_loop3A_199 : vector<16xi32>
        %parallel_loop3A_201 = arith.ori %parallel_loop3A_200, %iota3A : vector<16xi32>
        tpu.vector_store_idx %arg9[%parallel_loop3A_201], %broadcast_in_dim3A_3 {add = true} : memref<8192xf32, #tpu.memory_space<vmem>>[vector<16xi32>], vector<16xf32>,
      } {sc.loop_unroll_factor = 8 : i64, sc.parallel_access}
      %mul3A_149 = arith.constant 4 : i32
      %mul3A_150 = arith.muli %scan3A_99, %mul3A_149 : i32
      %add3A_151 = arith.constant 0 : i32
      %add3A_152 = arith.addi %add3A_151, %mul3A_150 : i32
      %add3A_153 = arith.constant 2 : i32
      %add3A_154 = arith.addi %add3A_152, %add3A_153 : i32
      %add3A_155 = arith.constant 4 : i32
      %add3A_156 = arith.addi %add3A_154, %add3A_155 : i32
      %lt3A_157 = arith.constant 48 : i32
      %lt3A_158 = arith.cmpi slt, %add3A_156, %lt3A_157 : i32
      %convert_element_type3A_159 = arith.extui %lt3A_158 : i1 to i32
      %cond3A_160 = arith.constant 0 : i32
      %cond3A_161 = arith.cmpi ne, %convert_element_type3A_159, %cond3A_160 : i32
      scf.if %cond3A_161 {
        %mul3A_184 = arith.constant 4 : i32
        %mul3A_185 = arith.muli %scan3A_99, %mul3A_184 : i32
        %add3A_186 = arith.constant 2 : i32
        %add3A_187 = arith.addi %mul3A_185, %add3A_186 : i32
        %add3A_188 = arith.constant 4 : i32
        %add3A_189 = arith.addi %add3A_187, %add3A_188 : i32
        %jit3A = arith.constant 16 : i32
        %div3A = arith.divsi %add3A_189, %jit3A : i32
        %sign3A = arith.constant 0 : i32
        %sign3A_190 = arith.cmpi sgt, %add3A_189, %sign3A : i32
        %sign3A_191 = arith.extui %sign3A_190 : i1 to i32
        %sign3A_192 = arith.constant 0 : i32
        %sign3A_193 = arith.cmpi slt, %add3A_189, %sign3A_192 : i32
        %sign3A_194 = arith.extui %sign3A_193 : i1 to i32
        %sign3A_195 = arith.subi %sign3A_191, %sign3A_194 : i32
        %sign3A_196 = arith.constant 0 : i32
        %sign3A_197 = arith.cmpi sgt, %jit3A, %sign3A_196 : i32
        %sign3A_198 = arith.extui %sign3A_197 : i1 to i32
        %sign3A_199 = arith.constant 0 : i32
        %sign3A_200 = arith.cmpi slt, %jit3A, %sign3A_199 : i32
        %sign3A_201 = arith.extui %sign3A_200 : i1 to i32
        %sign3A_202 = arith.subi %sign3A_198, %sign3A_201 : i32
        %ne3A = arith.cmpi ne, %sign3A_195, %sign3A_202 : i32
        %rem3A = arith.remsi %add3A_189, %jit3A : i32
        %ne3A_203 = arith.constant 0 : i32
        %ne3A_204 = arith.cmpi ne, %rem3A, %ne3A_203 : i32
        %and3A = arith.andi %ne3A, %ne3A_204 : i1
        %sub3A = arith.constant 1 : i32
        %sub3A_205 = arith.subi %div3A, %sub3A : i32
        %select_n3A = arith.select %and3A, %sub3A_205, %div3A : i32
        %add3A_206 = arith.constant 0 : i32
        %add3A_207 = arith.addi %add3A_206, %select_n3A : i32
        %rem3A_208 = arith.constant 16 : i32
        %rem3A_209 = arith.remsi %add3A_189, %rem3A_208 : i32
        %add3A_210 = arith.addi %mul3A_7, %add3A_207 : i32
        %mul3A_211 = arith.constant 256 : i32
        %mul3A_212 = arith.muli %add3A_210, %mul3A_211 : i32
        %jit3A_213 = arith.constant 2 : i32
        %div3A_214 = arith.divsi %rem3A_209, %jit3A_213 : i32
        %sign3A_215 = arith.constant 0 : i32
        %sign3A_216 = arith.cmpi sgt, %rem3A_209, %sign3A_215 : i32
        %sign3A_217 = arith.extui %sign3A_216 : i1 to i32
        %sign3A_218 = arith.constant 0 : i32
        %sign3A_219 = arith.cmpi slt, %rem3A_209, %sign3A_218 : i32
        %sign3A_220 = arith.extui %sign3A_219 : i1 to i32
        %sign3A_221 = arith.subi %sign3A_217, %sign3A_220 : i32
        %sign3A_222 = arith.constant 0 : i32
        %sign3A_223 = arith.cmpi sgt, %jit3A_213, %sign3A_222 : i32
        %sign3A_224 = arith.extui %sign3A_223 : i1 to i32
        %sign3A_225 = arith.constant 0 : i32
        %sign3A_226 = arith.cmpi slt, %jit3A_213, %sign3A_225 : i32
        %sign3A_227 = arith.extui %sign3A_226 : i1 to i32
        %sign3A_228 = arith.subi %sign3A_224, %sign3A_227 : i32
        %ne3A_229 = arith.cmpi ne, %sign3A_221, %sign3A_228 : i32
        %rem3A_230 = arith.remsi %rem3A_209, %jit3A_213 : i32
        %ne3A_231 = arith.constant 0 : i32
        %ne3A_232 = arith.cmpi ne, %rem3A_230, %ne3A_231 : i32
        %and3A_233 = arith.andi %ne3A_229, %ne3A_232 : i1
        %sub3A_234 = arith.constant 1 : i32
        %sub3A_235 = arith.subi %div3A_214, %sub3A_234 : i32
        %select_n3A_236 = arith.select %and3A_233, %sub3A_235, %div3A_214 : i32
        %mul3A_237 = arith.constant 32 : i32
        %mul3A_238 = arith.muli %select_n3A_236, %mul3A_237 : i32
        %add3A_239 = arith.addi %mul3A_212, %mul3A_238 : i32
        %dma_start3A_240 = arith.constant 0 : i32
        %dma_start3A_241 = tpu.memref_slice %arg2[%add3A_239, %dma_start3A_240] : memref<24576x512xf32, #tpu.memory_space<hbm>> -> memref<32x512xf32, #tpu.memory_space<hbm>>
        %dma_start3A_242 = arith.constant 0 : i32
        %dma_start3A_243 = tpu.memref_slice %arg2[%add3A_239, %dma_start3A_242] : memref<24576x512xf32, #tpu.memory_space<hbm>> -> memref<32x512xf32, #tpu.memory_space<hbm>>
        tpu.enqueue_dma source(%dma_start3A_243 : memref<32x512xf32, #tpu.memory_space<hbm>>) target(%arg7 : memref<32x512xf32, #tpu.memory_space<vmem>>) target_semaphore(%arg13 : memref<!tpu.dma_semaphore, #tpu.memory_space<semaphore_mem>>)
      } else {
      }
      %dma_wait3A_162 = arith.constant 0 : i32
      %dma_wait3A_163 = arith.constant 0 : i32
      %dma_wait3A_164 = tpu.memref_slice %arg2[%dma_wait3A_162, %dma_wait3A_163] : memref<24576x512xf32, #tpu.memory_space<hbm>> -> memref<32x512xf32, #tpu.memory_space<hbm>>
      %dma_wait3A_165 = arith.constant 0 : i32
      %dma_wait3A_166 = arith.constant 0 : i32
      %dma_wait3A_167 = tpu.memref_slice %arg2[%dma_wait3A_165, %dma_wait3A_166] : memref<24576x512xf32, #tpu.memory_space<hbm>> -> memref<32x512xf32, #tpu.memory_space<hbm>>
      tpu.wait_dma2 semaphore(%arg14 : memref<!tpu.dma_semaphore, #tpu.memory_space<semaphore_mem>>) src(%dma_wait3A_167 : memref<32x512xf32, #tpu.memory_space<hbm>>) dst(%arg8 : memref<32x512xf32, #tpu.memory_space<vmem>>)
      %parallel_loop3A_168 = arith.constant 0 : i32
      %parallel_loop3A_169 = arith.constant 1024 : i32
      %parallel_loop3A_170 = arith.constant 1 : i32
      scf.for %parallel_loop3A_184 = %parallel_loop3A_168 to %parallel_loop3A_169 step %parallel_loop3A_170  : i32 {
        %parallel_loop3A_185 = arith.constant 5 : i32
        %parallel_loop3A_186 = arith.shrsi %parallel_loop3A_184, %parallel_loop3A_185 : i32
        %parallel_loop3A_187 = arith.constant 31 : i32
        %parallel_loop3A_188 = arith.andi %parallel_loop3A_184, %parallel_loop3A_187 : i32
        %parallel_loop3A_189 = arith.constant 16 : i32
        %parallel_loop3A_190 = arith.muli %parallel_loop3A_188, %parallel_loop3A_189 : i32
        %parallel_loop3A_191 = arith.index_cast %parallel_loop3A_186 : i32 to index
        %parallel_loop3A_192 = arith.index_cast %parallel_loop3A_190 : i32 to index
        %parallel_loop3A_193 = tpu.vector_load %arg8[%parallel_loop3A_191, %parallel_loop3A_192] {strides = array<i32>} : memref<32x512xf32, #tpu.memory_space<vmem>>, vector<16xf32>,
        %parallel_loop3A_194 = arith.constant 4.096000e+03 : f32
        %parallel_loop3A_195 = vector.broadcast %parallel_loop3A_194 : f32 to vector<16xf32>
        %parallel_loop3A_196 = arith.mulf %parallel_loop3A_193, %parallel_loop3A_195 : vector<16xf32>
        %parallel_loop3A_197 = arith.fptosi %parallel_loop3A_196 : vector<16xf32> to vector<16xi32>
        %parallel_loop3A_198 = arith.constant 4080 : i32
        %parallel_loop3A_199 = vector.broadcast %parallel_loop3A_198 : i32 to vector<16xi32>
        %parallel_loop3A_200 = arith.andi %parallel_loop3A_197, %parallel_loop3A_199 : vector<16xi32>
        %parallel_loop3A_201 = arith.ori %parallel_loop3A_200, %or3A_2 : vector<16xi32>
        tpu.vector_store_idx %arg9[%parallel_loop3A_201], %broadcast_in_dim3A_3 {add = true} : memref<8192xf32, #tpu.memory_space<vmem>>[vector<16xi32>], vector<16xf32>,
      } {sc.loop_unroll_factor = 8 : i64, sc.parallel_access}
      %mul3A_171 = arith.constant 4 : i32
      %mul3A_172 = arith.muli %scan3A_99, %mul3A_171 : i32
      %add3A_173 = arith.constant 0 : i32
      %add3A_174 = arith.addi %add3A_173, %mul3A_172 : i32
      %add3A_175 = arith.constant 3 : i32
      %add3A_176 = arith.addi %add3A_174, %add3A_175 : i32
      %add3A_177 = arith.constant 4 : i32
      %add3A_178 = arith.addi %add3A_176, %add3A_177 : i32
      %lt3A_179 = arith.constant 48 : i32
      %lt3A_180 = arith.cmpi slt, %add3A_178, %lt3A_179 : i32
      %convert_element_type3A_181 = arith.extui %lt3A_180 : i1 to i32
      %cond3A_182 = arith.constant 0 : i32
      %cond3A_183 = arith.cmpi ne, %convert_element_type3A_181, %cond3A_182 : i32
      scf.if %cond3A_183 {
        %mul3A_184 = arith.constant 4 : i32
        %mul3A_185 = arith.muli %scan3A_99, %mul3A_184 : i32
        %add3A_186 = arith.constant 3 : i32
        %add3A_187 = arith.addi %mul3A_185, %add3A_186 : i32
        %add3A_188 = arith.constant 4 : i32
        %add3A_189 = arith.addi %add3A_187, %add3A_188 : i32
        %jit3A = arith.constant 16 : i32
        %div3A = arith.divsi %add3A_189, %jit3A : i32
        %sign3A = arith.constant 0 : i32
        %sign3A_190 = arith.cmpi sgt, %add3A_189, %sign3A : i32
        %sign3A_191 = arith.extui %sign3A_190 : i1 to i32
        %sign3A_192 = arith.constant 0 : i32
        %sign3A_193 = arith.cmpi slt, %add3A_189, %sign3A_192 : i32
        %sign3A_194 = arith.extui %sign3A_193 : i1 to i32
        %sign3A_195 = arith.subi %sign3A_191, %sign3A_194 : i32
        %sign3A_196 = arith.constant 0 : i32
        %sign3A_197 = arith.cmpi sgt, %jit3A, %sign3A_196 : i32
        %sign3A_198 = arith.extui %sign3A_197 : i1 to i32
        %sign3A_199 = arith.constant 0 : i32
        %sign3A_200 = arith.cmpi slt, %jit3A, %sign3A_199 : i32
        %sign3A_201 = arith.extui %sign3A_200 : i1 to i32
        %sign3A_202 = arith.subi %sign3A_198, %sign3A_201 : i32
        %ne3A = arith.cmpi ne, %sign3A_195, %sign3A_202 : i32
        %rem3A = arith.remsi %add3A_189, %jit3A : i32
        %ne3A_203 = arith.constant 0 : i32
        %ne3A_204 = arith.cmpi ne, %rem3A, %ne3A_203 : i32
        %and3A = arith.andi %ne3A, %ne3A_204 : i1
        %sub3A = arith.constant 1 : i32
        %sub3A_205 = arith.subi %div3A, %sub3A : i32
        %select_n3A = arith.select %and3A, %sub3A_205, %div3A : i32
        %add3A_206 = arith.constant 0 : i32
        %add3A_207 = arith.addi %add3A_206, %select_n3A : i32
        %rem3A_208 = arith.constant 16 : i32
        %rem3A_209 = arith.remsi %add3A_189, %rem3A_208 : i32
        %add3A_210 = arith.addi %mul3A_7, %add3A_207 : i32
        %mul3A_211 = arith.constant 256 : i32
        %mul3A_212 = arith.muli %add3A_210, %mul3A_211 : i32
        %jit3A_213 = arith.constant 2 : i32
        %div3A_214 = arith.divsi %rem3A_209, %jit3A_213 : i32
        %sign3A_215 = arith.constant 0 : i32
        %sign3A_216 = arith.cmpi sgt, %rem3A_209, %sign3A_215 : i32
        %sign3A_217 = arith.extui %sign3A_216 : i1 to i32
        %sign3A_218 = arith.constant 0 : i32
        %sign3A_219 = arith.cmpi slt, %rem3A_209, %sign3A_218 : i32
        %sign3A_220 = arith.extui %sign3A_219 : i1 to i32
        %sign3A_221 = arith.subi %sign3A_217, %sign3A_220 : i32
        %sign3A_222 = arith.constant 0 : i32
        %sign3A_223 = arith.cmpi sgt, %jit3A_213, %sign3A_222 : i32
        %sign3A_224 = arith.extui %sign3A_223 : i1 to i32
        %sign3A_225 = arith.constant 0 : i32
        %sign3A_226 = arith.cmpi slt, %jit3A_213, %sign3A_225 : i32
        %sign3A_227 = arith.extui %sign3A_226 : i1 to i32
        %sign3A_228 = arith.subi %sign3A_224, %sign3A_227 : i32
        %ne3A_229 = arith.cmpi ne, %sign3A_221, %sign3A_228 : i32
        %rem3A_230 = arith.remsi %rem3A_209, %jit3A_213 : i32
        %ne3A_231 = arith.constant 0 : i32
        %ne3A_232 = arith.cmpi ne, %rem3A_230, %ne3A_231 : i32
        %and3A_233 = arith.andi %ne3A_229, %ne3A_232 : i1
        %sub3A_234 = arith.constant 1 : i32
        %sub3A_235 = arith.subi %div3A_214, %sub3A_234 : i32
        %select_n3A_236 = arith.select %and3A_233, %sub3A_235, %div3A_214 : i32
        %mul3A_237 = arith.constant 32 : i32
        %mul3A_238 = arith.muli %select_n3A_236, %mul3A_237 : i32
        %add3A_239 = arith.addi %mul3A_212, %mul3A_238 : i32
        %dma_start3A_240 = arith.constant 0 : i32
        %dma_start3A_241 = tpu.memref_slice %arg3[%add3A_239, %dma_start3A_240] : memref<24576x512xf32, #tpu.memory_space<hbm>> -> memref<32x512xf32, #tpu.memory_space<hbm>>
        %dma_start3A_242 = arith.constant 0 : i32
        %dma_start3A_243 = tpu.memref_slice %arg3[%add3A_239, %dma_start3A_242] : memref<24576x512xf32, #tpu.memory_space<hbm>> -> memref<32x512xf32, #tpu.memory_space<hbm>>
        tpu.enqueue_dma source(%dma_start3A_243 : memref<32x512xf32, #tpu.memory_space<hbm>>) target(%arg8 : memref<32x512xf32, #tpu.memory_space<vmem>>) target_semaphore(%arg14 : memref<!tpu.dma_semaphore, #tpu.memory_space<semaphore_mem>>)
      } else {
      }
    }
    %scan3A_53 = arith.constant 4 : i32
    %parallel_loop3A_54 = arith.constant 0 : i32
    %parallel_loop3A_55 = arith.constant 512 : i32
    %parallel_loop3A_56 = arith.constant 1 : i32
    scf.for %parallel_loop3A_99 = %parallel_loop3A_54 to %parallel_loop3A_55 step %parallel_loop3A_56  : i32 {
      %parallel_loop3A_100 = arith.constant 16 : i32
      %parallel_loop3A_101 = arith.muli %parallel_loop3A_99, %parallel_loop3A_100 : i32
      %parallel_loop3A_102 = arith.index_cast %parallel_loop3A_101 : i32 to index
      %parallel_loop3A_103 = tpu.vector_load %arg9[%parallel_loop3A_102] {strides = array<i32>} : memref<8192xf32, #tpu.memory_space<vmem>>, vector<16xf32>,
      %parallel_loop3A_104 = arith.constant true
      %parallel_loop3A_105 = vector.broadcast %parallel_loop3A_104 : i1 to vector<16xi1>
      %parallel_loop3A_106 = tpu.scan <sum>, %parallel_loop3A_103 masked %parallel_loop3A_105 : vector<16xf32>, vector<16xi1> -> vector<16xf32>
      %parallel_loop3A_107 = vector.extract %parallel_loop3A_106[15] : f32 from vector<16xf32>
      %parallel_loop3A_108 = vector.broadcast %parallel_loop3A_99 : i32 to vector<16xi32>
      %parallel_loop3A_109 = vector.broadcast %parallel_loop3A_107 : f32 to vector<16xf32>
      %parallel_loop3A_110 = arith.constant 0 : i32
      %parallel_loop3A_111 = vector.broadcast %parallel_loop3A_110 : i32 to vector<16xi32>
      %parallel_loop3A_112 = arith.cmpi eq, %iota3A, %parallel_loop3A_111 : vector<16xi32>
      tpu.vector_store_idx %arg10[%parallel_loop3A_108], %parallel_loop3A_109 masked %parallel_loop3A_112 : memref<512xf32, #tpu.memory_space<vmem>>[vector<16xi32>], vector<16xf32>, vector<16xi1>
    } {sc.loop_unroll_factor = 4 : i64, sc.parallel_access}
    %add3A_57 = arith.constant 0 : i32
    %add3A_58 = arith.addi %mul3A_7, %add3A_57 : i32
    %mul3A_59 = arith.constant 2 : i32
    %mul3A_60 = arith.muli %add3A_58, %mul3A_59 : i32
    %mul3A_61 = arith.constant 256 : i32
    %mul3A_62 = arith.muli %mul3A_60, %mul3A_61 : i32
    "tpu.region"() ({
      %run_scoped3A = tpu.sem_alloc : memref<!tpu.dma_semaphore, #tpu.memory_space<semaphore_mem>>
      %dma_start3A_99 = tpu.memref_slice %arg4[%mul3A_62] : memref<49152xf32, #tpu.memory_space<hbm>> -> memref<512xf32, #tpu.memory_space<hbm>>
      %dma_start3A_100 = tpu.memref_slice %arg4[%mul3A_62] : memref<49152xf32, #tpu.memory_space<hbm>> -> memref<512xf32, #tpu.memory_space<hbm>>
      tpu.enqueue_dma source(%arg10 : memref<512xf32, #tpu.memory_space<vmem>>) target(%dma_start3A_100 : memref<512xf32, #tpu.memory_space<hbm>>) target_semaphore(%run_scoped3A : memref<!tpu.dma_semaphore, #tpu.memory_space<semaphore_mem>>)
      %dma_wait3A = tpu.memref_slice %arg4[%mul3A_62] : memref<49152xf32, #tpu.memory_space<hbm>> -> memref<512xf32, #tpu.memory_space<hbm>>
      %dma_wait3A_101 = tpu.memref_slice %arg4[%mul3A_62] : memref<49152xf32, #tpu.memory_space<hbm>> -> memref<512xf32, #tpu.memory_space<hbm>>
      tpu.wait_dma2 semaphore(%run_scoped3A : memref<!tpu.dma_semaphore, #tpu.memory_space<semaphore_mem>>) src(%arg10 : memref<512xf32, #tpu.memory_space<vmem>>) dst(%dma_wait3A_101 : memref<512xf32, #tpu.memory_space<hbm>>)
      tpu.yield
    }) : () -> ()
    %parallel_loop3A_63 = arith.constant 0 : i32
    %parallel_loop3A_64 = arith.constant 512 : i32
    %parallel_loop3A_65 = arith.constant 1 : i32
    scf.for %parallel_loop3A_99 = %parallel_loop3A_63 to %parallel_loop3A_64 step %parallel_loop3A_65  : i32 {
      %parallel_loop3A_100 = arith.constant 16 : i32
      %parallel_loop3A_101 = arith.muli %parallel_loop3A_99, %parallel_loop3A_100 : i32
      %parallel_loop3A_102 = arith.index_cast %parallel_loop3A_101 : i32 to index
      %parallel_loop3A_103 = tpu.vector_load %arg9[%parallel_loop3A_102] {strides = array<i32>} : memref<8192xf32, #tpu.memory_space<vmem>>, vector<16xf32>,
      tpu.vector_store %arg9[%parallel_loop3A_102], %broadcast_in_dim3A_5 {strides = array<i32>} : memref<8192xf32, #tpu.memory_space<vmem>>, vector<16xf32>,
    } {sc.loop_unroll_factor = 8 : i64, sc.parallel_access}
    %scan3A_66 = arith.constant 0 : i32
    %scan3A_67 = arith.constant 0 : i32
    %scan3A_68 = arith.constant 4 : i32
    %scan3A_69 = arith.addi %scan3A_67, %scan3A_68 : i32
    %scan3A_70 = arith.constant 1 : i32
    scf.for %scan3A_99 = %scan3A_67 to %scan3A_69 step %scan3A_70  : i32 {
      %dma_wait3A = arith.constant 0 : i32
      %dma_wait3A_100 = arith.constant 0 : i32
      %dma_wait3A_101 = tpu.memref_slice %arg2[%dma_wait3A, %dma_wait3A_100] : memref<24576x512xf32, #tpu.memory_space<hbm>> -> memref<32x512xf32, #tpu.memory_space<hbm>>
      %dma_wait3A_102 = arith.constant 0 : i32
      %dma_wait3A_103 = arith.constant 0 : i32
      %dma_wait3A_104 = tpu.memref_slice %arg2[%dma_wait3A_102, %dma_wait3A_103] : memref<24576x512xf32, #tpu.memory_space<hbm>> -> memref<32x512xf32, #tpu.memory_space<hbm>>
      tpu.wait_dma2 semaphore(%arg11 : memref<!tpu.dma_semaphore, #tpu.memory_space<semaphore_mem>>) src(%dma_wait3A_104 : memref<32x512xf32, #tpu.memory_space<hbm>>) dst(%arg5 : memref<32x512xf32, #tpu.memory_space<vmem>>)
      %parallel_loop3A_105 = arith.constant 0 : i32
      %parallel_loop3A_106 = arith.constant 1024 : i32
      %parallel_loop3A_107 = arith.constant 1 : i32
      scf.for %parallel_loop3A_184 = %parallel_loop3A_105 to %parallel_loop3A_106 step %parallel_loop3A_107  : i32 {
        %parallel_loop3A_185 = arith.constant 5 : i32
        %parallel_loop3A_186 = arith.shrsi %parallel_loop3A_184, %parallel_loop3A_185 : i32
        %parallel_loop3A_187 = arith.constant 31 : i32
        %parallel_loop3A_188 = arith.andi %parallel_loop3A_184, %parallel_loop3A_187 : i32
        %parallel_loop3A_189 = arith.constant 16 : i32
        %parallel_loop3A_190 = arith.muli %parallel_loop3A_188, %parallel_loop3A_189 : i32
        %parallel_loop3A_191 = arith.index_cast %parallel_loop3A_186 : i32 to index
        %parallel_loop3A_192 = arith.index_cast %parallel_loop3A_190 : i32 to index
        %parallel_loop3A_193 = tpu.vector_load %arg5[%parallel_loop3A_191, %parallel_loop3A_192] {strides = array<i32>} : memref<32x512xf32, #tpu.memory_space<vmem>>, vector<16xf32>,
        %parallel_loop3A_194 = arith.constant 4.096000e+03 : f32
        %parallel_loop3A_195 = vector.broadcast %parallel_loop3A_194 : f32 to vector<16xf32>
        %parallel_loop3A_196 = arith.mulf %parallel_loop3A_193, %parallel_loop3A_195 : vector<16xf32>
        %parallel_loop3A_197 = arith.fptosi %parallel_loop3A_196 : vector<16xf32> to vector<16xi32>
        %parallel_loop3A_198 = arith.constant 4080 : i32
        %parallel_loop3A_199 = vector.broadcast %parallel_loop3A_198 : i32 to vector<16xi32>
        %parallel_loop3A_200 = arith.andi %parallel_loop3A_197, %parallel_loop3A_199 : vector<16xi32>
        %parallel_loop3A_201 = arith.ori %parallel_loop3A_200, %iota3A : vector<16xi32>
        tpu.vector_store_idx %arg9[%parallel_loop3A_201], %broadcast_in_dim3A_3 {add = true} : memref<8192xf32, #tpu.memory_space<vmem>>[vector<16xi32>], vector<16xf32>,
      } {sc.loop_unroll_factor = 8 : i64, sc.parallel_access}
      %mul3A_108 = arith.constant 4 : i32
      %mul3A_109 = arith.muli %scan3A_99, %mul3A_108 : i32
      %add3A_110 = arith.constant 16 : i32
      %add3A_111 = arith.addi %add3A_110, %mul3A_109 : i32
      %add3A_112 = arith.constant 0 : i32
      %add3A_113 = arith.addi %add3A_111, %add3A_112 : i32
      %add3A_114 = arith.constant 4 : i32
      %add3A_115 = arith.addi %add3A_113, %add3A_114 : i32
      %lt3A = arith.constant 48 : i32
      %lt3A_116 = arith.cmpi slt, %add3A_115, %lt3A : i32
      %convert_element_type3A = arith.extui %lt3A_116 : i1 to i32
      %cond3A = arith.constant 0 : i32
      %cond3A_117 = arith.cmpi ne, %convert_element_type3A, %cond3A : i32
      scf.if %cond3A_117 {
        %mul3A_184 = arith.constant 4 : i32
        %mul3A_185 = arith.muli %scan3A_99, %mul3A_184 : i32
        %add3A_186 = arith.constant 0 : i32
        %add3A_187 = arith.addi %mul3A_185, %add3A_186 : i32
        %add3A_188 = arith.constant 4 : i32
        %add3A_189 = arith.addi %add3A_187, %add3A_188 : i32
        %jit3A = arith.constant 16 : i32
        %div3A = arith.divsi %add3A_189, %jit3A : i32
        %sign3A = arith.constant 0 : i32
        %sign3A_190 = arith.cmpi sgt, %add3A_189, %sign3A : i32
        %sign3A_191 = arith.extui %sign3A_190 : i1 to i32
        %sign3A_192 = arith.constant 0 : i32
        %sign3A_193 = arith.cmpi slt, %add3A_189, %sign3A_192 : i32
        %sign3A_194 = arith.extui %sign3A_193 : i1 to i32
        %sign3A_195 = arith.subi %sign3A_191, %sign3A_194 : i32
        %sign3A_196 = arith.constant 0 : i32
        %sign3A_197 = arith.cmpi sgt, %jit3A, %sign3A_196 : i32
        %sign3A_198 = arith.extui %sign3A_197 : i1 to i32
        %sign3A_199 = arith.constant 0 : i32
        %sign3A_200 = arith.cmpi slt, %jit3A, %sign3A_199 : i32
        %sign3A_201 = arith.extui %sign3A_200 : i1 to i32
        %sign3A_202 = arith.subi %sign3A_198, %sign3A_201 : i32
        %ne3A = arith.cmpi ne, %sign3A_195, %sign3A_202 : i32
        %rem3A = arith.remsi %add3A_189, %jit3A : i32
        %ne3A_203 = arith.constant 0 : i32
        %ne3A_204 = arith.cmpi ne, %rem3A, %ne3A_203 : i32
        %and3A = arith.andi %ne3A, %ne3A_204 : i1
        %sub3A = arith.constant 1 : i32
        %sub3A_205 = arith.subi %div3A, %sub3A : i32
        %select_n3A = arith.select %and3A, %sub3A_205, %div3A : i32
        %add3A_206 = arith.constant 1 : i32
        %add3A_207 = arith.addi %add3A_206, %select_n3A : i32
        %rem3A_208 = arith.constant 16 : i32
        %rem3A_209 = arith.remsi %add3A_189, %rem3A_208 : i32
        %add3A_210 = arith.addi %mul3A_7, %add3A_207 : i32
        %mul3A_211 = arith.constant 256 : i32
        %mul3A_212 = arith.muli %add3A_210, %mul3A_211 : i32
        %jit3A_213 = arith.constant 2 : i32
        %div3A_214 = arith.divsi %rem3A_209, %jit3A_213 : i32
        %sign3A_215 = arith.constant 0 : i32
        %sign3A_216 = arith.cmpi sgt, %rem3A_209, %sign3A_215 : i32
        %sign3A_217 = arith.extui %sign3A_216 : i1 to i32
        %sign3A_218 = arith.constant 0 : i32
        %sign3A_219 = arith.cmpi slt, %rem3A_209, %sign3A_218 : i32
        %sign3A_220 = arith.extui %sign3A_219 : i1 to i32
        %sign3A_221 = arith.subi %sign3A_217, %sign3A_220 : i32
        %sign3A_222 = arith.constant 0 : i32
        %sign3A_223 = arith.cmpi sgt, %jit3A_213, %sign3A_222 : i32
        %sign3A_224 = arith.extui %sign3A_223 : i1 to i32
        %sign3A_225 = arith.constant 0 : i32
        %sign3A_226 = arith.cmpi slt, %jit3A_213, %sign3A_225 : i32
        %sign3A_227 = arith.extui %sign3A_226 : i1 to i32
        %sign3A_228 = arith.subi %sign3A_224, %sign3A_227 : i32
        %ne3A_229 = arith.cmpi ne, %sign3A_221, %sign3A_228 : i32
        %rem3A_230 = arith.remsi %rem3A_209, %jit3A_213 : i32
        %ne3A_231 = arith.constant 0 : i32
        %ne3A_232 = arith.cmpi ne, %rem3A_230, %ne3A_231 : i32
        %and3A_233 = arith.andi %ne3A_229, %ne3A_232 : i1
        %sub3A_234 = arith.constant 1 : i32
        %sub3A_235 = arith.subi %div3A_214, %sub3A_234 : i32
        %select_n3A_236 = arith.select %and3A_233, %sub3A_235, %div3A_214 : i32
        %mul3A_237 = arith.constant 32 : i32
        %mul3A_238 = arith.muli %select_n3A_236, %mul3A_237 : i32
        %add3A_239 = arith.addi %mul3A_212, %mul3A_238 : i32
        %dma_start3A_240 = arith.constant 0 : i32
        %dma_start3A_241 = tpu.memref_slice %arg2[%add3A_239, %dma_start3A_240] : memref<24576x512xf32, #tpu.memory_space<hbm>> -> memref<32x512xf32, #tpu.memory_space<hbm>>
        %dma_start3A_242 = arith.constant 0 : i32
        %dma_start3A_243 = tpu.memref_slice %arg2[%add3A_239, %dma_start3A_242] : memref<24576x512xf32, #tpu.memory_space<hbm>> -> memref<32x512xf32, #tpu.memory_space<hbm>>
        tpu.enqueue_dma source(%dma_start3A_243 : memref<32x512xf32, #tpu.memory_space<hbm>>) target(%arg5 : memref<32x512xf32, #tpu.memory_space<vmem>>) target_semaphore(%arg11 : memref<!tpu.dma_semaphore, #tpu.memory_space<semaphore_mem>>)
      } else {
      }
      %dma_wait3A_118 = arith.constant 0 : i32
      %dma_wait3A_119 = arith.constant 0 : i32
      %dma_wait3A_120 = tpu.memref_slice %arg2[%dma_wait3A_118, %dma_wait3A_119] : memref<24576x512xf32, #tpu.memory_space<hbm>> -> memref<32x512xf32, #tpu.memory_space<hbm>>
      %dma_wait3A_121 = arith.constant 0 : i32
      %dma_wait3A_122 = arith.constant 0 : i32
      %dma_wait3A_123 = tpu.memref_slice %arg2[%dma_wait3A_121, %dma_wait3A_122] : memref<24576x512xf32, #tpu.memory_space<hbm>> -> memref<32x512xf32, #tpu.memory_space<hbm>>
      tpu.wait_dma2 semaphore(%arg12 : memref<!tpu.dma_semaphore, #tpu.memory_space<semaphore_mem>>) src(%dma_wait3A_123 : memref<32x512xf32, #tpu.memory_space<hbm>>) dst(%arg6 : memref<32x512xf32, #tpu.memory_space<vmem>>)
      %parallel_loop3A_124 = arith.constant 0 : i32
      %parallel_loop3A_125 = arith.constant 1024 : i32
      %parallel_loop3A_126 = arith.constant 1 : i32
      scf.for %parallel_loop3A_184 = %parallel_loop3A_124 to %parallel_loop3A_125 step %parallel_loop3A_126  : i32 {
        %parallel_loop3A_185 = arith.constant 5 : i32
        %parallel_loop3A_186 = arith.shrsi %parallel_loop3A_184, %parallel_loop3A_185 : i32
        %parallel_loop3A_187 = arith.constant 31 : i32
        %parallel_loop3A_188 = arith.andi %parallel_loop3A_184, %parallel_loop3A_187 : i32
        %parallel_loop3A_189 = arith.constant 16 : i32
        %parallel_loop3A_190 = arith.muli %parallel_loop3A_188, %parallel_loop3A_189 : i32
        %parallel_loop3A_191 = arith.index_cast %parallel_loop3A_186 : i32 to index
        %parallel_loop3A_192 = arith.index_cast %parallel_loop3A_190 : i32 to index
        %parallel_loop3A_193 = tpu.vector_load %arg6[%parallel_loop3A_191, %parallel_loop3A_192] {strides = array<i32>} : memref<32x512xf32, #tpu.memory_space<vmem>>, vector<16xf32>,
        %parallel_loop3A_194 = arith.constant 4.096000e+03 : f32
        %parallel_loop3A_195 = vector.broadcast %parallel_loop3A_194 : f32 to vector<16xf32>
        %parallel_loop3A_196 = arith.mulf %parallel_loop3A_193, %parallel_loop3A_195 : vector<16xf32>
        %parallel_loop3A_197 = arith.fptosi %parallel_loop3A_196 : vector<16xf32> to vector<16xi32>
        %parallel_loop3A_198 = arith.constant 4080 : i32
        %parallel_loop3A_199 = vector.broadcast %parallel_loop3A_198 : i32 to vector<16xi32>
        %parallel_loop3A_200 = arith.andi %parallel_loop3A_197, %parallel_loop3A_199 : vector<16xi32>
        %parallel_loop3A_201 = arith.ori %parallel_loop3A_200, %or3A_2 : vector<16xi32>
        tpu.vector_store_idx %arg9[%parallel_loop3A_201], %broadcast_in_dim3A_3 {add = true} : memref<8192xf32, #tpu.memory_space<vmem>>[vector<16xi32>], vector<16xf32>,
      } {sc.loop_unroll_factor = 8 : i64, sc.parallel_access}
      %mul3A_127 = arith.constant 4 : i32
      %mul3A_128 = arith.muli %scan3A_99, %mul3A_127 : i32
      %add3A_129 = arith.constant 16 : i32
      %add3A_130 = arith.addi %add3A_129, %mul3A_128 : i32
      %add3A_131 = arith.constant 1 : i32
      %add3A_132 = arith.addi %add3A_130, %add3A_131 : i32
      %add3A_133 = arith.constant 4 : i32
      %add3A_134 = arith.addi %add3A_132, %add3A_133 : i32
      %lt3A_135 = arith.constant 48 : i32
      %lt3A_136 = arith.cmpi slt, %add3A_134, %lt3A_135 : i32
      %convert_element_type3A_137 = arith.extui %lt3A_136 : i1 to i32
      %cond3A_138 = arith.constant 0 : i32
      %cond3A_139 = arith.cmpi ne, %convert_element_type3A_137, %cond3A_138 : i32
      scf.if %cond3A_139 {
        %mul3A_184 = arith.constant 4 : i32
        %mul3A_185 = arith.muli %scan3A_99, %mul3A_184 : i32
        %add3A_186 = arith.constant 1 : i32
        %add3A_187 = arith.addi %mul3A_185, %add3A_186 : i32
        %add3A_188 = arith.constant 4 : i32
        %add3A_189 = arith.addi %add3A_187, %add3A_188 : i32
        %jit3A = arith.constant 16 : i32
        %div3A = arith.divsi %add3A_189, %jit3A : i32
        %sign3A = arith.constant 0 : i32
        %sign3A_190 = arith.cmpi sgt, %add3A_189, %sign3A : i32
        %sign3A_191 = arith.extui %sign3A_190 : i1 to i32
        %sign3A_192 = arith.constant 0 : i32
        %sign3A_193 = arith.cmpi slt, %add3A_189, %sign3A_192 : i32
        %sign3A_194 = arith.extui %sign3A_193 : i1 to i32
        %sign3A_195 = arith.subi %sign3A_191, %sign3A_194 : i32
        %sign3A_196 = arith.constant 0 : i32
        %sign3A_197 = arith.cmpi sgt, %jit3A, %sign3A_196 : i32
        %sign3A_198 = arith.extui %sign3A_197 : i1 to i32
        %sign3A_199 = arith.constant 0 : i32
        %sign3A_200 = arith.cmpi slt, %jit3A, %sign3A_199 : i32
        %sign3A_201 = arith.extui %sign3A_200 : i1 to i32
        %sign3A_202 = arith.subi %sign3A_198, %sign3A_201 : i32
        %ne3A = arith.cmpi ne, %sign3A_195, %sign3A_202 : i32
        %rem3A = arith.remsi %add3A_189, %jit3A : i32
        %ne3A_203 = arith.constant 0 : i32
        %ne3A_204 = arith.cmpi ne, %rem3A, %ne3A_203 : i32
        %and3A = arith.andi %ne3A, %ne3A_204 : i1
        %sub3A = arith.constant 1 : i32
        %sub3A_205 = arith.subi %div3A, %sub3A : i32
        %select_n3A = arith.select %and3A, %sub3A_205, %div3A : i32
        %add3A_206 = arith.constant 1 : i32
        %add3A_207 = arith.addi %add3A_206, %select_n3A : i32
        %rem3A_208 = arith.constant 16 : i32
        %rem3A_209 = arith.remsi %add3A_189, %rem3A_208 : i32
        %add3A_210 = arith.addi %mul3A_7, %add3A_207 : i32
        %mul3A_211 = arith.constant 256 : i32
        %mul3A_212 = arith.muli %add3A_210, %mul3A_211 : i32
        %jit3A_213 = arith.constant 2 : i32
        %div3A_214 = arith.divsi %rem3A_209, %jit3A_213 : i32
        %sign3A_215 = arith.constant 0 : i32
        %sign3A_216 = arith.cmpi sgt, %rem3A_209, %sign3A_215 : i32
        %sign3A_217 = arith.extui %sign3A_216 : i1 to i32
        %sign3A_218 = arith.constant 0 : i32
        %sign3A_219 = arith.cmpi slt, %rem3A_209, %sign3A_218 : i32
        %sign3A_220 = arith.extui %sign3A_219 : i1 to i32
        %sign3A_221 = arith.subi %sign3A_217, %sign3A_220 : i32
        %sign3A_222 = arith.constant 0 : i32
        %sign3A_223 = arith.cmpi sgt, %jit3A_213, %sign3A_222 : i32
        %sign3A_224 = arith.extui %sign3A_223 : i1 to i32
        %sign3A_225 = arith.constant 0 : i32
        %sign3A_226 = arith.cmpi slt, %jit3A_213, %sign3A_225 : i32
        %sign3A_227 = arith.extui %sign3A_226 : i1 to i32
        %sign3A_228 = arith.subi %sign3A_224, %sign3A_227 : i32
        %ne3A_229 = arith.cmpi ne, %sign3A_221, %sign3A_228 : i32
        %rem3A_230 = arith.remsi %rem3A_209, %jit3A_213 : i32
        %ne3A_231 = arith.constant 0 : i32
        %ne3A_232 = arith.cmpi ne, %rem3A_230, %ne3A_231 : i32
        %and3A_233 = arith.andi %ne3A_229, %ne3A_232 : i1
        %sub3A_234 = arith.constant 1 : i32
        %sub3A_235 = arith.subi %div3A_214, %sub3A_234 : i32
        %select_n3A_236 = arith.select %and3A_233, %sub3A_235, %div3A_214 : i32
        %mul3A_237 = arith.constant 32 : i32
        %mul3A_238 = arith.muli %select_n3A_236, %mul3A_237 : i32
        %add3A_239 = arith.addi %mul3A_212, %mul3A_238 : i32
        %dma_start3A_240 = arith.constant 0 : i32
        %dma_start3A_241 = tpu.memref_slice %arg3[%add3A_239, %dma_start3A_240] : memref<24576x512xf32, #tpu.memory_space<hbm>> -> memref<32x512xf32, #tpu.memory_space<hbm>>
        %dma_start3A_242 = arith.constant 0 : i32
        %dma_start3A_243 = tpu.memref_slice %arg3[%add3A_239, %dma_start3A_242] : memref<24576x512xf32, #tpu.memory_space<hbm>> -> memref<32x512xf32, #tpu.memory_space<hbm>>
        tpu.enqueue_dma source(%dma_start3A_243 : memref<32x512xf32, #tpu.memory_space<hbm>>) target(%arg6 : memref<32x512xf32, #tpu.memory_space<vmem>>) target_semaphore(%arg12 : memref<!tpu.dma_semaphore, #tpu.memory_space<semaphore_mem>>)
      } else {
      }
      %dma_wait3A_140 = arith.constant 0 : i32
      %dma_wait3A_141 = arith.constant 0 : i32
      %dma_wait3A_142 = tpu.memref_slice %arg2[%dma_wait3A_140, %dma_wait3A_141] : memref<24576x512xf32, #tpu.memory_space<hbm>> -> memref<32x512xf32, #tpu.memory_space<hbm>>
      %dma_wait3A_143 = arith.constant 0 : i32
      %dma_wait3A_144 = arith.constant 0 : i32
      %dma_wait3A_145 = tpu.memref_slice %arg2[%dma_wait3A_143, %dma_wait3A_144] : memref<24576x512xf32, #tpu.memory_space<hbm>> -> memref<32x512xf32, #tpu.memory_space<hbm>>
      tpu.wait_dma2 semaphore(%arg13 : memref<!tpu.dma_semaphore, #tpu.memory_space<semaphore_mem>>) src(%dma_wait3A_145 : memref<32x512xf32, #tpu.memory_space<hbm>>) dst(%arg7 : memref<32x512xf32, #tpu.memory_space<vmem>>)
      %parallel_loop3A_146 = arith.constant 0 : i32
      %parallel_loop3A_147 = arith.constant 1024 : i32
      %parallel_loop3A_148 = arith.constant 1 : i32
      scf.for %parallel_loop3A_184 = %parallel_loop3A_146 to %parallel_loop3A_147 step %parallel_loop3A_148  : i32 {
        %parallel_loop3A_185 = arith.constant 5 : i32
        %parallel_loop3A_186 = arith.shrsi %parallel_loop3A_184, %parallel_loop3A_185 : i32
        %parallel_loop3A_187 = arith.constant 31 : i32
        %parallel_loop3A_188 = arith.andi %parallel_loop3A_184, %parallel_loop3A_187 : i32
        %parallel_loop3A_189 = arith.constant 16 : i32
        %parallel_loop3A_190 = arith.muli %parallel_loop3A_188, %parallel_loop3A_189 : i32
        %parallel_loop3A_191 = arith.index_cast %parallel_loop3A_186 : i32 to index
        %parallel_loop3A_192 = arith.index_cast %parallel_loop3A_190 : i32 to index
        %parallel_loop3A_193 = tpu.vector_load %arg7[%parallel_loop3A_191, %parallel_loop3A_192] {strides = array<i32>} : memref<32x512xf32, #tpu.memory_space<vmem>>, vector<16xf32>,
        %parallel_loop3A_194 = arith.constant 4.096000e+03 : f32
        %parallel_loop3A_195 = vector.broadcast %parallel_loop3A_194 : f32 to vector<16xf32>
        %parallel_loop3A_196 = arith.mulf %parallel_loop3A_193, %parallel_loop3A_195 : vector<16xf32>
        %parallel_loop3A_197 = arith.fptosi %parallel_loop3A_196 : vector<16xf32> to vector<16xi32>
        %parallel_loop3A_198 = arith.constant 4080 : i32
        %parallel_loop3A_199 = vector.broadcast %parallel_loop3A_198 : i32 to vector<16xi32>
        %parallel_loop3A_200 = arith.andi %parallel_loop3A_197, %parallel_loop3A_199 : vector<16xi32>
        %parallel_loop3A_201 = arith.ori %parallel_loop3A_200, %iota3A : vector<16xi32>
        tpu.vector_store_idx %arg9[%parallel_loop3A_201], %broadcast_in_dim3A_3 {add = true} : memref<8192xf32, #tpu.memory_space<vmem>>[vector<16xi32>], vector<16xf32>,
      } {sc.loop_unroll_factor = 8 : i64, sc.parallel_access}
      %mul3A_149 = arith.constant 4 : i32
      %mul3A_150 = arith.muli %scan3A_99, %mul3A_149 : i32
      %add3A_151 = arith.constant 16 : i32
      %add3A_152 = arith.addi %add3A_151, %mul3A_150 : i32
      %add3A_153 = arith.constant 2 : i32
      %add3A_154 = arith.addi %add3A_152, %add3A_153 : i32
      %add3A_155 = arith.constant 4 : i32
      %add3A_156 = arith.addi %add3A_154, %add3A_155 : i32
      %lt3A_157 = arith.constant 48 : i32
      %lt3A_158 = arith.cmpi slt, %add3A_156, %lt3A_157 : i32
      %convert_element_type3A_159 = arith.extui %lt3A_158 : i1 to i32
      %cond3A_160 = arith.constant 0 : i32
      %cond3A_161 = arith.cmpi ne, %convert_element_type3A_159, %cond3A_160 : i32
      scf.if %cond3A_161 {
        %mul3A_184 = arith.constant 4 : i32
        %mul3A_185 = arith.muli %scan3A_99, %mul3A_184 : i32
        %add3A_186 = arith.constant 2 : i32
        %add3A_187 = arith.addi %mul3A_185, %add3A_186 : i32
        %add3A_188 = arith.constant 4 : i32
        %add3A_189 = arith.addi %add3A_187, %add3A_188 : i32
        %jit3A = arith.constant 16 : i32
        %div3A = arith.divsi %add3A_189, %jit3A : i32
        %sign3A = arith.constant 0 : i32
        %sign3A_190 = arith.cmpi sgt, %add3A_189, %sign3A : i32
        %sign3A_191 = arith.extui %sign3A_190 : i1 to i32
        %sign3A_192 = arith.constant 0 : i32
        %sign3A_193 = arith.cmpi slt, %add3A_189, %sign3A_192 : i32
        %sign3A_194 = arith.extui %sign3A_193 : i1 to i32
        %sign3A_195 = arith.subi %sign3A_191, %sign3A_194 : i32
        %sign3A_196 = arith.constant 0 : i32
        %sign3A_197 = arith.cmpi sgt, %jit3A, %sign3A_196 : i32
        %sign3A_198 = arith.extui %sign3A_197 : i1 to i32
        %sign3A_199 = arith.constant 0 : i32
        %sign3A_200 = arith.cmpi slt, %jit3A, %sign3A_199 : i32
        %sign3A_201 = arith.extui %sign3A_200 : i1 to i32
        %sign3A_202 = arith.subi %sign3A_198, %sign3A_201 : i32
        %ne3A = arith.cmpi ne, %sign3A_195, %sign3A_202 : i32
        %rem3A = arith.remsi %add3A_189, %jit3A : i32
        %ne3A_203 = arith.constant 0 : i32
        %ne3A_204 = arith.cmpi ne, %rem3A, %ne3A_203 : i32
        %and3A = arith.andi %ne3A, %ne3A_204 : i1
        %sub3A = arith.constant 1 : i32
        %sub3A_205 = arith.subi %div3A, %sub3A : i32
        %select_n3A = arith.select %and3A, %sub3A_205, %div3A : i32
        %add3A_206 = arith.constant 1 : i32
        %add3A_207 = arith.addi %add3A_206, %select_n3A : i32
        %rem3A_208 = arith.constant 16 : i32
        %rem3A_209 = arith.remsi %add3A_189, %rem3A_208 : i32
        %add3A_210 = arith.addi %mul3A_7, %add3A_207 : i32
        %mul3A_211 = arith.constant 256 : i32
        %mul3A_212 = arith.muli %add3A_210, %mul3A_211 : i32
        %jit3A_213 = arith.constant 2 : i32
        %div3A_214 = arith.divsi %rem3A_209, %jit3A_213 : i32
        %sign3A_215 = arith.constant 0 : i32
        %sign3A_216 = arith.cmpi sgt, %rem3A_209, %sign3A_215 : i32
        %sign3A_217 = arith.extui %sign3A_216 : i1 to i32
        %sign3A_218 = arith.constant 0 : i32
        %sign3A_219 = arith.cmpi slt, %rem3A_209, %sign3A_218 : i32
        %sign3A_220 = arith.extui %sign3A_219 : i1 to i32
        %sign3A_221 = arith.subi %sign3A_217, %sign3A_220 : i32
        %sign3A_222 = arith.constant 0 : i32
        %sign3A_223 = arith.cmpi sgt, %jit3A_213, %sign3A_222 : i32
        %sign3A_224 = arith.extui %sign3A_223 : i1 to i32
        %sign3A_225 = arith.constant 0 : i32
        %sign3A_226 = arith.cmpi slt, %jit3A_213, %sign3A_225 : i32
        %sign3A_227 = arith.extui %sign3A_226 : i1 to i32
        %sign3A_228 = arith.subi %sign3A_224, %sign3A_227 : i32
        %ne3A_229 = arith.cmpi ne, %sign3A_221, %sign3A_228 : i32
        %rem3A_230 = arith.remsi %rem3A_209, %jit3A_213 : i32
        %ne3A_231 = arith.constant 0 : i32
        %ne3A_232 = arith.cmpi ne, %rem3A_230, %ne3A_231 : i32
        %and3A_233 = arith.andi %ne3A_229, %ne3A_232 : i1
        %sub3A_234 = arith.constant 1 : i32
        %sub3A_235 = arith.subi %div3A_214, %sub3A_234 : i32
        %select_n3A_236 = arith.select %and3A_233, %sub3A_235, %div3A_214 : i32
        %mul3A_237 = arith.constant 32 : i32
        %mul3A_238 = arith.muli %select_n3A_236, %mul3A_237 : i32
        %add3A_239 = arith.addi %mul3A_212, %mul3A_238 : i32
        %dma_start3A_240 = arith.constant 0 : i32
        %dma_start3A_241 = tpu.memref_slice %arg2[%add3A_239, %dma_start3A_240] : memref<24576x512xf32, #tpu.memory_space<hbm>> -> memref<32x512xf32, #tpu.memory_space<hbm>>
        %dma_start3A_242 = arith.constant 0 : i32
        %dma_start3A_243 = tpu.memref_slice %arg2[%add3A_239, %dma_start3A_242] : memref<24576x512xf32, #tpu.memory_space<hbm>> -> memref<32x512xf32, #tpu.memory_space<hbm>>
        tpu.enqueue_dma source(%dma_start3A_243 : memref<32x512xf32, #tpu.memory_space<hbm>>) target(%arg7 : memref<32x512xf32, #tpu.memory_space<vmem>>) target_semaphore(%arg13 : memref<!tpu.dma_semaphore, #tpu.memory_space<semaphore_mem>>)
      } else {
      }
      %dma_wait3A_162 = arith.constant 0 : i32
      %dma_wait3A_163 = arith.constant 0 : i32
      %dma_wait3A_164 = tpu.memref_slice %arg2[%dma_wait3A_162, %dma_wait3A_163] : memref<24576x512xf32, #tpu.memory_space<hbm>> -> memref<32x512xf32, #tpu.memory_space<hbm>>
      %dma_wait3A_165 = arith.constant 0 : i32
      %dma_wait3A_166 = arith.constant 0 : i32
      %dma_wait3A_167 = tpu.memref_slice %arg2[%dma_wait3A_165, %dma_wait3A_166] : memref<24576x512xf32, #tpu.memory_space<hbm>> -> memref<32x512xf32, #tpu.memory_space<hbm>>
      tpu.wait_dma2 semaphore(%arg14 : memref<!tpu.dma_semaphore, #tpu.memory_space<semaphore_mem>>) src(%dma_wait3A_167 : memref<32x512xf32, #tpu.memory_space<hbm>>) dst(%arg8 : memref<32x512xf32, #tpu.memory_space<vmem>>)
      %parallel_loop3A_168 = arith.constant 0 : i32
      %parallel_loop3A_169 = arith.constant 1024 : i32
      %parallel_loop3A_170 = arith.constant 1 : i32
      scf.for %parallel_loop3A_184 = %parallel_loop3A_168 to %parallel_loop3A_169 step %parallel_loop3A_170  : i32 {
        %parallel_loop3A_185 = arith.constant 5 : i32
        %parallel_loop3A_186 = arith.shrsi %parallel_loop3A_184, %parallel_loop3A_185 : i32
        %parallel_loop3A_187 = arith.constant 31 : i32
        %parallel_loop3A_188 = arith.andi %parallel_loop3A_184, %parallel_loop3A_187 : i32
        %parallel_loop3A_189 = arith.constant 16 : i32
        %parallel_loop3A_190 = arith.muli %parallel_loop3A_188, %parallel_loop3A_189 : i32
        %parallel_loop3A_191 = arith.index_cast %parallel_loop3A_186 : i32 to index
        %parallel_loop3A_192 = arith.index_cast %parallel_loop3A_190 : i32 to index
        %parallel_loop3A_193 = tpu.vector_load %arg8[%parallel_loop3A_191, %parallel_loop3A_192] {strides = array<i32>} : memref<32x512xf32, #tpu.memory_space<vmem>>, vector<16xf32>,
        %parallel_loop3A_194 = arith.constant 4.096000e+03 : f32
        %parallel_loop3A_195 = vector.broadcast %parallel_loop3A_194 : f32 to vector<16xf32>
        %parallel_loop3A_196 = arith.mulf %parallel_loop3A_193, %parallel_loop3A_195 : vector<16xf32>
        %parallel_loop3A_197 = arith.fptosi %parallel_loop3A_196 : vector<16xf32> to vector<16xi32>
        %parallel_loop3A_198 = arith.constant 4080 : i32
        %parallel_loop3A_199 = vector.broadcast %parallel_loop3A_198 : i32 to vector<16xi32>
        %parallel_loop3A_200 = arith.andi %parallel_loop3A_197, %parallel_loop3A_199 : vector<16xi32>
        %parallel_loop3A_201 = arith.ori %parallel_loop3A_200, %or3A_2 : vector<16xi32>
        tpu.vector_store_idx %arg9[%parallel_loop3A_201], %broadcast_in_dim3A_3 {add = true} : memref<8192xf32, #tpu.memory_space<vmem>>[vector<16xi32>], vector<16xf32>,
      } {sc.loop_unroll_factor = 8 : i64, sc.parallel_access}
      %mul3A_171 = arith.constant 4 : i32
      %mul3A_172 = arith.muli %scan3A_99, %mul3A_171 : i32
      %add3A_173 = arith.constant 16 : i32
      %add3A_174 = arith.addi %add3A_173, %mul3A_172 : i32
      %add3A_175 = arith.constant 3 : i32
      %add3A_176 = arith.addi %add3A_174, %add3A_175 : i32
      %add3A_177 = arith.constant 4 : i32
      %add3A_178 = arith.addi %add3A_176, %add3A_177 : i32
      %lt3A_179 = arith.constant 48 : i32
      %lt3A_180 = arith.cmpi slt, %add3A_178, %lt3A_179 : i32
      %convert_element_type3A_181 = arith.extui %lt3A_180 : i1 to i32
      %cond3A_182 = arith.constant 0 : i32
      %cond3A_183 = arith.cmpi ne, %convert_element_type3A_181, %cond3A_182 : i32
      scf.if %cond3A_183 {
        %mul3A_184 = arith.constant 4 : i32
        %mul3A_185 = arith.muli %scan3A_99, %mul3A_184 : i32
        %add3A_186 = arith.constant 3 : i32
        %add3A_187 = arith.addi %mul3A_185, %add3A_186 : i32
        %add3A_188 = arith.constant 4 : i32
        %add3A_189 = arith.addi %add3A_187, %add3A_188 : i32
        %jit3A = arith.constant 16 : i32
        %div3A = arith.divsi %add3A_189, %jit3A : i32
        %sign3A = arith.constant 0 : i32
        %sign3A_190 = arith.cmpi sgt, %add3A_189, %sign3A : i32
        %sign3A_191 = arith.extui %sign3A_190 : i1 to i32
        %sign3A_192 = arith.constant 0 : i32
        %sign3A_193 = arith.cmpi slt, %add3A_189, %sign3A_192 : i32
        %sign3A_194 = arith.extui %sign3A_193 : i1 to i32
        %sign3A_195 = arith.subi %sign3A_191, %sign3A_194 : i32
        %sign3A_196 = arith.constant 0 : i32
        %sign3A_197 = arith.cmpi sgt, %jit3A, %sign3A_196 : i32
        %sign3A_198 = arith.extui %sign3A_197 : i1 to i32
        %sign3A_199 = arith.constant 0 : i32
        %sign3A_200 = arith.cmpi slt, %jit3A, %sign3A_199 : i32
        %sign3A_201 = arith.extui %sign3A_200 : i1 to i32
        %sign3A_202 = arith.subi %sign3A_198, %sign3A_201 : i32
        %ne3A = arith.cmpi ne, %sign3A_195, %sign3A_202 : i32
        %rem3A = arith.remsi %add3A_189, %jit3A : i32
        %ne3A_203 = arith.constant 0 : i32
        %ne3A_204 = arith.cmpi ne, %rem3A, %ne3A_203 : i32
        %and3A = arith.andi %ne3A, %ne3A_204 : i1
        %sub3A = arith.constant 1 : i32
        %sub3A_205 = arith.subi %div3A, %sub3A : i32
        %select_n3A = arith.select %and3A, %sub3A_205, %div3A : i32
        %add3A_206 = arith.constant 1 : i32
        %add3A_207 = arith.addi %add3A_206, %select_n3A : i32
        %rem3A_208 = arith.constant 16 : i32
        %rem3A_209 = arith.remsi %add3A_189, %rem3A_208 : i32
        %add3A_210 = arith.addi %mul3A_7, %add3A_207 : i32
        %mul3A_211 = arith.constant 256 : i32
        %mul3A_212 = arith.muli %add3A_210, %mul3A_211 : i32
        %jit3A_213 = arith.constant 2 : i32
        %div3A_214 = arith.divsi %rem3A_209, %jit3A_213 : i32
        %sign3A_215 = arith.constant 0 : i32
        %sign3A_216 = arith.cmpi sgt, %rem3A_209, %sign3A_215 : i32
        %sign3A_217 = arith.extui %sign3A_216 : i1 to i32
        %sign3A_218 = arith.constant 0 : i32
        %sign3A_219 = arith.cmpi slt, %rem3A_209, %sign3A_218 : i32
        %sign3A_220 = arith.extui %sign3A_219 : i1 to i32
        %sign3A_221 = arith.subi %sign3A_217, %sign3A_220 : i32
        %sign3A_222 = arith.constant 0 : i32
        %sign3A_223 = arith.cmpi sgt, %jit3A_213, %sign3A_222 : i32
        %sign3A_224 = arith.extui %sign3A_223 : i1 to i32
        %sign3A_225 = arith.constant 0 : i32
        %sign3A_226 = arith.cmpi slt, %jit3A_213, %sign3A_225 : i32
        %sign3A_227 = arith.extui %sign3A_226 : i1 to i32
        %sign3A_228 = arith.subi %sign3A_224, %sign3A_227 : i32
        %ne3A_229 = arith.cmpi ne, %sign3A_221, %sign3A_228 : i32
        %rem3A_230 = arith.remsi %rem3A_209, %jit3A_213 : i32
        %ne3A_231 = arith.constant 0 : i32
        %ne3A_232 = arith.cmpi ne, %rem3A_230, %ne3A_231 : i32
        %and3A_233 = arith.andi %ne3A_229, %ne3A_232 : i1
        %sub3A_234 = arith.constant 1 : i32
        %sub3A_235 = arith.subi %div3A_214, %sub3A_234 : i32
        %select_n3A_236 = arith.select %and3A_233, %sub3A_235, %div3A_214 : i32
        %mul3A_237 = arith.constant 32 : i32
        %mul3A_238 = arith.muli %select_n3A_236, %mul3A_237 : i32
        %add3A_239 = arith.addi %mul3A_212, %mul3A_238 : i32
        %dma_start3A_240 = arith.constant 0 : i32
        %dma_start3A_241 = tpu.memref_slice %arg3[%add3A_239, %dma_start3A_240] : memref<24576x512xf32, #tpu.memory_space<hbm>> -> memref<32x512xf32, #tpu.memory_space<hbm>>
        %dma_start3A_242 = arith.constant 0 : i32
        %dma_start3A_243 = tpu.memref_slice %arg3[%add3A_239, %dma_start3A_242] : memref<24576x512xf32, #tpu.memory_space<hbm>> -> memref<32x512xf32, #tpu.memory_space<hbm>>
        tpu.enqueue_dma source(%dma_start3A_243 : memref<32x512xf32, #tpu.memory_space<hbm>>) target(%arg8 : memref<32x512xf32, #tpu.memory_space<vmem>>) target_semaphore(%arg14 : memref<!tpu.dma_semaphore, #tpu.memory_space<semaphore_mem>>)
      } else {
      }
    }
    %scan3A_71 = arith.constant 4 : i32
    %parallel_loop3A_72 = arith.constant 0 : i32
    %parallel_loop3A_73 = arith.constant 512 : i32
    %parallel_loop3A_74 = arith.constant 1 : i32
    scf.for %parallel_loop3A_99 = %parallel_loop3A_72 to %parallel_loop3A_73 step %parallel_loop3A_74  : i32 {
      %parallel_loop3A_100 = arith.constant 16 : i32
      %parallel_loop3A_101 = arith.muli %parallel_loop3A_99, %parallel_loop3A_100 : i32
      %parallel_loop3A_102 = arith.index_cast %parallel_loop3A_101 : i32 to index
      %parallel_loop3A_103 = tpu.vector_load %arg9[%parallel_loop3A_102] {strides = array<i32>} : memref<8192xf32, #tpu.memory_space<vmem>>, vector<16xf32>,
      %parallel_loop3A_104 = arith.constant true
      %parallel_loop3A_105 = vector.broadcast %parallel_loop3A_104 : i1 to vector<16xi1>
      %parallel_loop3A_106 = tpu.scan <sum>, %parallel_loop3A_103 masked %parallel_loop3A_105 : vector<16xf32>, vector<16xi1> -> vector<16xf32>
      %parallel_loop3A_107 = vector.extract %parallel_loop3A_106[15] : f32 from vector<16xf32>
      %parallel_loop3A_108 = vector.broadcast %parallel_loop3A_99 : i32 to vector<16xi32>
      %parallel_loop3A_109 = vector.broadcast %parallel_loop3A_107 : f32 to vector<16xf32>
      %parallel_loop3A_110 = arith.constant 0 : i32
      %parallel_loop3A_111 = vector.broadcast %parallel_loop3A_110 : i32 to vector<16xi32>
      %parallel_loop3A_112 = arith.cmpi eq, %iota3A, %parallel_loop3A_111 : vector<16xi32>
      tpu.vector_store_idx %arg10[%parallel_loop3A_108], %parallel_loop3A_109 masked %parallel_loop3A_112 : memref<512xf32, #tpu.memory_space<vmem>>[vector<16xi32>], vector<16xf32>, vector<16xi1>
    } {sc.loop_unroll_factor = 4 : i64, sc.parallel_access}
    %add3A_75 = arith.constant 1 : i32
    %add3A_76 = arith.addi %mul3A_7, %add3A_75 : i32
    %mul3A_77 = arith.constant 2 : i32
    %mul3A_78 = arith.muli %add3A_76, %mul3A_77 : i32
    %mul3A_79 = arith.constant 256 : i32
    %mul3A_80 = arith.muli %mul3A_78, %mul3A_79 : i32
    "tpu.region"() ({
      %run_scoped3A = tpu.sem_alloc : memref<!tpu.dma_semaphore, #tpu.memory_space<semaphore_mem>>
      %dma_start3A_99 = tpu.memref_slice %arg4[%mul3A_80] : memref<49152xf32, #tpu.memory_space<hbm>> -> memref<512xf32, #tpu.memory_space<hbm>>
      %dma_start3A_100 = tpu.memref_slice %arg4[%mul3A_80] : memref<49152xf32, #tpu.memory_space<hbm>> -> memref<512xf32, #tpu.memory_space<hbm>>
      tpu.enqueue_dma source(%arg10 : memref<512xf32, #tpu.memory_space<vmem>>) target(%dma_start3A_100 : memref<512xf32, #tpu.memory_space<hbm>>) target_semaphore(%run_scoped3A : memref<!tpu.dma_semaphore, #tpu.memory_space<semaphore_mem>>)
      %dma_wait3A = tpu.memref_slice %arg4[%mul3A_80] : memref<49152xf32, #tpu.memory_space<hbm>> -> memref<512xf32, #tpu.memory_space<hbm>>
      %dma_wait3A_101 = tpu.memref_slice %arg4[%mul3A_80] : memref<49152xf32, #tpu.memory_space<hbm>> -> memref<512xf32, #tpu.memory_space<hbm>>
      tpu.wait_dma2 semaphore(%run_scoped3A : memref<!tpu.dma_semaphore, #tpu.memory_space<semaphore_mem>>) src(%arg10 : memref<512xf32, #tpu.memory_space<vmem>>) dst(%dma_wait3A_101 : memref<512xf32, #tpu.memory_space<hbm>>)
      tpu.yield
    }) : () -> ()
    %parallel_loop3A_81 = arith.constant 0 : i32
    %parallel_loop3A_82 = arith.constant 512 : i32
    %parallel_loop3A_83 = arith.constant 1 : i32
    scf.for %parallel_loop3A_99 = %parallel_loop3A_81 to %parallel_loop3A_82 step %parallel_loop3A_83  : i32 {
      %parallel_loop3A_100 = arith.constant 16 : i32
      %parallel_loop3A_101 = arith.muli %parallel_loop3A_99, %parallel_loop3A_100 : i32
      %parallel_loop3A_102 = arith.index_cast %parallel_loop3A_101 : i32 to index
      %parallel_loop3A_103 = tpu.vector_load %arg9[%parallel_loop3A_102] {strides = array<i32>} : memref<8192xf32, #tpu.memory_space<vmem>>, vector<16xf32>,
      tpu.vector_store %arg9[%parallel_loop3A_102], %broadcast_in_dim3A_5 {strides = array<i32>} : memref<8192xf32, #tpu.memory_space<vmem>>, vector<16xf32>,
    } {sc.loop_unroll_factor = 8 : i64, sc.parallel_access}
    %scan3A_84 = arith.constant 0 : i32
    %scan3A_85 = arith.constant 0 : i32
    %scan3A_86 = arith.constant 4 : i32
    %scan3A_87 = arith.addi %scan3A_85, %scan3A_86 : i32
    %scan3A_88 = arith.constant 1 : i32
    scf.for %scan3A_99 = %scan3A_85 to %scan3A_87 step %scan3A_88  : i32 {
      %dma_wait3A = arith.constant 0 : i32
      %dma_wait3A_100 = arith.constant 0 : i32
      %dma_wait3A_101 = tpu.memref_slice %arg2[%dma_wait3A, %dma_wait3A_100] : memref<24576x512xf32, #tpu.memory_space<hbm>> -> memref<32x512xf32, #tpu.memory_space<hbm>>
      %dma_wait3A_102 = arith.constant 0 : i32
      %dma_wait3A_103 = arith.constant 0 : i32
      %dma_wait3A_104 = tpu.memref_slice %arg2[%dma_wait3A_102, %dma_wait3A_103] : memref<24576x512xf32, #tpu.memory_space<hbm>> -> memref<32x512xf32, #tpu.memory_space<hbm>>
      tpu.wait_dma2 semaphore(%arg11 : memref<!tpu.dma_semaphore, #tpu.memory_space<semaphore_mem>>) src(%dma_wait3A_104 : memref<32x512xf32, #tpu.memory_space<hbm>>) dst(%arg5 : memref<32x512xf32, #tpu.memory_space<vmem>>)
      %parallel_loop3A_105 = arith.constant 0 : i32
      %parallel_loop3A_106 = arith.constant 1024 : i32
      %parallel_loop3A_107 = arith.constant 1 : i32
      scf.for %parallel_loop3A_184 = %parallel_loop3A_105 to %parallel_loop3A_106 step %parallel_loop3A_107  : i32 {
        %parallel_loop3A_185 = arith.constant 5 : i32
        %parallel_loop3A_186 = arith.shrsi %parallel_loop3A_184, %parallel_loop3A_185 : i32
        %parallel_loop3A_187 = arith.constant 31 : i32
        %parallel_loop3A_188 = arith.andi %parallel_loop3A_184, %parallel_loop3A_187 : i32
        %parallel_loop3A_189 = arith.constant 16 : i32
        %parallel_loop3A_190 = arith.muli %parallel_loop3A_188, %parallel_loop3A_189 : i32
        %parallel_loop3A_191 = arith.index_cast %parallel_loop3A_186 : i32 to index
        %parallel_loop3A_192 = arith.index_cast %parallel_loop3A_190 : i32 to index
        %parallel_loop3A_193 = tpu.vector_load %arg5[%parallel_loop3A_191, %parallel_loop3A_192] {strides = array<i32>} : memref<32x512xf32, #tpu.memory_space<vmem>>, vector<16xf32>,
        %parallel_loop3A_194 = arith.constant 4.096000e+03 : f32
        %parallel_loop3A_195 = vector.broadcast %parallel_loop3A_194 : f32 to vector<16xf32>
        %parallel_loop3A_196 = arith.mulf %parallel_loop3A_193, %parallel_loop3A_195 : vector<16xf32>
        %parallel_loop3A_197 = arith.fptosi %parallel_loop3A_196 : vector<16xf32> to vector<16xi32>
        %parallel_loop3A_198 = arith.constant 4080 : i32
        %parallel_loop3A_199 = vector.broadcast %parallel_loop3A_198 : i32 to vector<16xi32>
        %parallel_loop3A_200 = arith.andi %parallel_loop3A_197, %parallel_loop3A_199 : vector<16xi32>
        %parallel_loop3A_201 = arith.ori %parallel_loop3A_200, %iota3A : vector<16xi32>
        tpu.vector_store_idx %arg9[%parallel_loop3A_201], %broadcast_in_dim3A_3 {add = true} : memref<8192xf32, #tpu.memory_space<vmem>>[vector<16xi32>], vector<16xf32>,
      } {sc.loop_unroll_factor = 8 : i64, sc.parallel_access}
      %mul3A_108 = arith.constant 4 : i32
      %mul3A_109 = arith.muli %scan3A_99, %mul3A_108 : i32
      %add3A_110 = arith.constant 32 : i32
      %add3A_111 = arith.addi %add3A_110, %mul3A_109 : i32
      %add3A_112 = arith.constant 0 : i32
      %add3A_113 = arith.addi %add3A_111, %add3A_112 : i32
      %add3A_114 = arith.constant 4 : i32
      %add3A_115 = arith.addi %add3A_113, %add3A_114 : i32
      %lt3A = arith.constant 48 : i32
      %lt3A_116 = arith.cmpi slt, %add3A_115, %lt3A : i32
      %convert_element_type3A = arith.extui %lt3A_116 : i1 to i32
      %cond3A = arith.constant 0 : i32
      %cond3A_117 = arith.cmpi ne, %convert_element_type3A, %cond3A : i32
      scf.if %cond3A_117 {
        %mul3A_184 = arith.constant 4 : i32
        %mul3A_185 = arith.muli %scan3A_99, %mul3A_184 : i32
        %add3A_186 = arith.constant 0 : i32
        %add3A_187 = arith.addi %mul3A_185, %add3A_186 : i32
        %add3A_188 = arith.constant 4 : i32
        %add3A_189 = arith.addi %add3A_187, %add3A_188 : i32
        %jit3A = arith.constant 16 : i32
        %div3A = arith.divsi %add3A_189, %jit3A : i32
        %sign3A = arith.constant 0 : i32
        %sign3A_190 = arith.cmpi sgt, %add3A_189, %sign3A : i32
        %sign3A_191 = arith.extui %sign3A_190 : i1 to i32
        %sign3A_192 = arith.constant 0 : i32
        %sign3A_193 = arith.cmpi slt, %add3A_189, %sign3A_192 : i32
        %sign3A_194 = arith.extui %sign3A_193 : i1 to i32
        %sign3A_195 = arith.subi %sign3A_191, %sign3A_194 : i32
        %sign3A_196 = arith.constant 0 : i32
        %sign3A_197 = arith.cmpi sgt, %jit3A, %sign3A_196 : i32
        %sign3A_198 = arith.extui %sign3A_197 : i1 to i32
        %sign3A_199 = arith.constant 0 : i32
        %sign3A_200 = arith.cmpi slt, %jit3A, %sign3A_199 : i32
        %sign3A_201 = arith.extui %sign3A_200 : i1 to i32
        %sign3A_202 = arith.subi %sign3A_198, %sign3A_201 : i32
        %ne3A = arith.cmpi ne, %sign3A_195, %sign3A_202 : i32
        %rem3A = arith.remsi %add3A_189, %jit3A : i32
        %ne3A_203 = arith.constant 0 : i32
        %ne3A_204 = arith.cmpi ne, %rem3A, %ne3A_203 : i32
        %and3A = arith.andi %ne3A, %ne3A_204 : i1
        %sub3A = arith.constant 1 : i32
        %sub3A_205 = arith.subi %div3A, %sub3A : i32
        %select_n3A = arith.select %and3A, %sub3A_205, %div3A : i32
        %add3A_206 = arith.constant 2 : i32
        %add3A_207 = arith.addi %add3A_206, %select_n3A : i32
        %rem3A_208 = arith.constant 16 : i32
        %rem3A_209 = arith.remsi %add3A_189, %rem3A_208 : i32
        %add3A_210 = arith.addi %mul3A_7, %add3A_207 : i32
        %mul3A_211 = arith.constant 256 : i32
        %mul3A_212 = arith.muli %add3A_210, %mul3A_211 : i32
        %jit3A_213 = arith.constant 2 : i32
        %div3A_214 = arith.divsi %rem3A_209, %jit3A_213 : i32
        %sign3A_215 = arith.constant 0 : i32
        %sign3A_216 = arith.cmpi sgt, %rem3A_209, %sign3A_215 : i32
        %sign3A_217 = arith.extui %sign3A_216 : i1 to i32
        %sign3A_218 = arith.constant 0 : i32
        %sign3A_219 = arith.cmpi slt, %rem3A_209, %sign3A_218 : i32
        %sign3A_220 = arith.extui %sign3A_219 : i1 to i32
        %sign3A_221 = arith.subi %sign3A_217, %sign3A_220 : i32
        %sign3A_222 = arith.constant 0 : i32
        %sign3A_223 = arith.cmpi sgt, %jit3A_213, %sign3A_222 : i32
        %sign3A_224 = arith.extui %sign3A_223 : i1 to i32
        %sign3A_225 = arith.constant 0 : i32
        %sign3A_226 = arith.cmpi slt, %jit3A_213, %sign3A_225 : i32
        %sign3A_227 = arith.extui %sign3A_226 : i1 to i32
        %sign3A_228 = arith.subi %sign3A_224, %sign3A_227 : i32
        %ne3A_229 = arith.cmpi ne, %sign3A_221, %sign3A_228 : i32
        %rem3A_230 = arith.remsi %rem3A_209, %jit3A_213 : i32
        %ne3A_231 = arith.constant 0 : i32
        %ne3A_232 = arith.cmpi ne, %rem3A_230, %ne3A_231 : i32
        %and3A_233 = arith.andi %ne3A_229, %ne3A_232 : i1
        %sub3A_234 = arith.constant 1 : i32
        %sub3A_235 = arith.subi %div3A_214, %sub3A_234 : i32
        %select_n3A_236 = arith.select %and3A_233, %sub3A_235, %div3A_214 : i32
        %mul3A_237 = arith.constant 32 : i32
        %mul3A_238 = arith.muli %select_n3A_236, %mul3A_237 : i32
        %add3A_239 = arith.addi %mul3A_212, %mul3A_238 : i32
        %dma_start3A_240 = arith.constant 0 : i32
        %dma_start3A_241 = tpu.memref_slice %arg2[%add3A_239, %dma_start3A_240] : memref<24576x512xf32, #tpu.memory_space<hbm>> -> memref<32x512xf32, #tpu.memory_space<hbm>>
        %dma_start3A_242 = arith.constant 0 : i32
        %dma_start3A_243 = tpu.memref_slice %arg2[%add3A_239, %dma_start3A_242] : memref<24576x512xf32, #tpu.memory_space<hbm>> -> memref<32x512xf32, #tpu.memory_space<hbm>>
        tpu.enqueue_dma source(%dma_start3A_243 : memref<32x512xf32, #tpu.memory_space<hbm>>) target(%arg5 : memref<32x512xf32, #tpu.memory_space<vmem>>) target_semaphore(%arg11 : memref<!tpu.dma_semaphore, #tpu.memory_space<semaphore_mem>>)
      } else {
      }
      %dma_wait3A_118 = arith.constant 0 : i32
      %dma_wait3A_119 = arith.constant 0 : i32
      %dma_wait3A_120 = tpu.memref_slice %arg2[%dma_wait3A_118, %dma_wait3A_119] : memref<24576x512xf32, #tpu.memory_space<hbm>> -> memref<32x512xf32, #tpu.memory_space<hbm>>
      %dma_wait3A_121 = arith.constant 0 : i32
      %dma_wait3A_122 = arith.constant 0 : i32
      %dma_wait3A_123 = tpu.memref_slice %arg2[%dma_wait3A_121, %dma_wait3A_122] : memref<24576x512xf32, #tpu.memory_space<hbm>> -> memref<32x512xf32, #tpu.memory_space<hbm>>
      tpu.wait_dma2 semaphore(%arg12 : memref<!tpu.dma_semaphore, #tpu.memory_space<semaphore_mem>>) src(%dma_wait3A_123 : memref<32x512xf32, #tpu.memory_space<hbm>>) dst(%arg6 : memref<32x512xf32, #tpu.memory_space<vmem>>)
      %parallel_loop3A_124 = arith.constant 0 : i32
      %parallel_loop3A_125 = arith.constant 1024 : i32
      %parallel_loop3A_126 = arith.constant 1 : i32
      scf.for %parallel_loop3A_184 = %parallel_loop3A_124 to %parallel_loop3A_125 step %parallel_loop3A_126  : i32 {
        %parallel_loop3A_185 = arith.constant 5 : i32
        %parallel_loop3A_186 = arith.shrsi %parallel_loop3A_184, %parallel_loop3A_185 : i32
        %parallel_loop3A_187 = arith.constant 31 : i32
        %parallel_loop3A_188 = arith.andi %parallel_loop3A_184, %parallel_loop3A_187 : i32
        %parallel_loop3A_189 = arith.constant 16 : i32
        %parallel_loop3A_190 = arith.muli %parallel_loop3A_188, %parallel_loop3A_189 : i32
        %parallel_loop3A_191 = arith.index_cast %parallel_loop3A_186 : i32 to index
        %parallel_loop3A_192 = arith.index_cast %parallel_loop3A_190 : i32 to index
        %parallel_loop3A_193 = tpu.vector_load %arg6[%parallel_loop3A_191, %parallel_loop3A_192] {strides = array<i32>} : memref<32x512xf32, #tpu.memory_space<vmem>>, vector<16xf32>,
        %parallel_loop3A_194 = arith.constant 4.096000e+03 : f32
        %parallel_loop3A_195 = vector.broadcast %parallel_loop3A_194 : f32 to vector<16xf32>
        %parallel_loop3A_196 = arith.mulf %parallel_loop3A_193, %parallel_loop3A_195 : vector<16xf32>
        %parallel_loop3A_197 = arith.fptosi %parallel_loop3A_196 : vector<16xf32> to vector<16xi32>
        %parallel_loop3A_198 = arith.constant 4080 : i32
        %parallel_loop3A_199 = vector.broadcast %parallel_loop3A_198 : i32 to vector<16xi32>
        %parallel_loop3A_200 = arith.andi %parallel_loop3A_197, %parallel_loop3A_199 : vector<16xi32>
        %parallel_loop3A_201 = arith.ori %parallel_loop3A_200, %or3A_2 : vector<16xi32>
        tpu.vector_store_idx %arg9[%parallel_loop3A_201], %broadcast_in_dim3A_3 {add = true} : memref<8192xf32, #tpu.memory_space<vmem>>[vector<16xi32>], vector<16xf32>,
      } {sc.loop_unroll_factor = 8 : i64, sc.parallel_access}
      %mul3A_127 = arith.constant 4 : i32
      %mul3A_128 = arith.muli %scan3A_99, %mul3A_127 : i32
      %add3A_129 = arith.constant 32 : i32
      %add3A_130 = arith.addi %add3A_129, %mul3A_128 : i32
      %add3A_131 = arith.constant 1 : i32
      %add3A_132 = arith.addi %add3A_130, %add3A_131 : i32
      %add3A_133 = arith.constant 4 : i32
      %add3A_134 = arith.addi %add3A_132, %add3A_133 : i32
      %lt3A_135 = arith.constant 48 : i32
      %lt3A_136 = arith.cmpi slt, %add3A_134, %lt3A_135 : i32
      %convert_element_type3A_137 = arith.extui %lt3A_136 : i1 to i32
      %cond3A_138 = arith.constant 0 : i32
      %cond3A_139 = arith.cmpi ne, %convert_element_type3A_137, %cond3A_138 : i32
      scf.if %cond3A_139 {
        %mul3A_184 = arith.constant 4 : i32
        %mul3A_185 = arith.muli %scan3A_99, %mul3A_184 : i32
        %add3A_186 = arith.constant 1 : i32
        %add3A_187 = arith.addi %mul3A_185, %add3A_186 : i32
        %add3A_188 = arith.constant 4 : i32
        %add3A_189 = arith.addi %add3A_187, %add3A_188 : i32
        %jit3A = arith.constant 16 : i32
        %div3A = arith.divsi %add3A_189, %jit3A : i32
        %sign3A = arith.constant 0 : i32
        %sign3A_190 = arith.cmpi sgt, %add3A_189, %sign3A : i32
        %sign3A_191 = arith.extui %sign3A_190 : i1 to i32
        %sign3A_192 = arith.constant 0 : i32
        %sign3A_193 = arith.cmpi slt, %add3A_189, %sign3A_192 : i32
        %sign3A_194 = arith.extui %sign3A_193 : i1 to i32
        %sign3A_195 = arith.subi %sign3A_191, %sign3A_194 : i32
        %sign3A_196 = arith.constant 0 : i32
        %sign3A_197 = arith.cmpi sgt, %jit3A, %sign3A_196 : i32
        %sign3A_198 = arith.extui %sign3A_197 : i1 to i32
        %sign3A_199 = arith.constant 0 : i32
        %sign3A_200 = arith.cmpi slt, %jit3A, %sign3A_199 : i32
        %sign3A_201 = arith.extui %sign3A_200 : i1 to i32
        %sign3A_202 = arith.subi %sign3A_198, %sign3A_201 : i32
        %ne3A = arith.cmpi ne, %sign3A_195, %sign3A_202 : i32
        %rem3A = arith.remsi %add3A_189, %jit3A : i32
        %ne3A_203 = arith.constant 0 : i32
        %ne3A_204 = arith.cmpi ne, %rem3A, %ne3A_203 : i32
        %and3A = arith.andi %ne3A, %ne3A_204 : i1
        %sub3A = arith.constant 1 : i32
        %sub3A_205 = arith.subi %div3A, %sub3A : i32
        %select_n3A = arith.select %and3A, %sub3A_205, %div3A : i32
        %add3A_206 = arith.constant 2 : i32
        %add3A_207 = arith.addi %add3A_206, %select_n3A : i32
        %rem3A_208 = arith.constant 16 : i32
        %rem3A_209 = arith.remsi %add3A_189, %rem3A_208 : i32
        %add3A_210 = arith.addi %mul3A_7, %add3A_207 : i32
        %mul3A_211 = arith.constant 256 : i32
        %mul3A_212 = arith.muli %add3A_210, %mul3A_211 : i32
        %jit3A_213 = arith.constant 2 : i32
        %div3A_214 = arith.divsi %rem3A_209, %jit3A_213 : i32
        %sign3A_215 = arith.constant 0 : i32
        %sign3A_216 = arith.cmpi sgt, %rem3A_209, %sign3A_215 : i32
        %sign3A_217 = arith.extui %sign3A_216 : i1 to i32
        %sign3A_218 = arith.constant 0 : i32
        %sign3A_219 = arith.cmpi slt, %rem3A_209, %sign3A_218 : i32
        %sign3A_220 = arith.extui %sign3A_219 : i1 to i32
        %sign3A_221 = arith.subi %sign3A_217, %sign3A_220 : i32
        %sign3A_222 = arith.constant 0 : i32
        %sign3A_223 = arith.cmpi sgt, %jit3A_213, %sign3A_222 : i32
        %sign3A_224 = arith.extui %sign3A_223 : i1 to i32
        %sign3A_225 = arith.constant 0 : i32
        %sign3A_226 = arith.cmpi slt, %jit3A_213, %sign3A_225 : i32
        %sign3A_227 = arith.extui %sign3A_226 : i1 to i32
        %sign3A_228 = arith.subi %sign3A_224, %sign3A_227 : i32
        %ne3A_229 = arith.cmpi ne, %sign3A_221, %sign3A_228 : i32
        %rem3A_230 = arith.remsi %rem3A_209, %jit3A_213 : i32
        %ne3A_231 = arith.constant 0 : i32
        %ne3A_232 = arith.cmpi ne, %rem3A_230, %ne3A_231 : i32
        %and3A_233 = arith.andi %ne3A_229, %ne3A_232 : i1
        %sub3A_234 = arith.constant 1 : i32
        %sub3A_235 = arith.subi %div3A_214, %sub3A_234 : i32
        %select_n3A_236 = arith.select %and3A_233, %sub3A_235, %div3A_214 : i32
        %mul3A_237 = arith.constant 32 : i32
        %mul3A_238 = arith.muli %select_n3A_236, %mul3A_237 : i32
        %add3A_239 = arith.addi %mul3A_212, %mul3A_238 : i32
        %dma_start3A_240 = arith.constant 0 : i32
        %dma_start3A_241 = tpu.memref_slice %arg3[%add3A_239, %dma_start3A_240] : memref<24576x512xf32, #tpu.memory_space<hbm>> -> memref<32x512xf32, #tpu.memory_space<hbm>>
        %dma_start3A_242 = arith.constant 0 : i32
        %dma_start3A_243 = tpu.memref_slice %arg3[%add3A_239, %dma_start3A_242] : memref<24576x512xf32, #tpu.memory_space<hbm>> -> memref<32x512xf32, #tpu.memory_space<hbm>>
        tpu.enqueue_dma source(%dma_start3A_243 : memref<32x512xf32, #tpu.memory_space<hbm>>) target(%arg6 : memref<32x512xf32, #tpu.memory_space<vmem>>) target_semaphore(%arg12 : memref<!tpu.dma_semaphore, #tpu.memory_space<semaphore_mem>>)
      } else {
      }
      %dma_wait3A_140 = arith.constant 0 : i32
      %dma_wait3A_141 = arith.constant 0 : i32
      %dma_wait3A_142 = tpu.memref_slice %arg2[%dma_wait3A_140, %dma_wait3A_141] : memref<24576x512xf32, #tpu.memory_space<hbm>> -> memref<32x512xf32, #tpu.memory_space<hbm>>
      %dma_wait3A_143 = arith.constant 0 : i32
      %dma_wait3A_144 = arith.constant 0 : i32
      %dma_wait3A_145 = tpu.memref_slice %arg2[%dma_wait3A_143, %dma_wait3A_144] : memref<24576x512xf32, #tpu.memory_space<hbm>> -> memref<32x512xf32, #tpu.memory_space<hbm>>
      tpu.wait_dma2 semaphore(%arg13 : memref<!tpu.dma_semaphore, #tpu.memory_space<semaphore_mem>>) src(%dma_wait3A_145 : memref<32x512xf32, #tpu.memory_space<hbm>>) dst(%arg7 : memref<32x512xf32, #tpu.memory_space<vmem>>)
      %parallel_loop3A_146 = arith.constant 0 : i32
      %parallel_loop3A_147 = arith.constant 1024 : i32
      %parallel_loop3A_148 = arith.constant 1 : i32
      scf.for %parallel_loop3A_184 = %parallel_loop3A_146 to %parallel_loop3A_147 step %parallel_loop3A_148  : i32 {
        %parallel_loop3A_185 = arith.constant 5 : i32
        %parallel_loop3A_186 = arith.shrsi %parallel_loop3A_184, %parallel_loop3A_185 : i32
        %parallel_loop3A_187 = arith.constant 31 : i32
        %parallel_loop3A_188 = arith.andi %parallel_loop3A_184, %parallel_loop3A_187 : i32
        %parallel_loop3A_189 = arith.constant 16 : i32
        %parallel_loop3A_190 = arith.muli %parallel_loop3A_188, %parallel_loop3A_189 : i32
        %parallel_loop3A_191 = arith.index_cast %parallel_loop3A_186 : i32 to index
        %parallel_loop3A_192 = arith.index_cast %parallel_loop3A_190 : i32 to index
        %parallel_loop3A_193 = tpu.vector_load %arg7[%parallel_loop3A_191, %parallel_loop3A_192] {strides = array<i32>} : memref<32x512xf32, #tpu.memory_space<vmem>>, vector<16xf32>,
        %parallel_loop3A_194 = arith.constant 4.096000e+03 : f32
        %parallel_loop3A_195 = vector.broadcast %parallel_loop3A_194 : f32 to vector<16xf32>
        %parallel_loop3A_196 = arith.mulf %parallel_loop3A_193, %parallel_loop3A_195 : vector<16xf32>
        %parallel_loop3A_197 = arith.fptosi %parallel_loop3A_196 : vector<16xf32> to vector<16xi32>
        %parallel_loop3A_198 = arith.constant 4080 : i32
        %parallel_loop3A_199 = vector.broadcast %parallel_loop3A_198 : i32 to vector<16xi32>
        %parallel_loop3A_200 = arith.andi %parallel_loop3A_197, %parallel_loop3A_199 : vector<16xi32>
        %parallel_loop3A_201 = arith.ori %parallel_loop3A_200, %iota3A : vector<16xi32>
        tpu.vector_store_idx %arg9[%parallel_loop3A_201], %broadcast_in_dim3A_3 {add = true} : memref<8192xf32, #tpu.memory_space<vmem>>[vector<16xi32>], vector<16xf32>,
      } {sc.loop_unroll_factor = 8 : i64, sc.parallel_access}
      %mul3A_149 = arith.constant 4 : i32
      %mul3A_150 = arith.muli %scan3A_99, %mul3A_149 : i32
      %add3A_151 = arith.constant 32 : i32
      %add3A_152 = arith.addi %add3A_151, %mul3A_150 : i32
      %add3A_153 = arith.constant 2 : i32
      %add3A_154 = arith.addi %add3A_152, %add3A_153 : i32
      %add3A_155 = arith.constant 4 : i32
      %add3A_156 = arith.addi %add3A_154, %add3A_155 : i32
      %lt3A_157 = arith.constant 48 : i32
      %lt3A_158 = arith.cmpi slt, %add3A_156, %lt3A_157 : i32
      %convert_element_type3A_159 = arith.extui %lt3A_158 : i1 to i32
      %cond3A_160 = arith.constant 0 : i32
      %cond3A_161 = arith.cmpi ne, %convert_element_type3A_159, %cond3A_160 : i32
      scf.if %cond3A_161 {
        %mul3A_184 = arith.constant 4 : i32
        %mul3A_185 = arith.muli %scan3A_99, %mul3A_184 : i32
        %add3A_186 = arith.constant 2 : i32
        %add3A_187 = arith.addi %mul3A_185, %add3A_186 : i32
        %add3A_188 = arith.constant 4 : i32
        %add3A_189 = arith.addi %add3A_187, %add3A_188 : i32
        %jit3A = arith.constant 16 : i32
        %div3A = arith.divsi %add3A_189, %jit3A : i32
        %sign3A = arith.constant 0 : i32
        %sign3A_190 = arith.cmpi sgt, %add3A_189, %sign3A : i32
        %sign3A_191 = arith.extui %sign3A_190 : i1 to i32
        %sign3A_192 = arith.constant 0 : i32
        %sign3A_193 = arith.cmpi slt, %add3A_189, %sign3A_192 : i32
        %sign3A_194 = arith.extui %sign3A_193 : i1 to i32
        %sign3A_195 = arith.subi %sign3A_191, %sign3A_194 : i32
        %sign3A_196 = arith.constant 0 : i32
        %sign3A_197 = arith.cmpi sgt, %jit3A, %sign3A_196 : i32
        %sign3A_198 = arith.extui %sign3A_197 : i1 to i32
        %sign3A_199 = arith.constant 0 : i32
        %sign3A_200 = arith.cmpi slt, %jit3A, %sign3A_199 : i32
        %sign3A_201 = arith.extui %sign3A_200 : i1 to i32
        %sign3A_202 = arith.subi %sign3A_198, %sign3A_201 : i32
        %ne3A = arith.cmpi ne, %sign3A_195, %sign3A_202 : i32
        %rem3A = arith.remsi %add3A_189, %jit3A : i32
        %ne3A_203 = arith.constant 0 : i32
        %ne3A_204 = arith.cmpi ne, %rem3A, %ne3A_203 : i32
        %and3A = arith.andi %ne3A, %ne3A_204 : i1
        %sub3A = arith.constant 1 : i32
        %sub3A_205 = arith.subi %div3A, %sub3A : i32
        %select_n3A = arith.select %and3A, %sub3A_205, %div3A : i32
        %add3A_206 = arith.constant 2 : i32
        %add3A_207 = arith.addi %add3A_206, %select_n3A : i32
        %rem3A_208 = arith.constant 16 : i32
        %rem3A_209 = arith.remsi %add3A_189, %rem3A_208 : i32
        %add3A_210 = arith.addi %mul3A_7, %add3A_207 : i32
        %mul3A_211 = arith.constant 256 : i32
        %mul3A_212 = arith.muli %add3A_210, %mul3A_211 : i32
        %jit3A_213 = arith.constant 2 : i32
        %div3A_214 = arith.divsi %rem3A_209, %jit3A_213 : i32
        %sign3A_215 = arith.constant 0 : i32
        %sign3A_216 = arith.cmpi sgt, %rem3A_209, %sign3A_215 : i32
        %sign3A_217 = arith.extui %sign3A_216 : i1 to i32
        %sign3A_218 = arith.constant 0 : i32
        %sign3A_219 = arith.cmpi slt, %rem3A_209, %sign3A_218 : i32
        %sign3A_220 = arith.extui %sign3A_219 : i1 to i32
        %sign3A_221 = arith.subi %sign3A_217, %sign3A_220 : i32
        %sign3A_222 = arith.constant 0 : i32
        %sign3A_223 = arith.cmpi sgt, %jit3A_213, %sign3A_222 : i32
        %sign3A_224 = arith.extui %sign3A_223 : i1 to i32
        %sign3A_225 = arith.constant 0 : i32
        %sign3A_226 = arith.cmpi slt, %jit3A_213, %sign3A_225 : i32
        %sign3A_227 = arith.extui %sign3A_226 : i1 to i32
        %sign3A_228 = arith.subi %sign3A_224, %sign3A_227 : i32
        %ne3A_229 = arith.cmpi ne, %sign3A_221, %sign3A_228 : i32
        %rem3A_230 = arith.remsi %rem3A_209, %jit3A_213 : i32
        %ne3A_231 = arith.constant 0 : i32
        %ne3A_232 = arith.cmpi ne, %rem3A_230, %ne3A_231 : i32
        %and3A_233 = arith.andi %ne3A_229, %ne3A_232 : i1
        %sub3A_234 = arith.constant 1 : i32
        %sub3A_235 = arith.subi %div3A_214, %sub3A_234 : i32
        %select_n3A_236 = arith.select %and3A_233, %sub3A_235, %div3A_214 : i32
        %mul3A_237 = arith.constant 32 : i32
        %mul3A_238 = arith.muli %select_n3A_236, %mul3A_237 : i32
        %add3A_239 = arith.addi %mul3A_212, %mul3A_238 : i32
        %dma_start3A_240 = arith.constant 0 : i32
        %dma_start3A_241 = tpu.memref_slice %arg2[%add3A_239, %dma_start3A_240] : memref<24576x512xf32, #tpu.memory_space<hbm>> -> memref<32x512xf32, #tpu.memory_space<hbm>>
        %dma_start3A_242 = arith.constant 0 : i32
        %dma_start3A_243 = tpu.memref_slice %arg2[%add3A_239, %dma_start3A_242] : memref<24576x512xf32, #tpu.memory_space<hbm>> -> memref<32x512xf32, #tpu.memory_space<hbm>>
        tpu.enqueue_dma source(%dma_start3A_243 : memref<32x512xf32, #tpu.memory_space<hbm>>) target(%arg7 : memref<32x512xf32, #tpu.memory_space<vmem>>) target_semaphore(%arg13 : memref<!tpu.dma_semaphore, #tpu.memory_space<semaphore_mem>>)
      } else {
      }
      %dma_wait3A_162 = arith.constant 0 : i32
      %dma_wait3A_163 = arith.constant 0 : i32
      %dma_wait3A_164 = tpu.memref_slice %arg2[%dma_wait3A_162, %dma_wait3A_163] : memref<24576x512xf32, #tpu.memory_space<hbm>> -> memref<32x512xf32, #tpu.memory_space<hbm>>
      %dma_wait3A_165 = arith.constant 0 : i32
      %dma_wait3A_166 = arith.constant 0 : i32
      %dma_wait3A_167 = tpu.memref_slice %arg2[%dma_wait3A_165, %dma_wait3A_166] : memref<24576x512xf32, #tpu.memory_space<hbm>> -> memref<32x512xf32, #tpu.memory_space<hbm>>
      tpu.wait_dma2 semaphore(%arg14 : memref<!tpu.dma_semaphore, #tpu.memory_space<semaphore_mem>>) src(%dma_wait3A_167 : memref<32x512xf32, #tpu.memory_space<hbm>>) dst(%arg8 : memref<32x512xf32, #tpu.memory_space<vmem>>)
      %parallel_loop3A_168 = arith.constant 0 : i32
      %parallel_loop3A_169 = arith.constant 1024 : i32
      %parallel_loop3A_170 = arith.constant 1 : i32
      scf.for %parallel_loop3A_184 = %parallel_loop3A_168 to %parallel_loop3A_169 step %parallel_loop3A_170  : i32 {
        %parallel_loop3A_185 = arith.constant 5 : i32
        %parallel_loop3A_186 = arith.shrsi %parallel_loop3A_184, %parallel_loop3A_185 : i32
        %parallel_loop3A_187 = arith.constant 31 : i32
        %parallel_loop3A_188 = arith.andi %parallel_loop3A_184, %parallel_loop3A_187 : i32
        %parallel_loop3A_189 = arith.constant 16 : i32
        %parallel_loop3A_190 = arith.muli %parallel_loop3A_188, %parallel_loop3A_189 : i32
        %parallel_loop3A_191 = arith.index_cast %parallel_loop3A_186 : i32 to index
        %parallel_loop3A_192 = arith.index_cast %parallel_loop3A_190 : i32 to index
        %parallel_loop3A_193 = tpu.vector_load %arg8[%parallel_loop3A_191, %parallel_loop3A_192] {strides = array<i32>} : memref<32x512xf32, #tpu.memory_space<vmem>>, vector<16xf32>,
        %parallel_loop3A_194 = arith.constant 4.096000e+03 : f32
        %parallel_loop3A_195 = vector.broadcast %parallel_loop3A_194 : f32 to vector<16xf32>
        %parallel_loop3A_196 = arith.mulf %parallel_loop3A_193, %parallel_loop3A_195 : vector<16xf32>
        %parallel_loop3A_197 = arith.fptosi %parallel_loop3A_196 : vector<16xf32> to vector<16xi32>
        %parallel_loop3A_198 = arith.constant 4080 : i32
        %parallel_loop3A_199 = vector.broadcast %parallel_loop3A_198 : i32 to vector<16xi32>
        %parallel_loop3A_200 = arith.andi %parallel_loop3A_197, %parallel_loop3A_199 : vector<16xi32>
        %parallel_loop3A_201 = arith.ori %parallel_loop3A_200, %or3A_2 : vector<16xi32>
        tpu.vector_store_idx %arg9[%parallel_loop3A_201], %broadcast_in_dim3A_3 {add = true} : memref<8192xf32, #tpu.memory_space<vmem>>[vector<16xi32>], vector<16xf32>,
      } {sc.loop_unroll_factor = 8 : i64, sc.parallel_access}
      %mul3A_171 = arith.constant 4 : i32
      %mul3A_172 = arith.muli %scan3A_99, %mul3A_171 : i32
      %add3A_173 = arith.constant 32 : i32
      %add3A_174 = arith.addi %add3A_173, %mul3A_172 : i32
      %add3A_175 = arith.constant 3 : i32
      %add3A_176 = arith.addi %add3A_174, %add3A_175 : i32
      %add3A_177 = arith.constant 4 : i32
      %add3A_178 = arith.addi %add3A_176, %add3A_177 : i32
      %lt3A_179 = arith.constant 48 : i32
      %lt3A_180 = arith.cmpi slt, %add3A_178, %lt3A_179 : i32
      %convert_element_type3A_181 = arith.extui %lt3A_180 : i1 to i32
      %cond3A_182 = arith.constant 0 : i32
      %cond3A_183 = arith.cmpi ne, %convert_element_type3A_181, %cond3A_182 : i32
      scf.if %cond3A_183 {
        %mul3A_184 = arith.constant 4 : i32
        %mul3A_185 = arith.muli %scan3A_99, %mul3A_184 : i32
        %add3A_186 = arith.constant 3 : i32
        %add3A_187 = arith.addi %mul3A_185, %add3A_186 : i32
        %add3A_188 = arith.constant 4 : i32
        %add3A_189 = arith.addi %add3A_187, %add3A_188 : i32
        %jit3A = arith.constant 16 : i32
        %div3A = arith.divsi %add3A_189, %jit3A : i32
        %sign3A = arith.constant 0 : i32
        %sign3A_190 = arith.cmpi sgt, %add3A_189, %sign3A : i32
        %sign3A_191 = arith.extui %sign3A_190 : i1 to i32
        %sign3A_192 = arith.constant 0 : i32
        %sign3A_193 = arith.cmpi slt, %add3A_189, %sign3A_192 : i32
        %sign3A_194 = arith.extui %sign3A_193 : i1 to i32
        %sign3A_195 = arith.subi %sign3A_191, %sign3A_194 : i32
        %sign3A_196 = arith.constant 0 : i32
        %sign3A_197 = arith.cmpi sgt, %jit3A, %sign3A_196 : i32
        %sign3A_198 = arith.extui %sign3A_197 : i1 to i32
        %sign3A_199 = arith.constant 0 : i32
        %sign3A_200 = arith.cmpi slt, %jit3A, %sign3A_199 : i32
        %sign3A_201 = arith.extui %sign3A_200 : i1 to i32
        %sign3A_202 = arith.subi %sign3A_198, %sign3A_201 : i32
        %ne3A = arith.cmpi ne, %sign3A_195, %sign3A_202 : i32
        %rem3A = arith.remsi %add3A_189, %jit3A : i32
        %ne3A_203 = arith.constant 0 : i32
        %ne3A_204 = arith.cmpi ne, %rem3A, %ne3A_203 : i32
        %and3A = arith.andi %ne3A, %ne3A_204 : i1
        %sub3A = arith.constant 1 : i32
        %sub3A_205 = arith.subi %div3A, %sub3A : i32
        %select_n3A = arith.select %and3A, %sub3A_205, %div3A : i32
        %add3A_206 = arith.constant 2 : i32
        %add3A_207 = arith.addi %add3A_206, %select_n3A : i32
        %rem3A_208 = arith.constant 16 : i32
        %rem3A_209 = arith.remsi %add3A_189, %rem3A_208 : i32
        %add3A_210 = arith.addi %mul3A_7, %add3A_207 : i32
        %mul3A_211 = arith.constant 256 : i32
        %mul3A_212 = arith.muli %add3A_210, %mul3A_211 : i32
        %jit3A_213 = arith.constant 2 : i32
        %div3A_214 = arith.divsi %rem3A_209, %jit3A_213 : i32
        %sign3A_215 = arith.constant 0 : i32
        %sign3A_216 = arith.cmpi sgt, %rem3A_209, %sign3A_215 : i32
        %sign3A_217 = arith.extui %sign3A_216 : i1 to i32
        %sign3A_218 = arith.constant 0 : i32
        %sign3A_219 = arith.cmpi slt, %rem3A_209, %sign3A_218 : i32
        %sign3A_220 = arith.extui %sign3A_219 : i1 to i32
        %sign3A_221 = arith.subi %sign3A_217, %sign3A_220 : i32
        %sign3A_222 = arith.constant 0 : i32
        %sign3A_223 = arith.cmpi sgt, %jit3A_213, %sign3A_222 : i32
        %sign3A_224 = arith.extui %sign3A_223 : i1 to i32
        %sign3A_225 = arith.constant 0 : i32
        %sign3A_226 = arith.cmpi slt, %jit3A_213, %sign3A_225 : i32
        %sign3A_227 = arith.extui %sign3A_226 : i1 to i32
        %sign3A_228 = arith.subi %sign3A_224, %sign3A_227 : i32
        %ne3A_229 = arith.cmpi ne, %sign3A_221, %sign3A_228 : i32
        %rem3A_230 = arith.remsi %rem3A_209, %jit3A_213 : i32
        %ne3A_231 = arith.constant 0 : i32
        %ne3A_232 = arith.cmpi ne, %rem3A_230, %ne3A_231 : i32
        %and3A_233 = arith.andi %ne3A_229, %ne3A_232 : i1
        %sub3A_234 = arith.constant 1 : i32
        %sub3A_235 = arith.subi %div3A_214, %sub3A_234 : i32
        %select_n3A_236 = arith.select %and3A_233, %sub3A_235, %div3A_214 : i32
        %mul3A_237 = arith.constant 32 : i32
        %mul3A_238 = arith.muli %select_n3A_236, %mul3A_237 : i32
        %add3A_239 = arith.addi %mul3A_212, %mul3A_238 : i32
        %dma_start3A_240 = arith.constant 0 : i32
        %dma_start3A_241 = tpu.memref_slice %arg3[%add3A_239, %dma_start3A_240] : memref<24576x512xf32, #tpu.memory_space<hbm>> -> memref<32x512xf32, #tpu.memory_space<hbm>>
        %dma_start3A_242 = arith.constant 0 : i32
        %dma_start3A_243 = tpu.memref_slice %arg3[%add3A_239, %dma_start3A_242] : memref<24576x512xf32, #tpu.memory_space<hbm>> -> memref<32x512xf32, #tpu.memory_space<hbm>>
        tpu.enqueue_dma source(%dma_start3A_243 : memref<32x512xf32, #tpu.memory_space<hbm>>) target(%arg8 : memref<32x512xf32, #tpu.memory_space<vmem>>) target_semaphore(%arg14 : memref<!tpu.dma_semaphore, #tpu.memory_space<semaphore_mem>>)
      } else {
      }
    }
    %scan3A_89 = arith.constant 4 : i32
    %parallel_loop3A_90 = arith.constant 0 : i32
    %parallel_loop3A_91 = arith.constant 512 : i32
    %parallel_loop3A_92 = arith.constant 1 : i32
    scf.for %parallel_loop3A_99 = %parallel_loop3A_90 to %parallel_loop3A_91 step %parallel_loop3A_92  : i32 {
      %parallel_loop3A_100 = arith.constant 16 : i32
      %parallel_loop3A_101 = arith.muli %parallel_loop3A_99, %parallel_loop3A_100 : i32
      %parallel_loop3A_102 = arith.index_cast %parallel_loop3A_101 : i32 to index
      %parallel_loop3A_103 = tpu.vector_load %arg9[%parallel_loop3A_102] {strides = array<i32>} : memref<8192xf32, #tpu.memory_space<vmem>>, vector<16xf32>,
      %parallel_loop3A_104 = arith.constant true
      %parallel_loop3A_105 = vector.broadcast %parallel_loop3A_104 : i1 to vector<16xi1>
      %parallel_loop3A_106 = tpu.scan <sum>, %parallel_loop3A_103 masked %parallel_loop3A_105 : vector<16xf32>, vector<16xi1> -> vector<16xf32>
      %parallel_loop3A_107 = vector.extract %parallel_loop3A_106[15] : f32 from vector<16xf32>
      %parallel_loop3A_108 = vector.broadcast %parallel_loop3A_99 : i32 to vector<16xi32>
      %parallel_loop3A_109 = vector.broadcast %parallel_loop3A_107 : f32 to vector<16xf32>
      %parallel_loop3A_110 = arith.constant 0 : i32
      %parallel_loop3A_111 = vector.broadcast %parallel_loop3A_110 : i32 to vector<16xi32>
      %parallel_loop3A_112 = arith.cmpi eq, %iota3A, %parallel_loop3A_111 : vector<16xi32>
      tpu.vector_store_idx %arg10[%parallel_loop3A_108], %parallel_loop3A_109 masked %parallel_loop3A_112 : memref<512xf32, #tpu.memory_space<vmem>>[vector<16xi32>], vector<16xf32>, vector<16xi1>
    } {sc.loop_unroll_factor = 4 : i64, sc.parallel_access}
    %add3A_93 = arith.constant 2 : i32
    %add3A_94 = arith.addi %mul3A_7, %add3A_93 : i32
    %mul3A_95 = arith.constant 2 : i32
    %mul3A_96 = arith.muli %add3A_94, %mul3A_95 : i32
    %mul3A_97 = arith.constant 256 : i32
    %mul3A_98 = arith.muli %mul3A_96, %mul3A_97 : i32
    "tpu.region"() ({
      %run_scoped3A = tpu.sem_alloc : memref<!tpu.dma_semaphore, #tpu.memory_space<semaphore_mem>>
      %dma_start3A_99 = tpu.memref_slice %arg4[%mul3A_98] : memref<49152xf32, #tpu.memory_space<hbm>> -> memref<512xf32, #tpu.memory_space<hbm>>
      %dma_start3A_100 = tpu.memref_slice %arg4[%mul3A_98] : memref<49152xf32, #tpu.memory_space<hbm>> -> memref<512xf32, #tpu.memory_space<hbm>>
      tpu.enqueue_dma source(%arg10 : memref<512xf32, #tpu.memory_space<vmem>>) target(%dma_start3A_100 : memref<512xf32, #tpu.memory_space<hbm>>) target_semaphore(%run_scoped3A : memref<!tpu.dma_semaphore, #tpu.memory_space<semaphore_mem>>)
      %dma_wait3A = tpu.memref_slice %arg4[%mul3A_98] : memref<49152xf32, #tpu.memory_space<hbm>> -> memref<512xf32, #tpu.memory_space<hbm>>
      %dma_wait3A_101 = tpu.memref_slice %arg4[%mul3A_98] : memref<49152xf32, #tpu.memory_space<hbm>> -> memref<512xf32, #tpu.memory_space<hbm>>
      tpu.wait_dma2 semaphore(%run_scoped3A : memref<!tpu.dma_semaphore, #tpu.memory_space<semaphore_mem>>) src(%arg10 : memref<512xf32, #tpu.memory_space<vmem>>) dst(%dma_wait3A_101 : memref<512xf32, #tpu.memory_space<hbm>>)
      tpu.yield
    }) : () -> ()
    return
  }
}

</mosaic_0001>

<sc_bundles>
// kernel: kernel.3.cloned.1.call-start
scs
__scs_entry_jumppad:
0x0: {  	(pc) =	sbr.rel $0x88, $3  }
0x1: {  	(tag) =	ssettag $0x0;
	lr =	simm.s32 $0x1  }
0x2: {  	[smem:$0x3F9F] =	sst lr;
	_ =	strace $0xD0000000  }
0x3: {  	_ = 	snop  }
0x4: {  	_ = 	snop  }
0x5: {  	_ = 	snop  }
0x6: {  	_ = 	snop  }
0x7: {  	_ = 	snop  }
__scs_overlays_trampoline_lowered:
0x8: {  	[smem:$0x3FAE] =	sst s0  }
0x9: {  	[smem:$0x3FAF] =	sst s1  }
0xa: {  	[smem:$0x3FB0] =	sst s2  }
0xb: {  	[smem:$0x3FB1] =	sst s3  }
0xc: {  	[smem:$0x3FB2] =	sst s4  }
0xd: {  	[smem:$0x3FB3] =	sst s5  }
0xe: {  	[smem:$0x3FB4] =	sst s6  }
0xf: {  	[smem:$0x3FB5] =	sst s7  }
0x10: {  	[smem:$0x3FB6] =	sst s8  }
0x11: {  	[smem:$0x3FB7] =	sst s9;
	s0 =	simm.s32 @!p0 $0x0  }
0x12: {  	s1 =	sld [smem:$0x3F9D];
	s0 =	simm.s32 @p0 $0x1  }
0x13: {  	[smem:$0x3FB8] =	sst s0;
	s0 =	simm.s32 @!p1 $0x0  }
0x14: {  	s2 =	sld [smem:$0x3F9C];
	s0 =	simm.s32 @p1 $0x1  }
0x15: {  	[smem:$0x3FB9] =	sst s0;
	s0 =	simm.s32 @!p2 $0x0  }
0x16: {  	s3 =	sld [smem:$0x3FDB];
	s0 =	simm.s32 @p2 $0x1  }
0x17: {  	s4 =	simm.s32 $0x1BF5;
	[smem:$0x3FBB] =	sst s0  }
0x18: {  	s0 =	sld [smem:$0x3F9E];
	_ =	swait.ge [sflag:s4], $0x0  }
0x19: {  	s7 =	sld [smem:$0x3F9F]  }
0x1a: {  	s8 =	sadd.s32 $0xFFFFE003, lr  }
0x1b: {  	s9 =	sadd.s32 $0xFFFFFEF7, lr;
	s5 =	simm.s32 $0xFFFFFFFF;
	p2 =	slt.u32 s8, $0xFFFFF086  }
0x1c: {  	p1 =	slt.u32 s9, $0xF7A;
	s5 =	simm.s32 @!p2 $0x0  }
0x1d: {  	s5 =	simm.s32 @p1 $0x1;
	p0 =	seq.s32 s7, s2  }
0x1e: {  	s7 =	smul.u32 @!p0 $0xF7A, s2;
	p2 =	seq.s32 @!p0 s5, $0x0  }
0x1f: {  	s9 =	smul.u32 $0xF7A, s1;
	s8 =	simm.s32 @!p0 $0x1BF5;
	p2 =	por !p2, p0  }
0x20: {  	[sflag:s8] =	ssyncset.s32 @!p0 $0xFFFFF086;
	s6 =	sadd.s32 @!p0 s3, s7;
	s7 =	simm.s32 @!p0 $0x108  }
0x21: {  	s3 =	sadd.s32 s3, s9;
	s6 =	sadd.s32 @!p0 $0x88, s6;
	s7 =	simm.s32 @p2 $0x1082  }
0x22: {  	[simem:s7], [sflag:s8] =	dma.local @!p0 [hbm:s6], $0xF7A  }
0x23: {  	s9 =	sor.u32 $0xD0000000, s2;
	s6 =	simm.s32 $0x108;
	_ =	swait.ge @!p0 [sflag:s8], $0x0  }
0x24: {  	s3 =	sadd.s32 $0x88, s3;
	s6 =	simm.s32 @!p1 $0x1082;
	[sflag:s4] =	ssyncset.s32 $0xFFFFF086  }
0x25: {  	[simem:s6], [sflag:s4] =	dma.local [hbm:s3], $0xF7A  }
0x26: {  	[smem:$0x3F9F] =	sst s1;
	(tag) =	ssettag s2;
	_ =	strace s9  }
0x27: {  	s1 =	sld [smem:$0x3FAF]  }
0x28: {  	s2 =	sld [smem:$0x3FB0]  }
0x29: {  	s4 =	sld [smem:$0x3FB2]  }
0x2a: {  	p0 =	seq.s32 s5, $0x0;
	s5 =	sld [smem:$0x3FB3]  }
0x2b: {  	s6 =	sld [smem:$0x3FB4]  }
0x2c: {  	s7 =	sld [smem:$0x3FB5]  }
0x2d: {  	s3 =	simm.s32 $0x108;
	s8 =	sld [smem:$0x3FB6]  }
0x2e: {  	s3 =	simm.s32 @!p0 $0x1082;
	s9 =	sld [smem:$0x3FB7]  }
0x2f: {  	lr =	sadd.s32 s0, s3;
	s0 =	sld [smem:$0x3FAE]  }
0x30: {  	s3 =	sld [smem:$0x3FB1]  }
0x31: {  	[smem:$0x3FBA] =	sst s10  }
0x32: {  	s10 =	sld [smem:$0x3FB8];
	_ =	sdelay $0x3  }
0x33: {  	p0 =	seq.s32 s10, $0x1;
	s10 =	sld [smem:$0x3FBA];
	_ =	sdelay $0x3  }
0x34: {  	[smem:$0x3FBA] =	sst s10  }
0x35: {  	s10 =	sld [smem:$0x3FB9];
	_ =	sdelay $0x3  }
0x36: {  	p1 =	seq.s32 s10, $0x1;
	s10 =	sld [smem:$0x3FBA];
	_ =	sdelay $0x3  }
0x37: {  	[smem:$0x3FBA] =	sst s10  }
0x38: {  	s10 =	sld [smem:$0x3FBB]  }
0x39: {  	_ = 	snop;
	(pc) =	sbr.ind lr, $3  }
0x3a: {  	_ = 	snop  }
0x3b: {  	_ = 	snop  }
0x3c: {  	p2 =	seq.s32 s10, $0x1;
	s10 =	sld [smem:$0x3FBA]  }
0x3d: {  	_ =	shalt  }
0x3e: {  	_ =	shalt  }
0x3f: {  	_ =	shalt  }
0x40: {  	_ =	shalt  }
0x41: {  	_ =	shalt  }
0x42: {  	_ =	shalt  }
0x43: {  	_ =	shalt  }
0x44: {  	_ =	shalt  }
0x45: {  	_ =	shalt  }
0x46: {  	_ =	shalt  }
0x47: {  	_ =	shalt  }
0x48: {  	_ =	shalt  }
0x49: {  	_ =	shalt  }
0x4a: {  	_ =	shalt  }
0x4b: {  	_ =	shalt  }
0x4c: {  	_ =	shalt  }
0x4d: {  	_ =	shalt  }
0x4e: {  	_ =	shalt  }
0x4f: {  	_ =	shalt  }
0x50: {  	_ =	shalt  }
0x51: {  	_ =	shalt  }
0x52: {  	_ =	shalt  }
0x53: {  	_ =	shalt  }
0x54: {  	_ =	shalt  }
0x55: {  	_ =	shalt  }
0x56: {  	_ =	shalt  }
0x57: {  	_ =	shalt  }
0x58: {  	_ =	shalt  }
0x59: {  	_ =	shalt  }
0x5a: {  	_ =	shalt  }
0x5b: {  	_ =	shalt  }
0x5c: {  	_ =	shalt  }
0x5d: {  	_ =	shalt  }
0x5e: {  	_ =	shalt  }
0x5f: {  	_ =	shalt  }
0x60: {  	_ =	shalt  }
0x61: {  	_ =	shalt  }
0x62: {  	_ =	shalt  }
0x63: {  	_ =	shalt  }
0x64: {  	_ =	shalt  }
0x65: {  	_ =	shalt  }
0x66: {  	_ =	shalt  }
0x67: {  	_ =	shalt  }
0x68: {  	_ =	shalt  }
0x69: {  	_ =	shalt  }
0x6a: {  	_ =	shalt  }
0x6b: {  	_ =	shalt  }
0x6c: {  	_ =	shalt  }
0x6d: {  	_ =	shalt  }
0x6e: {  	_ =	shalt  }
0x6f: {  	_ =	shalt  }
0x70: {  	_ =	shalt  }
0x71: {  	_ =	shalt  }
0x72: {  	_ =	shalt  }
0x73: {  	_ =	shalt  }
0x74: {  	_ =	shalt  }
0x75: {  	_ =	shalt  }
0x76: {  	_ =	shalt  }
0x77: {  	_ =	shalt  }
0x78: {  	_ =	shalt  }
0x79: {  	_ =	shalt  }
0x7a: {  	_ =	shalt  }
0x7b: {  	_ =	shalt  }
0x7c: {  	_ =	shalt  }
0x7d: {  	_ =	shalt  }
0x7e: {  	_ =	shalt  }
0x7f: {  	_ =	shalt  }
0x80: {  	_ =	shalt  }
0x81: {  	_ =	shalt  }
0x82: {  	_ =	shalt  }
0x83: {  	_ =	shalt  }
0x84: {  	_ =	shalt  }
0x85: {  	_ =	shalt  }
0x86: {  	_ =	shalt  }
0x87: {  	_ =	shalt  }
.Lfunc_end0:
.L_simem_size_0:
called_computation_lowered:
.L_overlay_start_0:
0x88: {  	s2 =	sld [smem:$0x3FD9]  }
0x89: {  	s3 =	sld [smem:$0x3FFE];
	_ =	sdelay $0x1  }
0x8a: {  	s1 =	srdreg.scid  }
0x8b: {  	s0 =	sand.u32 $0x1, s1  }
0x8c: {  	s17 =	sshll.u32 s0, $0xA;
	s2 =	sadd.s32 s3, s2  }
0x8d: {  	s2 =	sadd.s32 s2, s17  }
0x8e: {  	[smem:$0x3FC6] =	sst s2  }
0x8f: {  	_ = 	snop  }
0x90: {  	s2 =	sld [smem:$0x3FC9]  }
0x91: {  	s18 =	sld [smem:$0x3FC8];
	(tm) =	ssettm $0x1  }
0x92: {  	s4 =	sld [smem:$0x3FFB];
	_ =	sdelay $0x3  }
0x93: {  	_ =	strace s4  }
0x94: {  	s4 =	sld [smem:$0x3FFC];
	_ =	sdelay $0x3  }
0x95: {  	_ =	strace s4  }
0x96: {  	s4 =	sld [smem:$0x3FFD];
	_ =	sdelay $0x3  }
0x97: {  	_ =	strace s4  }
0x98: {  	_ =	strace $0x8FFFFFFF  }
0x99: {  	s19 =	sld [smem:$0x3FDB];
	_ =	sdelay $0x1  }
0x9a: {  	s5 =	simm.s32 $_scs_section_size  }
0x9b: {  	s6 =	simm.s32 $_size__tile_overlayer_lowered;
	s7 =	simm.s32 $_tile_overlayer_lowered  }
0x9c: {  	s22 =	simm.s32 $0x1BFF;
	s21 =	sshll.u32 s7, $0x1;
	s4 =	sadd.s32 s5, s19  }
0x9d: {  	s8 =	simm.s32 $0x0;
	s20 =	sshll.u32 s6, $0x1;
	s6 =	sadd.s32 s21, s4  }
0x9e: {  	[timem:s8], [sflag:s22] =	dma.local [hbm:s6], s20  }
0x9f: {  	_ =	swait.ge [sflag:s22], s20  }
0xa0: {  	s5 =	ssub.s32 $0x0, s20;
	[sflag:s22] =	ssyncset.done $0x0  }
0xa1: {  	[sflag:s22] =	ssyncadd.s32 s5;
	_ =	sdelay $0x1  }
0xa2: {  	s23 =	simm.s32 $0x1B8B  }
0xa3: {  	_ =	swait.ge [sflag:s23], $0x1  }
0xa4: {  	[sflag:s23] =	ssyncset.done $0x0  }
0xa5: {  	s25 =	simm.s32 $0x1B8E;
	s24 =	sld [smem:$0x3FFE];
	[sflag:s23] =	ssyncadd.s32 $0xFFFFFFFF  }
0xa6: {  	s26 =	simm.s32 $execute0_lowered;
	[smem:$0x3FD2] =	sst s25  }
0xa7: {  	s6 =	sshll.u32 s26, $0x1;
	_ =	strace $0x80000046;
	[dreg:$0x1] =	wrdreg $0xFFFFFFFF  }
0xa8: {  	s28 =	simm.s32 $_size_execute0_lowered;
	s4 =	sadd.s32 s4, s6;
	[dreg:$0x0] =	wrdreg $0x0  }
0xa9: {  	s6 =	sshll.u32 s28, $0x1;
	[dreg:$0x2] =	wrdreg s4  }
0xaa: {  	[dreg:$0x3] =	wrdreg s6  }
0xab: {  	[dreg:$0x4] =	wrdreg $0xC0  }
0xac: {  	_ =	task [dreg:s8], $0x5FFFF  }
0xad: {  	[dreg:$0x1] =	wrdreg $0xFFFFFFFF  }
0xae: {  	[dreg:$0x0] =	wrdreg $0x60  }
0xaf: {  	[dreg:$0x2] =	wrdreg s2  }
0xb0: {  	[dreg:$0x3] =	wrdreg s18  }
0xb1: {  	[dreg:$0x4] =	wrdreg s24  }
0xb2: {  	[dreg:$0x5] =	wrdreg $0x9  }
0xb3: {  	_ =	task.clear_ibuf [dreg:s8], $0x6FFFF;
	_ =	strace $0x90000046  }
0xb4: {  	s29 =	simm.s32 $0x9;
	_ =	strace $0x80000048  }
0xb5: {  	_ =	swait.ge [sflag:s29], $0x1  }
0xb6: {  	[sflag:s29] =	ssyncadd.s32 $0xFFFFFFFF  }
0xb7: {  	_ =	strace $0x90000048  }
0xb8: {  	_ =	sfence  }
0xb9: {  	s30 =	sld [smem:$0x0];
	_ =	sdelay $0x2  }
0xba: {  	s31 =	sshll.u32 s1, $0xD;
	s1 =	sshrl.u32 s1, $0x2  }
0xbb: {  	s3 =	sand.u32 $0x4000, s31;
	s1 =	sadd.s32 s1, s30  }
0xbc: {  	s0 =	sor.u32 s3, s0;
	s1 =	sshll.u32 s1, $0x11  }
0xbd: {  	s0 =	sor.u32 s1, s0  }
0xbe: {  	s0 =	sadd.s32 $0x8F2B, s0  }
0xbf: {  	[sflag:s0] =	ssyncadd.remote.s32 $0x1  }
0xc0: {  	_ =	sfence.sel $0xFFFF  }
0xc1: {  	[dreg:$0x0] =	wrdreg $0xFFFFFFFF;
	(pc) =	sbr.abs _section_cstart, $3  }
0xc2: {  	[dreg:$0x1] =	wrdreg $0xFFFFFFFF  }
0xc3: {  	_ =	task.clear_ibuf [dreg:s8], $0x2FFFF;
	_ =	strace $0x9FFFFFFF  }
0xc4: {  	(tm) =	ssettm $0x7FFFFFFF  }
0xc5: {  	_ =	shalt  }
tec
execute0_lowered:
.L_overlay_start_1:
0x0: {  	(tag) =	ssettag $0x1  }
0x1: {  	s1 =	rddreg [dreg:$0x0]  }
0x2: {  	s3 =	rddreg [dreg:$0x1];
	s2 =	srdreg.scid  }
0x3: {  	s0 =	stileid.u32;
	s12 =	rddreg [dreg:$0x2]  }
0x4: {  	s4 =	simm.s32 $0x0;
	s16 =	simm.s32 $0x4000;
	s17 =	simm.s32 $0x8000  }
0x5: {  	s18 =	simm.s32 $0xC000;
	s19 =	simm.s32 $0x1;
	s20 =	simm.s32 $0x10000  }
0x6: {  	s21 =	simm.s32 $0x2;
	s2 =	sand.u32 $0x1, s2;
	s5 =	sshll.u32 s0, $0x1  }
0x7: {  	s22 =	simm.s32 $0x3;
	s23 =	simm.s32 $0x4;
	s8 =	sor.u32 s2, s5  }
0x8: {  	s24 =	simm.s32 $0x12000;
	s25 =	simm.s32 $0x5;
	s9 =	smul.u32 $0xC000, s8  }
0x9: {  	s26 =	simm.s32 $0x0;
	s2 =	ssub.s32 $0x2, s2;
	s5 =	smul.u32 $0x3, s8  }
0xa: {  	[smem:$0x7FF] =	sst s4;
	s6 =	sshrl.u32 s2, $0x1;
	s10 =	smul.u32 $0x600, s8  }
0xb: {  	_ =	strace $0x80000047;
	s11 =	smul.u32 $0xC0, s8;
	s2 =	ssub.s32 s2, s6  }
0xc: {  	s30 =	sadd.s32 s1, s9;
	s31 =	sadd.s32 s3, s9;
	s9 =	sor.u32 $0x800, s9  }
0xd: {  	s13 =	sshrl.u32 s10, $0x3;
	s10 =	sadd.s32 s12, s11;
	[dreg:$0x4] =	wrdreg s30  }
0xe: {  	s11 =	sadd.s32 $0x1, s5;
	s15 =	smax.u32 s2, $0x1;
	[dreg:$0x5] =	wrdreg s31  }
0xf: {  	v0 =	vlaneseq.u32;
	s8 =	sadd.s32 s1, s9;
	s9 =	sadd.s32 s3, s9;
	s14 =	sadd.s32 s12, s13  }
0x10: {  	v1 =	vimm.f32 $0.0e+00;
	v2 =	vimm.f32 $1.000000000e+00;
	v3 =	vor.u32 $0x1000, v0;
	s13 =	sadd.s32 $0x2, s5;
	s12 =	sadd.s32 $0x40, s14;
	s14 =	sadd.s32 $0x80, s14  }
.LBB2_1:
0x11: {  	s0 =	rddreg [dreg:$0x4]  }
0x12: {  	[tilespmem:s4], [sflag:$0x1] =	stream.linear.gather [hbm4b:s0+s4], $0x4000, $0x38;
	[tilespmem:$0x12200] =	vst v63  }
0x13: {  	s31 =	rddreg [dreg:$0x5]  }
0x14: {  	[tilespmem:s16], [sflag:$0x2] =	stream.linear.gather [hbm4b:s31+s4], $0x4000, $0x38;
	[tilespmem:$0x12200] =	vst v63  }
0x15: {  	_ = 	snop  }
0x16: {  	[tilespmem:s17], [sflag:$0x3] =	stream.linear.gather [hbm4b:s8+s4], $0x4000, $0x38;
	[tilespmem:$0x12200] =	vst v63  }
0x17: {  	s2 =	simm.s32 $0x10040  }
0x18: {  	[tilespmem:s18], [sflag:$0x4] =	stream.linear.gather [hbm4b:s9+s4], $0x4000, $0x38;
	[tilespmem:$0x12200] =	vst v63  }
0x19: {  	[tilespmem:s2+$0xFFFFFFC0] =	vst v1  }
0x1a: {  	[tilespmem:s2+$0x30] =	vst v1  }
0x1b: {  	[tilespmem:s2+$0x20] =	vst v1  }
0x1c: {  	[tilespmem:s2+$0x10] =	vst v1  }
0x1d: {  	[tilespmem:s2+$0x0] =	vst v1  }
0x1e: {  	[tilespmem:s2+$0xFFFFFFF0] =	vst v1  }
0x1f: {  	s28 =	simm.s32 $0x0;
	[tilespmem:s2+$0xFFFFFFE0] =	vst v1  }
.LBB2_2:
0x20: {  	s28 =	sadd.s32 $0x8, s28;
	[tilespmem:s2+$0xFFFFFFD0] =	vst v1;
	s2 =	sadd.s32 $0x80, s2  }
0x21: {  	[tilespmem:s2+$0xFFFFFFC0] =	vst v1;
	p0 =	slt.u32 s28, $0x1F8  }
0x22: {  	[tilespmem:s2+$0x30] =	vst v1  }
.Ltmp0:
0x23: {  	[tilespmem:s2+$0x20] =	vst v1;
	(pc) =	sbr.rel @p0 .LBB2_2-.Ltmp0, $4  }
0x24: {  	[tilespmem:s2+$0x10] =	vst v1  }
0x25: {  	[tilespmem:s2+$0x0] =	vst v1  }
0x26: {  	[tilespmem:s2+$0xFFFFFFF0] =	vst v1  }
0x27: {  	[tilespmem:s2+$0xFFFFFFE0] =	vst v1  }
0x28: {  	[tilespmem:s2+$0xFFFFFFD0] =	vst v1;
	s28 =	simm.s32 $0x0;
	s29 =	simm.s32 $0x0  }
.LBB2_4:
0x29: {  	_ =	swait.ge [sflag:s19], $0x4000;
	s2 =	simm.s32 $0x0  }
0x2a: {  	s30 =	sand.u32 $0xC00, s28;
	s31 =	simm.s32 $0x0;
	s2 =	sand.u32 $0x3000, s2  }
0x2b: {  	[sflag:s19] =	ssyncset.done $0x0;
	s31 =	sand.u32 $0x380, s31;
	s2 =	sor.u32 s30, s2  }
0x2c: {  	[sflag:s19] =	ssyncadd.s32 $0xFFFFC000;
	s2 =	sor.u32 s31, s2  }
0x2d: {  	v4 =	vld [tilespmem:s2+$0x70]  }
0x2e: {  	v5 =	vld [tilespmem:s2+$0x0]  }
0x2f: {  	v6 =	vld [tilespmem:s2+$0x10]  }
0x30: {  	v7 =	vld [tilespmem:s2+$0x20]  }
0x31: {  	v8 =	vld [tilespmem:s2+$0x30]  }
0x32: {  	v9 =	vld [tilespmem:s2+$0x40]  }
0x33: {  	v10 =	vld [tilespmem:s2+$0x50];
	v4 =	vmul.f32 $4.096000000e+03, v4  }
0x34: {  	v11 =	vld [tilespmem:s2+$0x60]  }
0x35: {  	s7 =	simm.s32 $0x80;
	s30 =	simm.s32 $0x400;
	v5 =	vmul.f32 $4.096000000e+03, v5;
	v4 =	vtrunc.f32 v4  }
0x36: {  	s0 =	simm.s32 $0x20;
	s31 =	sand.u32 $0xC00, s30;
	s2 =	sand.u32 $0x3000, s7;
	v6 =	vmul.f32 $4.096000000e+03, v6;
	v4 =	vcvt.f32.s32 v4  }
0x37: {  	s0 =	sand.u32 $0x380, s0;
	s2 =	sor.u32 s31, s2;
	v7 =	vmul.f32 $4.096000000e+03, v7;
	v8 =	vmul.f32 $4.096000000e+03, v8  }
0x38: {  	s0 =	sor.u32 s0, s2;
	v9 =	vmul.f32 $4.096000000e+03, v9;
	v10 =	vmul.f32 $4.096000000e+03, v10;
	v4 =	vand.u32 $0xFF0, v4  }
0x39: {  	v12 =	vld [tilespmem:s0+$0x70];
	v11 =	vmul.f32 $4.096000000e+03, v11;
	v5 =	vtrunc.f32 v5;
	v4 =	vor.u32 v0, v4  }
0x3a: {  	v6 =	vtrunc.f32 v6;
	v7 =	vtrunc.f32 v7  }
0x3b: {  	v8 =	vtrunc.f32 v8;
	v9 =	vtrunc.f32 v9  }
0x3c: {  	v10 =	vtrunc.f32 v10;
	v5 =	vcvt.f32.s32 v5  }
0x3d: {  	v13 =	vld [tilespmem:s0+$0x0];
	v11 =	vtrunc.f32 v11;
	v6 =	vcvt.f32.s32 v6  }
0x3e: {  	v20 =	vmul.f32 $4.096000000e+03, v12;
	v5 =	vand.u32 $0xFF0, v5;
	[tilespmem:v4+s20+$0x0] =	vst.idx.add.f32.msk $0xffff, v2;
	v4 =	vcvt.f32.s32 v7  }
0x3f: {  	v14 =	vld [tilespmem:s0+$0x10];
	v6 =	vand.u32 $0xFF0, v6;
	v7 =	vcvt.f32.s32 v8;
	v8 =	vcvt.f32.s32 v9  }
0x40: {  	v17 =	vld [tilespmem:s0+$0x30];
	v5 =	vor.u32 v0, v5;
	v9 =	vcvt.f32.s32 v10;
	v10 =	vcvt.f32.s32 v11  }
0x41: {  	v18 =	vor.u32 v0, v6;
	v11 =	vld [tilespmem:s0+$0x20];
	v4 =	vand.u32 $0xFF0, v4;
	v7 =	vand.u32 $0xFF0, v7  }
0x42: {  	v15 =	vand.u32 $0xFF0, v8;
	v19 =	vand.u32 $0xFF0, v10;
	v10 =	vld [tilespmem:s0+$0x40];
	v8 =	vor.u32 v0, v4  }
0x43: {  	v21 =	vmul.f32 $4.096000000e+03, v13;
	v12 =	vld [tilespmem:s0+$0x50];
	v16 =	vand.u32 $0xFF0, v9;
	v7 =	vor.u32 v0, v7  }
0x44: {  	v9 =	vld [tilespmem:s0+$0x60];
	v6 =	vor.u32 v0, v15;
	v15 =	vmul.f32 $4.096000000e+03, v14;
	v14 =	vtrunc.f32 v20  }
0x45: {  	[tilespmem:v5+s20+$0x0] =	vst.idx.add.f32.msk $0xffff, v2;
	v4 =	vor.u32 v0, v16;
	v16 =	vcvt.f32.s32 v14;
	v14 =	vmul.f32 $4.096000000e+03, v17  }
0x46: {  	s31 =	simm.s32 $0x8;
	[tilespmem:v18+s20+$0x0] =	vst.idx.add.f32.msk $0xffff, v2;
	v5 =	vor.u32 v0, v19;
	v13 =	vmul.f32 $4.096000000e+03, v11;
	v11 =	vtrunc.f32 v21  }
.LBB2_5:
0x47: {  	s31 =	sadd.s32 $0x8, s31;
	v15 =	vtrunc.f32 v15;
	v10 =	vmul.f32 $4.096000000e+03, v10;
	v16 =	vand.u32 $0xFF0, v16;
	[tilespmem:v8+s20+$0x0] =	vst.idx.add.f32.msk $0xffff, v2  }
0x48: {  	v8 =	vtrunc.f32 v13;
	s30 =	sadd.s32 $0x400, s30;
	s0 =	sshll.u32 s31, $0x4;
	p0 =	slt.u32 s31, $0x3F8;
	v12 =	vmul.f32 $4.096000000e+03, v12;
	v13 =	vor.u32 v0, v16;
	[tilespmem:v7+s20+$0x0] =	vst.idx.add.f32.msk $0xffff, v2  }
0x49: {  	s2 =	sand.u32 $0xC00, s30;
	s6 =	sshll.u32 s31, $0x2;
	v7 =	vtrunc.f32 v14;
	s0 =	sand.u32 $0x3000, s0;
	v9 =	vmul.f32 $4.096000000e+03, v9;
	[tilespmem:v6+s20+$0x0] =	vst.idx.add.f32.msk $0xffff, v2  }
0x4a: {  	s6 =	sand.u32 $0x380, s6;
	v6 =	vtrunc.f32 v10;
	s0 =	sor.u32 s2, s0;
	v10 =	vtrunc.f32 v12;
	[tilespmem:v4+s20+$0x0] =	vst.idx.add.f32.msk $0xffff, v2  }
0x4b: {  	v4 =	vcvt.f32.s32 v11;
	s0 =	sor.u32 s6, s0;
	v9 =	vtrunc.f32 v9;
	[tilespmem:v5+s20+$0x0] =	vst.idx.add.f32.msk $0xffff, v2  }
0x4c: {  	v8 =	vcvt.f32.s32 v8;
	v11 =	vcvt.f32.s32 v15;
	v5 =	vld [tilespmem:s0+$0x70]  }
0x4d: {  	v7 =	vcvt.f32.s32 v7;
	v6 =	vcvt.f32.s32 v6;
	v4 =	vand.u32 $0xFF0, v4;
	[tilespmem:v13+s20+$0x0] =	vst.idx.add.f32.msk $0xffff, v2  }
0x4e: {  	v10 =	vcvt.f32.s32 v10;
	v11 =	vand.u32 $0xFF0, v11;
	v9 =	vcvt.f32.s32 v9;
	v12 =	vld [tilespmem:s0+$0x0]  }
0x4f: {  	v8 =	vand.u32 $0xFF0, v8;
	v7 =	vand.u32 $0xFF0, v7;
	v6 =	vand.u32 $0xFF0, v6;
	v13 =	vld [tilespmem:s0+$0x10]  }
0x50: {  	v17 =	vor.u32 v0, v4;
	v4 =	vand.u32 $0xFF0, v10;
	v9 =	vand.u32 $0xFF0, v9;
	v14 =	vld [tilespmem:s0+$0x20]  }
0x51: {  	v8 =	vor.u32 v0, v8;
	v7 =	vor.u32 v0, v7;
	v19 =	vor.u32 v0, v11;
	v18 =	vld [tilespmem:s0+$0x30]  }
.Ltmp1:
0x52: {  	v6 =	vor.u32 v0, v6;
	v4 =	vor.u32 v0, v4;
	v11 =	vmul.f32 $4.096000000e+03, v5;
	v10 =	vld [tilespmem:s0+$0x40];
	(pc) =	sbr.rel @p0 .LBB2_5-.Ltmp1, $4  }
0x53: {  	v5 =	vor.u32 v0, v9;
	v20 =	vmul.f32 $4.096000000e+03, v12;
	v12 =	vld [tilespmem:s0+$0x50]  }
0x54: {  	v11 =	vtrunc.f32 v11;
	v15 =	vmul.f32 $4.096000000e+03, v13;
	v9 =	vld [tilespmem:s0+$0x60]  }
0x55: {  	v16 =	vcvt.f32.s32 v11;
	v13 =	vmul.f32 $4.096000000e+03, v14;
	[tilespmem:v17+s20+$0x0] =	vst.idx.add.f32.msk $0xffff, v2  }
0x56: {  	v11 =	vtrunc.f32 v20;
	v14 =	vmul.f32 $4.096000000e+03, v18;
	[tilespmem:v19+s20+$0x0] =	vst.idx.add.f32.msk $0xffff, v2  }
0x57: {  	v15 =	vtrunc.f32 v15  }
0x58: {  	v10 =	vmul.f32 $4.096000000e+03, v10;
	v13 =	vtrunc.f32 v13  }
0x59: {  	v16 =	vand.u32 $0xFF0, v16;
	v11 =	vcvt.f32.s32 v11;
	v12 =	vmul.f32 $4.096000000e+03, v12  }
0x5a: {  	v14 =	vtrunc.f32 v14;
	v16 =	vor.u32 v0, v16;
	v15 =	vcvt.f32.s32 v15  }
0x5b: {  	[tilespmem:v7+s20+$0x0] =	vst.idx.add.f32.msk $0xffff, v2;
	v9 =	vmul.f32 $4.096000000e+03, v9;
	v10 =	vtrunc.f32 v10;
	v11 =	vand.u32 $0xFF0, v11  }
0x5c: {  	[tilespmem:v6+s20+$0x0] =	vst.idx.add.f32.msk $0xffff, v2;
	v7 =	vcvt.f32.s32 v14;
	v11 =	vor.u32 v0, v11;
	v6 =	vcvt.f32.s32 v10  }
0x5d: {  	[tilespmem:v8+s20+$0x0] =	vst.idx.add.f32.msk $0xffff, v2;
	v8 =	vtrunc.f32 v9;
	v9 =	vcvt.f32.s32 v13;
	v13 =	vand.u32 $0xFF0, v15  }
0x5e: {  	v12 =	vtrunc.f32 v12;
	v7 =	vand.u32 $0xFF0, v7;
	v10 =	vor.u32 v0, v13  }
0x5f: {  	[tilespmem:v4+s20+$0x0] =	vst.idx.add.f32.msk $0xffff, v2;
	v4 =	vcvt.f32.s32 v12;
	v6 =	vand.u32 $0xFF0, v6;
	v7 =	vor.u32 v0, v7  }
0x60: {  	[tilespmem:v5+s20+$0x0] =	vst.idx.add.f32.msk $0xffff, v2;
	v5 =	vcvt.f32.s32 v8;
	v9 =	vand.u32 $0xFF0, v9;
	v6 =	vor.u32 v0, v6  }
0x61: {  	[tilespmem:v16+s20+$0x0] =	vst.idx.add.f32.msk $0xffff, v2;
	v4 =	vand.u32 $0xFF0, v4;
	v9 =	vor.u32 v0, v9  }
0x62: {  	v5 =	vand.u32 $0xFF0, v5;
	v4 =	vor.u32 v0, v4;
	[tilespmem:v11+s20+$0x0] =	vst.idx.add.f32.msk $0xffff, v2  }
0x63: {  	s30 =	sshll.u32 s29, $0x2;
	v5 =	vor.u32 v0, v5;
	[tilespmem:v10+s20+$0x0] =	vst.idx.add.f32.msk $0xffff, v2  }
0x64: {  	s0 =	sadd.s32 $0x4, s30;
	[tilespmem:v7+s20+$0x0] =	vst.idx.add.f32.msk $0xffff, v2  }
0x65: {  	s2 =	sshrl.u32 s0, $0x4;
	s0 =	sshll.u32 s0, $0xA;
	[tilespmem:v6+s20+$0x0] =	vst.idx.add.f32.msk $0xffff, v2  }
0x66: {  	s2 =	sadd.s32 s5, s2;
	s0 =	sand.u32 $0x3000, s0;
	[tilespmem:v9+s20+$0x0] =	vst.idx.add.f32.msk $0xffff, v2  }
0x67: {  	s6 =	simm.s32 $0x0;
	s2 =	sshll.u32 s2, $0xE;
	s0 =	sadd.s32 s1, s0;
	[tilespmem:v4+s20+$0x0] =	vst.idx.add.f32.msk $0xffff, v2  }
0x68: {  	s7 =	simm.s32 $0x0;
	s0 =	sadd.s32 s2, s0;
	s2 =	sand.u32 $0xC00, s6;
	[tilespmem:v5+s20+$0x0] =	vst.idx.add.f32.msk $0xffff, v2  }
0x69: {  	[tilespmem:s6], [sflag:$0x1] =	stream.linear.gather [hbm4b:s0+s6], $0x4000, $0x38;
	[tilespmem:$0x12200] =	vst v63  }
0x6a: {  	s0 =	sand.u32 $0x3000, s7;
	s6 =	simm.s32 $0x0;
	_ =	swait.ge [sflag:s21], $0x4000  }
0x6b: {  	s6 =	sand.u32 $0x380, s6;
	s0 =	sor.u32 s2, s0;
	[sflag:s21] =	ssyncset.done $0x0  }
0x6c: {  	s0 =	sor.u32 s6, s0;
	[sflag:s21] =	ssyncadd.s32 $0xFFFFC000  }
0x6d: {  	v4 =	vld [tilespmem:s0+$0x4070]  }
0x6e: {  	v5 =	vld [tilespmem:s0+$0x4000]  }
0x6f: {  	v6 =	vld [tilespmem:s0+$0x4010]  }
0x70: {  	v7 =	vld [tilespmem:s0+$0x4020]  }
0x71: {  	v8 =	vld [tilespmem:s0+$0x4030]  }
0x72: {  	v9 =	vld [tilespmem:s0+$0x4040]  }
0x73: {  	v10 =	vld [tilespmem:s0+$0x4050];
	v4 =	vmul.f32 $4.096000000e+03, v4  }
0x74: {  	v11 =	vld [tilespmem:s0+$0x4060]  }
0x75: {  	s31 =	simm.s32 $0x400;
	s6 =	simm.s32 $0x80;
	v5 =	vmul.f32 $4.096000000e+03, v5;
	v4 =	vtrunc.f32 v4  }
0x76: {  	s7 =	simm.s32 $0x20;
	s2 =	sand.u32 $0xC00, s31;
	s0 =	sand.u32 $0x3000, s6;
	v6 =	vmul.f32 $4.096000000e+03, v6;
	v4 =	vcvt.f32.s32 v4  }
0x77: {  	s6 =	sand.u32 $0x380, s7;
	s0 =	sor.u32 s2, s0;
	v7 =	vmul.f32 $4.096000000e+03, v7;
	v8 =	vmul.f32 $4.096000000e+03, v8  }
0x78: {  	s0 =	sor.u32 s6, s0;
	v9 =	vmul.f32 $4.096000000e+03, v9;
	v10 =	vmul.f32 $4.096000000e+03, v10;
	v4 =	vand.u32 $0xFF0, v4  }
0x79: {  	v12 =	vld [tilespmem:s0+$0x4070];
	v11 =	vmul.f32 $4.096000000e+03, v11;
	v5 =	vtrunc.f32 v5;
	v4 =	vor.u32 v3, v4  }
0x7a: {  	v6 =	vtrunc.f32 v6;
	v7 =	vtrunc.f32 v7  }
0x7b: {  	v8 =	vtrunc.f32 v8;
	v9 =	vtrunc.f32 v9  }
0x7c: {  	v10 =	vtrunc.f32 v10;
	v5 =	vcvt.f32.s32 v5  }
0x7d: {  	v13 =	vld [tilespmem:s0+$0x4000];
	v11 =	vtrunc.f32 v11;
	v6 =	vcvt.f32.s32 v6  }
0x7e: {  	v20 =	vmul.f32 $4.096000000e+03, v12;
	v5 =	vand.u32 $0xFF0, v5;
	[tilespmem:v4+s20+$0x0] =	vst.idx.add.f32.msk $0xffff, v2;
	v4 =	vcvt.f32.s32 v7  }
0x7f: {  	v14 =	vld [tilespmem:s0+$0x4010];
	v6 =	vand.u32 $0xFF0, v6;
	v7 =	vcvt.f32.s32 v8;
	v8 =	vcvt.f32.s32 v9  }
0x80: {  	v17 =	vld [tilespmem:s0+$0x4030];
	v5 =	vor.u32 v3, v5;
	v9 =	vcvt.f32.s32 v10;
	v10 =	vcvt.f32.s32 v11  }
0x81: {  	v18 =	vor.u32 v3, v6;
	v11 =	vld [tilespmem:s0+$0x4020];
	v4 =	vand.u32 $0xFF0, v4;
	v7 =	vand.u32 $0xFF0, v7  }
0x82: {  	v15 =	vand.u32 $0xFF0, v8;
	v19 =	vand.u32 $0xFF0, v10;
	v10 =	vld [tilespmem:s0+$0x4040];
	v8 =	vor.u32 v3, v4  }
0x83: {  	v21 =	vmul.f32 $4.096000000e+03, v13;
	v12 =	vld [tilespmem:s0+$0x4050];
	v16 =	vand.u32 $0xFF0, v9;
	v7 =	vor.u32 v3, v7  }
0x84: {  	v9 =	vld [tilespmem:s0+$0x4060];
	v6 =	vor.u32 v3, v15;
	v15 =	vmul.f32 $4.096000000e+03, v14;
	v14 =	vtrunc.f32 v20  }
0x85: {  	[tilespmem:v5+s20+$0x0] =	vst.idx.add.f32.msk $0xffff, v2;
	v4 =	vor.u32 v3, v16;
	v16 =	vcvt.f32.s32 v14;
	v14 =	vmul.f32 $4.096000000e+03, v17  }
0x86: {  	s2 =	simm.s32 $0x8;
	[tilespmem:v18+s20+$0x0] =	vst.idx.add.f32.msk $0xffff, v2;
	v5 =	vor.u32 v3, v19;
	v13 =	vmul.f32 $4.096000000e+03, v11;
	v11 =	vtrunc.f32 v21  }
.LBB2_7:
0x87: {  	s2 =	sadd.s32 $0x8, s2;
	v15 =	vtrunc.f32 v15;
	v10 =	vmul.f32 $4.096000000e+03, v10;
	v16 =	vand.u32 $0xFF0, v16;
	[tilespmem:v8+s20+$0x0] =	vst.idx.add.f32.msk $0xffff, v2  }
0x88: {  	v8 =	vtrunc.f32 v13;
	s31 =	sadd.s32 $0x400, s31;
	s0 =	sshll.u32 s2, $0x4;
	p0 =	slt.u32 s2, $0x3F8;
	v12 =	vmul.f32 $4.096000000e+03, v12;
	v13 =	vor.u32 v3, v16;
	[tilespmem:v7+s20+$0x0] =	vst.idx.add.f32.msk $0xffff, v2  }
0x89: {  	s6 =	sand.u32 $0xC00, s31;
	s7 =	sshll.u32 s2, $0x2;
	v7 =	vtrunc.f32 v14;
	s0 =	sand.u32 $0x3000, s0;
	v9 =	vmul.f32 $4.096000000e+03, v9;
	[tilespmem:v6+s20+$0x0] =	vst.idx.add.f32.msk $0xffff, v2  }
0x8a: {  	s7 =	sand.u32 $0x380, s7;
	v6 =	vtrunc.f32 v10;
	s0 =	sor.u32 s6, s0;
	v10 =	vtrunc.f32 v12;
	[tilespmem:v4+s20+$0x0] =	vst.idx.add.f32.msk $0xffff, v2  }
0x8b: {  	v4 =	vcvt.f32.s32 v11;
	s0 =	sor.u32 s7, s0;
	v9 =	vtrunc.f32 v9;
	[tilespmem:v5+s20+$0x0] =	vst.idx.add.f32.msk $0xffff, v2  }
0x8c: {  	v8 =	vcvt.f32.s32 v8;
	v11 =	vcvt.f32.s32 v15;
	v5 =	vld [tilespmem:s0+$0x4070]  }
0x8d: {  	v7 =	vcvt.f32.s32 v7;
	v6 =	vcvt.f32.s32 v6;
	v4 =	vand.u32 $0xFF0, v4;
	[tilespmem:v13+s20+$0x0] =	vst.idx.add.f32.msk $0xffff, v2  }
0x8e: {  	v10 =	vcvt.f32.s32 v10;
	v11 =	vand.u32 $0xFF0, v11;
	v9 =	vcvt.f32.s32 v9;
	v12 =	vld [tilespmem:s0+$0x4000]  }
0x8f: {  	v8 =	vand.u32 $0xFF0, v8;
	v7 =	vand.u32 $0xFF0, v7;
	v6 =	vand.u32 $0xFF0, v6;
	v13 =	vld [tilespmem:s0+$0x4010]  }
0x90: {  	v17 =	vor.u32 v3, v4;
	v4 =	vand.u32 $0xFF0, v10;
	v9 =	vand.u32 $0xFF0, v9;
	v14 =	vld [tilespmem:s0+$0x4020]  }
0x91: {  	v8 =	vor.u32 v3, v8;
	v7 =	vor.u32 v3, v7;
	v19 =	vor.u32 v3, v11;
	v18 =	vld [tilespmem:s0+$0x4030]  }
.Ltmp2:
0x92: {  	v6 =	vor.u32 v3, v6;
	v4 =	vor.u32 v3, v4;
	v11 =	vmul.f32 $4.096000000e+03, v5;
	v10 =	vld [tilespmem:s0+$0x4040];
	(pc) =	sbr.rel @p0 .LBB2_7-.Ltmp2, $4  }
0x93: {  	v5 =	vor.u32 v3, v9;
	v20 =	vmul.f32 $4.096000000e+03, v12;
	v12 =	vld [tilespmem:s0+$0x4050]  }
0x94: {  	v11 =	vtrunc.f32 v11;
	v15 =	vmul.f32 $4.096000000e+03, v13;
	v9 =	vld [tilespmem:s0+$0x4060]  }
0x95: {  	v16 =	vcvt.f32.s32 v11;
	v13 =	vmul.f32 $4.096000000e+03, v14;
	[tilespmem:v17+s20+$0x0] =	vst.idx.add.f32.msk $0xffff, v2  }
0x96: {  	v11 =	vtrunc.f32 v20;
	v14 =	vmul.f32 $4.096000000e+03, v18;
	[tilespmem:v19+s20+$0x0] =	vst.idx.add.f32.msk $0xffff, v2  }
0x97: {  	v15 =	vtrunc.f32 v15  }
0x98: {  	v10 =	vmul.f32 $4.096000000e+03, v10;
	v13 =	vtrunc.f32 v13  }
0x99: {  	v16 =	vand.u32 $0xFF0, v16;
	v11 =	vcvt.f32.s32 v11;
	v12 =	vmul.f32 $4.096000000e+03, v12  }
0x9a: {  	v14 =	vtrunc.f32 v14;
	v16 =	vor.u32 v3, v16;
	v15 =	vcvt.f32.s32 v15  }
0x9b: {  	[tilespmem:v7+s20+$0x0] =	vst.idx.add.f32.msk $0xffff, v2;
	v9 =	vmul.f32 $4.096000000e+03, v9;
	v10 =	vtrunc.f32 v10;
	v11 =	vand.u32 $0xFF0, v11  }
0x9c: {  	[tilespmem:v6+s20+$0x0] =	vst.idx.add.f32.msk $0xffff, v2;
	v7 =	vcvt.f32.s32 v14;
	v11 =	vor.u32 v3, v11;
	v6 =	vcvt.f32.s32 v10  }
0x9d: {  	[tilespmem:v8+s20+$0x0] =	vst.idx.add.f32.msk $0xffff, v2;
	v8 =	vtrunc.f32 v9;
	v9 =	vcvt.f32.s32 v13;
	v13 =	vand.u32 $0xFF0, v15  }
0x9e: {  	v12 =	vtrunc.f32 v12;
	v7 =	vand.u32 $0xFF0, v7;
	v10 =	vor.u32 v3, v13  }
0x9f: {  	[tilespmem:v4+s20+$0x0] =	vst.idx.add.f32.msk $0xffff, v2;
	v4 =	vcvt.f32.s32 v12;
	v6 =	vand.u32 $0xFF0, v6;
	v7 =	vor.u32 v3, v7  }
0xa0: {  	[tilespmem:v5+s20+$0x0] =	vst.idx.add.f32.msk $0xffff, v2;
	v5 =	vcvt.f32.s32 v8;
	v9 =	vand.u32 $0xFF0, v9;
	v6 =	vor.u32 v3, v6  }
0xa1: {  	[tilespmem:v16+s20+$0x0] =	vst.idx.add.f32.msk $0xffff, v2;
	v4 =	vand.u32 $0xFF0, v4;
	v9 =	vor.u32 v3, v9  }
0xa2: {  	v5 =	vand.u32 $0xFF0, v5;
	v4 =	vor.u32 v3, v4;
	[tilespmem:v11+s20+$0x0] =	vst.idx.add.f32.msk $0xffff, v2  }
0xa3: {  	v5 =	vor.u32 v3, v5;
	[tilespmem:v10+s20+$0x0] =	vst.idx.add.f32.msk $0xffff, v2  }
0xa4: {  	s0 =	sadd.s32 $0x5, s30;
	[tilespmem:v7+s20+$0x0] =	vst.idx.add.f32.msk $0xffff, v2  }
0xa5: {  	s2 =	sshrl.u32 s0, $0x4;
	s0 =	sshll.u32 s0, $0xA;
	[tilespmem:v6+s20+$0x0] =	vst.idx.add.f32.msk $0xffff, v2  }
0xa6: {  	s2 =	sadd.s32 s5, s2;
	s0 =	sand.u32 $0x3000, s0;
	[tilespmem:v9+s20+$0x0] =	vst.idx.add.f32.msk $0xffff, v2  }
0xa7: {  	s6 =	simm.s32 $0x0;
	s2 =	sshll.u32 s2, $0xE;
	s0 =	sadd.s32 s3, s0;
	[tilespmem:v4+s20+$0x0] =	vst.idx.add.f32.msk $0xffff, v2  }
0xa8: {  	s7 =	simm.s32 $0x0;
	s0 =	sadd.s32 s2, s0;
	s2 =	sand.u32 $0xC00, s6;
	[tilespmem:v5+s20+$0x0] =	vst.idx.add.f32.msk $0xffff, v2  }
0xa9: {  	[tilespmem:s16], [sflag:$0x2] =	stream.linear.gather [hbm4b:s0+s6], $0x4000, $0x38;
	[tilespmem:$0x12200] =	vst v63  }
0xaa: {  	s0 =	sand.u32 $0x3000, s7;
	s6 =	simm.s32 $0x0;
	_ =	swait.ge [sflag:s22], $0x4000  }
0xab: {  	s6 =	sand.u32 $0x380, s6;
	s0 =	sor.u32 s2, s0;
	[sflag:s22] =	ssyncset.done $0x0  }
0xac: {  	s0 =	sor.u32 s6, s0;
	[sflag:s22] =	ssyncadd.s32 $0xFFFFC000  }
0xad: {  	v4 =	vld [tilespmem:s0+$0x8070]  }
0xae: {  	v5 =	vld [tilespmem:s0+$0x8000]  }
0xaf: {  	v6 =	vld [tilespmem:s0+$0x8010]  }
0xb0: {  	v7 =	vld [tilespmem:s0+$0x8020]  }
0xb1: {  	v8 =	vld [tilespmem:s0+$0x8030]  }
0xb2: {  	v9 =	vld [tilespmem:s0+$0x8040]  }
0xb3: {  	v10 =	vld [tilespmem:s0+$0x8050];
	v4 =	vmul.f32 $4.096000000e+03, v4  }
0xb4: {  	v11 =	vld [tilespmem:s0+$0x8060]  }
0xb5: {  	s31 =	simm.s32 $0x400;
	s6 =	simm.s32 $0x80;
	v5 =	vmul.f32 $4.096000000e+03, v5;
	v4 =	vtrunc.f32 v4  }
0xb6: {  	s7 =	simm.s32 $0x20;
	s2 =	sand.u32 $0xC00, s31;
	s0 =	sand.u32 $0x3000, s6;
	v6 =	vmul.f32 $4.096000000e+03, v6;
	v4 =	vcvt.f32.s32 v4  }
0xb7: {  	s6 =	sand.u32 $0x380, s7;
	s0 =	sor.u32 s2, s0;
	v7 =	vmul.f32 $4.096000000e+03, v7;
	v8 =	vmul.f32 $4.096000000e+03, v8  }
0xb8: {  	s0 =	sor.u32 s6, s0;
	v9 =	vmul.f32 $4.096000000e+03, v9;
	v10 =	vmul.f32 $4.096000000e+03, v10;
	v4 =	vand.u32 $0xFF0, v4  }
0xb9: {  	v12 =	vld [tilespmem:s0+$0x8070];
	v11 =	vmul.f32 $4.096000000e+03, v11;
	v5 =	vtrunc.f32 v5;
	v4 =	vor.u32 v0, v4  }
0xba: {  	v6 =	vtrunc.f32 v6;
	v7 =	vtrunc.f32 v7  }
0xbb: {  	v8 =	vtrunc.f32 v8;
	v9 =	vtrunc.f32 v9  }
0xbc: {  	v10 =	vtrunc.f32 v10;
	v5 =	vcvt.f32.s32 v5  }
0xbd: {  	v13 =	vld [tilespmem:s0+$0x8000];
	v11 =	vtrunc.f32 v11;
	v6 =	vcvt.f32.s32 v6  }
0xbe: {  	v20 =	vmul.f32 $4.096000000e+03, v12;
	v5 =	vand.u32 $0xFF0, v5;
	[tilespmem:v4+s20+$0x0] =	vst.idx.add.f32.msk $0xffff, v2;
	v4 =	vcvt.f32.s32 v7  }
0xbf: {  	v14 =	vld [tilespmem:s0+$0x8010];
	v6 =	vand.u32 $0xFF0, v6;
	v7 =	vcvt.f32.s32 v8;
	v8 =	vcvt.f32.s32 v9  }
0xc0: {  	v17 =	vld [tilespmem:s0+$0x8030];
	v5 =	vor.u32 v0, v5;
	v9 =	vcvt.f32.s32 v10;
	v10 =	vcvt.f32.s32 v11  }
0xc1: {  	v18 =	vor.u32 v0, v6;
	v11 =	vld [tilespmem:s0+$0x8020];
	v4 =	vand.u32 $0xFF0, v4;
	v7 =	vand.u32 $0xFF0, v7  }
0xc2: {  	v15 =	vand.u32 $0xFF0, v8;
	v19 =	vand.u32 $0xFF0, v10;
	v10 =	vld [tilespmem:s0+$0x8040];
	v8 =	vor.u32 v0, v4  }
0xc3: {  	v21 =	vmul.f32 $4.096000000e+03, v13;
	v12 =	vld [tilespmem:s0+$0x8050];
	v16 =	vand.u32 $0xFF0, v9;
	v7 =	vor.u32 v0, v7  }
0xc4: {  	v9 =	vld [tilespmem:s0+$0x8060];
	v6 =	vor.u32 v0, v15;
	v15 =	vmul.f32 $4.096000000e+03, v14;
	v14 =	vtrunc.f32 v20  }
0xc5: {  	[tilespmem:v5+s20+$0x0] =	vst.idx.add.f32.msk $0xffff, v2;
	v4 =	vor.u32 v0, v16;
	v16 =	vcvt.f32.s32 v14;
	v14 =	vmul.f32 $4.096000000e+03, v17  }
0xc6: {  	s2 =	simm.s32 $0x8;
	[tilespmem:v18+s20+$0x0] =	vst.idx.add.f32.msk $0xffff, v2;
	v5 =	vor.u32 v0, v19;
	v13 =	vmul.f32 $4.096000000e+03, v11;
	v11 =	vtrunc.f32 v21  }
.LBB2_9:
0xc7: {  	s2 =	sadd.s32 $0x8, s2;
	v15 =	vtrunc.f32 v15;
	v10 =	vmul.f32 $4.096000000e+03, v10;
	v16 =	vand.u32 $0xFF0, v16;
	[tilespmem:v8+s20+$0x0] =	vst.idx.add.f32.msk $0xffff, v2  }
0xc8: {  	v8 =	vtrunc.f32 v13;
	s31 =	sadd.s32 $0x400, s31;
	s0 =	sshll.u32 s2, $0x4;
	p0 =	slt.u32 s2, $0x3F8;
	v12 =	vmul.f32 $4.096000000e+03, v12;
	v13 =	vor.u32 v0, v16;
	[tilespmem:v7+s20+$0x0] =	vst.idx.add.f32.msk $0xffff, v2  }
0xc9: {  	s6 =	sand.u32 $0xC00, s31;
	s7 =	sshll.u32 s2, $0x2;
	v7 =	vtrunc.f32 v14;
	s0 =	sand.u32 $0x3000, s0;
	v9 =	vmul.f32 $4.096000000e+03, v9;
	[tilespmem:v6+s20+$0x0] =	vst.idx.add.f32.msk $0xffff, v2  }
0xca: {  	s7 =	sand.u32 $0x380, s7;
	v6 =	vtrunc.f32 v10;
	s0 =	sor.u32 s6, s0;
	v10 =	vtrunc.f32 v12;
	[tilespmem:v4+s20+$0x0] =	vst.idx.add.f32.msk $0xffff, v2  }
0xcb: {  	v4 =	vcvt.f32.s32 v11;
	s0 =	sor.u32 s7, s0;
	v9 =	vtrunc.f32 v9;
	[tilespmem:v5+s20+$0x0] =	vst.idx.add.f32.msk $0xffff, v2  }
0xcc: {  	v8 =	vcvt.f32.s32 v8;
	v11 =	vcvt.f32.s32 v15;
	v5 =	vld [tilespmem:s0+$0x8070]  }
0xcd: {  	v7 =	vcvt.f32.s32 v7;
	v6 =	vcvt.f32.s32 v6;
	v4 =	vand.u32 $0xFF0, v4;
	[tilespmem:v13+s20+$0x0] =	vst.idx.add.f32.msk $0xffff, v2  }
0xce: {  	v10 =	vcvt.f32.s32 v10;
	v11 =	vand.u32 $0xFF0, v11;
	v9 =	vcvt.f32.s32 v9;
	v12 =	vld [tilespmem:s0+$0x8000]  }
0xcf: {  	v8 =	vand.u32 $0xFF0, v8;
	v7 =	vand.u32 $0xFF0, v7;
	v6 =	vand.u32 $0xFF0, v6;
	v13 =	vld [tilespmem:s0+$0x8010]  }
0xd0: {  	v17 =	vor.u32 v0, v4;
	v4 =	vand.u32 $0xFF0, v10;
	v9 =	vand.u32 $0xFF0, v9;
	v14 =	vld [tilespmem:s0+$0x8020]  }
0xd1: {  	v8 =	vor.u32 v0, v8;
	v7 =	vor.u32 v0, v7;
	v19 =	vor.u32 v0, v11;
	v18 =	vld [tilespmem:s0+$0x8030]  }
.Ltmp3:
0xd2: {  	v6 =	vor.u32 v0, v6;
	v4 =	vor.u32 v0, v4;
	v11 =	vmul.f32 $4.096000000e+03, v5;
	v10 =	vld [tilespmem:s0+$0x8040];
	(pc) =	sbr.rel @p0 .LBB2_9-.Ltmp3, $4  }
0xd3: {  	v5 =	vor.u32 v0, v9;
	v20 =	vmul.f32 $4.096000000e+03, v12;
	v12 =	vld [tilespmem:s0+$0x8050]  }
0xd4: {  	v11 =	vtrunc.f32 v11;
	v15 =	vmul.f32 $4.096000000e+03, v13;
	v9 =	vld [tilespmem:s0+$0x8060]  }
0xd5: {  	v16 =	vcvt.f32.s32 v11;
	v13 =	vmul.f32 $4.096000000e+03, v14;
	[tilespmem:v17+s20+$0x0] =	vst.idx.add.f32.msk $0xffff, v2  }
0xd6: {  	v11 =	vtrunc.f32 v20;
	v14 =	vmul.f32 $4.096000000e+03, v18;
	[tilespmem:v19+s20+$0x0] =	vst.idx.add.f32.msk $0xffff, v2  }
0xd7: {  	v15 =	vtrunc.f32 v15  }
0xd8: {  	v10 =	vmul.f32 $4.096000000e+03, v10;
	v13 =	vtrunc.f32 v13  }
0xd9: {  	v16 =	vand.u32 $0xFF0, v16;
	v11 =	vcvt.f32.s32 v11;
	v12 =	vmul.f32 $4.096000000e+03, v12  }
0xda: {  	v14 =	vtrunc.f32 v14;
	v16 =	vor.u32 v0, v16;
	v15 =	vcvt.f32.s32 v15  }
0xdb: {  	[tilespmem:v7+s20+$0x0] =	vst.idx.add.f32.msk $0xffff, v2;
	v9 =	vmul.f32 $4.096000000e+03, v9;
	v10 =	vtrunc.f32 v10;
	v11 =	vand.u32 $0xFF0, v11  }
0xdc: {  	[tilespmem:v6+s20+$0x0] =	vst.idx.add.f32.msk $0xffff, v2;
	v7 =	vcvt.f32.s32 v14;
	v11 =	vor.u32 v0, v11;
	v6 =	vcvt.f32.s32 v10  }
0xdd: {  	[tilespmem:v8+s20+$0x0] =	vst.idx.add.f32.msk $0xffff, v2;
	v8 =	vtrunc.f32 v9;
	v9 =	vcvt.f32.s32 v13;
	v13 =	vand.u32 $0xFF0, v15  }
0xde: {  	v12 =	vtrunc.f32 v12;
	v7 =	vand.u32 $0xFF0, v7;
	v10 =	vor.u32 v0, v13  }
0xdf: {  	[tilespmem:v4+s20+$0x0] =	vst.idx.add.f32.msk $0xffff, v2;
	v4 =	vcvt.f32.s32 v12;
	v6 =	vand.u32 $0xFF0, v6;
	v7 =	vor.u32 v0, v7  }
0xe0: {  	[tilespmem:v5+s20+$0x0] =	vst.idx.add.f32.msk $0xffff, v2;
	v5 =	vcvt.f32.s32 v8;
	v9 =	vand.u32 $0xFF0, v9;
	v6 =	vor.u32 v0, v6  }
0xe1: {  	[tilespmem:v16+s20+$0x0] =	vst.idx.add.f32.msk $0xffff, v2;
	v4 =	vand.u32 $0xFF0, v4;
	v9 =	vor.u32 v0, v9  }
0xe2: {  	v5 =	vand.u32 $0xFF0, v5;
	v4 =	vor.u32 v0, v4;
	[tilespmem:v11+s20+$0x0] =	vst.idx.add.f32.msk $0xffff, v2  }
0xe3: {  	v5 =	vor.u32 v0, v5;
	[tilespmem:v10+s20+$0x0] =	vst.idx.add.f32.msk $0xffff, v2  }
0xe4: {  	s0 =	sadd.s32 $0x6, s30;
	[tilespmem:v7+s20+$0x0] =	vst.idx.add.f32.msk $0xffff, v2  }
0xe5: {  	s2 =	sshrl.u32 s0, $0x4;
	s0 =	sshll.u32 s0, $0xA;
	[tilespmem:v6+s20+$0x0] =	vst.idx.add.f32.msk $0xffff, v2  }
0xe6: {  	s2 =	sadd.s32 s5, s2;
	s0 =	sand.u32 $0x3800, s0;
	[tilespmem:v9+s20+$0x0] =	vst.idx.add.f32.msk $0xffff, v2  }
0xe7: {  	s6 =	simm.s32 $0x0;
	s2 =	sshll.u32 s2, $0xE;
	s0 =	sadd.s32 s1, s0;
	[tilespmem:v4+s20+$0x0] =	vst.idx.add.f32.msk $0xffff, v2  }
0xe8: {  	s7 =	simm.s32 $0x0;
	s0 =	sadd.s32 s2, s0;
	s2 =	sand.u32 $0xC00, s6;
	[tilespmem:v5+s20+$0x0] =	vst.idx.add.f32.msk $0xffff, v2  }
0xe9: {  	[tilespmem:s17], [sflag:$0x3] =	stream.linear.gather [hbm4b:s0+s6], $0x4000, $0x38;
	[tilespmem:$0x12200] =	vst v63  }
0xea: {  	s0 =	sand.u32 $0x3000, s7;
	s6 =	simm.s32 $0x0;
	_ =	swait.ge [sflag:s23], $0x4000  }
0xeb: {  	s6 =	sand.u32 $0x380, s6;
	s0 =	sor.u32 s2, s0;
	[sflag:s23] =	ssyncset.done $0x0  }
0xec: {  	s0 =	sor.u32 s6, s0;
	[sflag:s23] =	ssyncadd.s32 $0xFFFFC000  }
0xed: {  	v4 =	vld [tilespmem:s0+$0xC070]  }
0xee: {  	v5 =	vld [tilespmem:s0+$0xC000]  }
0xef: {  	v6 =	vld [tilespmem:s0+$0xC010]  }
0xf0: {  	v7 =	vld [tilespmem:s0+$0xC020]  }
0xf1: {  	v8 =	vld [tilespmem:s0+$0xC030]  }
0xf2: {  	v9 =	vld [tilespmem:s0+$0xC040]  }
0xf3: {  	v10 =	vld [tilespmem:s0+$0xC050];
	v4 =	vmul.f32 $4.096000000e+03, v4  }
0xf4: {  	v11 =	vld [tilespmem:s0+$0xC060]  }
0xf5: {  	s31 =	simm.s32 $0x400;
	s6 =	simm.s32 $0x80;
	v5 =	vmul.f32 $4.096000000e+03, v5;
	v4 =	vtrunc.f32 v4  }
0xf6: {  	s7 =	simm.s32 $0x20;
	s2 =	sand.u32 $0xC00, s31;
	s0 =	sand.u32 $0x3000, s6;
	v6 =	vmul.f32 $4.096000000e+03, v6;
	v4 =	vcvt.f32.s32 v4  }
0xf7: {  	s6 =	sand.u32 $0x380, s7;
	s0 =	sor.u32 s2, s0;
	v7 =	vmul.f32 $4.096000000e+03, v7;
	v8 =	vmul.f32 $4.096000000e+03, v8  }
0xf8: {  	s0 =	sor.u32 s6, s0;
	v9 =	vmul.f32 $4.096000000e+03, v9;
	v10 =	vmul.f32 $4.096000000e+03, v10;
	v4 =	vand.u32 $0xFF0, v4  }
0xf9: {  	v12 =	vld [tilespmem:s0+$0xC070];
	v11 =	vmul.f32 $4.096000000e+03, v11;
	v5 =	vtrunc.f32 v5;
	v4 =	vor.u32 v3, v4  }
0xfa: {  	v6 =	vtrunc.f32 v6;
	v7 =	vtrunc.f32 v7  }
0xfb: {  	v8 =	vtrunc.f32 v8;
	v9 =	vtrunc.f32 v9  }
0xfc: {  	v10 =	vtrunc.f32 v10;
	v5 =	vcvt.f32.s32 v5  }
0xfd: {  	v13 =	vld [tilespmem:s0+$0xC000];
	v11 =	vtrunc.f32 v11;
	v6 =	vcvt.f32.s32 v6  }
0xfe: {  	v20 =	vmul.f32 $4.096000000e+03, v12;
	v5 =	vand.u32 $0xFF0, v5;
	[tilespmem:v4+s20+$0x0] =	vst.idx.add.f32.msk $0xffff, v2;
	v4 =	vcvt.f32.s32 v7  }
0xff: {  	v14 =	vld [tilespmem:s0+$0xC010];
	v6 =	vand.u32 $0xFF0, v6;
	v7 =	vcvt.f32.s32 v8;
	v8 =	vcvt.f32.s32 v9  }
0x100: {  	v17 =	vld [tilespmem:s0+$0xC030];
	v5 =	vor.u32 v3, v5;
	v9 =	vcvt.f32.s32 v10;
	v10 =	vcvt.f32.s32 v11  }
0x101: {  	v18 =	vor.u32 v3, v6;
	v11 =	vld [tilespmem:s0+$0xC020];
	v4 =	vand.u32 $0xFF0, v4;
	v7 =	vand.u32 $0xFF0, v7  }
0x102: {  	v15 =	vand.u32 $0xFF0, v8;
	v19 =	vand.u32 $0xFF0, v10;
	v10 =	vld [tilespmem:s0+$0xC040];
	v8 =	vor.u32 v3, v4  }
0x103: {  	v21 =	vmul.f32 $4.096000000e+03, v13;
	v12 =	vld [tilespmem:s0+$0xC050];
	v16 =	vand.u32 $0xFF0, v9;
	v7 =	vor.u32 v3, v7  }
0x104: {  	v9 =	vld [tilespmem:s0+$0xC060];
	v6 =	vor.u32 v3, v15;
	v15 =	vmul.f32 $4.096000000e+03, v14;
	v14 =	vtrunc.f32 v20  }
0x105: {  	[tilespmem:v5+s20+$0x0] =	vst.idx.add.f32.msk $0xffff, v2;
	v4 =	vor.u32 v3, v16;
	v16 =	vcvt.f32.s32 v14;
	v14 =	vmul.f32 $4.096000000e+03, v17  }
0x106: {  	s2 =	simm.s32 $0x8;
	[tilespmem:v18+s20+$0x0] =	vst.idx.add.f32.msk $0xffff, v2;
	v5 =	vor.u32 v3, v19;
	v13 =	vmul.f32 $4.096000000e+03, v11;
	v11 =	vtrunc.f32 v21  }
.LBB2_11:
0x107: {  	s2 =	sadd.s32 $0x8, s2;
	v15 =	vtrunc.f32 v15;
	v10 =	vmul.f32 $4.096000000e+03, v10;
	v16 =	vand.u32 $0xFF0, v16;
	[tilespmem:v8+s20+$0x0] =	vst.idx.add.f32.msk $0xffff, v2  }
0x108: {  	v8 =	vtrunc.f32 v13;
	s31 =	sadd.s32 $0x400, s31;
	s0 =	sshll.u32 s2, $0x4;
	p0 =	slt.u32 s2, $0x3F8;
	v12 =	vmul.f32 $4.096000000e+03, v12;
	v13 =	vor.u32 v3, v16;
	[tilespmem:v7+s20+$0x0] =	vst.idx.add.f32.msk $0xffff, v2  }
0x109: {  	s6 =	sand.u32 $0xC00, s31;
	s7 =	sshll.u32 s2, $0x2;
	v7 =	vtrunc.f32 v14;
	s0 =	sand.u32 $0x3000, s0;
	v9 =	vmul.f32 $4.096000000e+03, v9;
	[tilespmem:v6+s20+$0x0] =	vst.idx.add.f32.msk $0xffff, v2  }
0x10a: {  	s7 =	sand.u32 $0x380, s7;
	v6 =	vtrunc.f32 v10;
	s0 =	sor.u32 s6, s0;
	v10 =	vtrunc.f32 v12;
	[tilespmem:v4+s20+$0x0] =	vst.idx.add.f32.msk $0xffff, v2  }
0x10b: {  	v4 =	vcvt.f32.s32 v11;
	s0 =	sor.u32 s7, s0;
	v9 =	vtrunc.f32 v9;
	[tilespmem:v5+s20+$0x0] =	vst.idx.add.f32.msk $0xffff, v2  }
0x10c: {  	v8 =	vcvt.f32.s32 v8;
	v11 =	vcvt.f32.s32 v15;
	v5 =	vld [tilespmem:s0+$0xC070]  }
0x10d: {  	v7 =	vcvt.f32.s32 v7;
	v6 =	vcvt.f32.s32 v6;
	v4 =	vand.u32 $0xFF0, v4;
	[tilespmem:v13+s20+$0x0] =	vst.idx.add.f32.msk $0xffff, v2  }
0x10e: {  	v10 =	vcvt.f32.s32 v10;
	v11 =	vand.u32 $0xFF0, v11;
	v9 =	vcvt.f32.s32 v9;
	v12 =	vld [tilespmem:s0+$0xC000]  }
0x10f: {  	v8 =	vand.u32 $0xFF0, v8;
	v7 =	vand.u32 $0xFF0, v7;
	v6 =	vand.u32 $0xFF0, v6;
	v13 =	vld [tilespmem:s0+$0xC010]  }
0x110: {  	v17 =	vor.u32 v3, v4;
	v4 =	vand.u32 $0xFF0, v10;
	v9 =	vand.u32 $0xFF0, v9;
	v14 =	vld [tilespmem:s0+$0xC020]  }
0x111: {  	v8 =	vor.u32 v3, v8;
	v7 =	vor.u32 v3, v7;
	v19 =	vor.u32 v3, v11;
	v18 =	vld [tilespmem:s0+$0xC030]  }
.Ltmp4:
0x112: {  	v6 =	vor.u32 v3, v6;
	v4 =	vor.u32 v3, v4;
	v11 =	vmul.f32 $4.096000000e+03, v5;
	v10 =	vld [tilespmem:s0+$0xC040];
	(pc) =	sbr.rel @p0 .LBB2_11-.Ltmp4, $4  }
0x113: {  	v5 =	vor.u32 v3, v9;
	v20 =	vmul.f32 $4.096000000e+03, v12;
	v12 =	vld [tilespmem:s0+$0xC050]  }
0x114: {  	v11 =	vtrunc.f32 v11;
	v15 =	vmul.f32 $4.096000000e+03, v13;
	v9 =	vld [tilespmem:s0+$0xC060]  }
0x115: {  	v16 =	vcvt.f32.s32 v11;
	v13 =	vmul.f32 $4.096000000e+03, v14;
	[tilespmem:v17+s20+$0x0] =	vst.idx.add.f32.msk $0xffff, v2  }
0x116: {  	v11 =	vtrunc.f32 v20;
	v14 =	vmul.f32 $4.096000000e+03, v18;
	[tilespmem:v19+s20+$0x0] =	vst.idx.add.f32.msk $0xffff, v2  }
0x117: {  	v15 =	vtrunc.f32 v15;
	v10 =	vmul.f32 $4.096000000e+03, v10  }
0x118: {  	v13 =	vtrunc.f32 v13;
	v11 =	vcvt.f32.s32 v11  }
0x119: {  	v12 =	vmul.f32 $4.096000000e+03, v12;
	v14 =	vtrunc.f32 v14  }
0x11a: {  	v16 =	vand.u32 $0xFF0, v16;
	v15 =	vcvt.f32.s32 v15;
	v59 =	vcvt.f32.s32 v13  }
0x11b: {  	v16 =	vor.u32 v3, v16;
	v9 =	vmul.f32 $4.096000000e+03, v9;
	v10 =	vtrunc.f32 v10  }
0x11c: {  	[tilespmem:v8+s20+$0x0] =	vst.idx.add.f32.msk $0xffff, v2;
	v11 =	vand.u32 $0xFF0, v11;
	v60 =	vcvt.f32.s32 v14;
	v12 =	vtrunc.f32 v12  }
0x11d: {  	[tilespmem:v7+s20+$0x0] =	vst.idx.add.f32.msk $0xffff, v2;
	v61 =	vand.u32 $0xFF0, v15;
	v11 =	vor.u32 v3, v11;
	v62 =	vcvt.f32.s32 v10  }
0x11e: {  	[tilespmem:v6+s20+$0x0] =	vst.idx.add.f32.msk $0xffff, v2;
	v58 =	vtrunc.f32 v9;
	v9 =	vand.u32 $0xFF0, v59;
	v63 =	vor.u32 v3, v61  }
0x11f: {  	[tilespmem:v4+s20+$0x0] =	vst.idx.add.f32.msk $0xffff, v2;
	v4 =	vcvt.f32.s32 v12;
	v7 =	vand.u32 $0xFF0, v60;
	v9 =	vor.u32 v3, v9  }
0x120: {  	[tilespmem:v5+s20+$0x0] =	vst.idx.add.f32.msk $0xffff, v2;
	v5 =	vcvt.f32.s32 v58;
	v6 =	vand.u32 $0xFF0, v62;
	v7 =	vor.u32 v3, v7  }
0x121: {  	[tilespmem:v16+s20+$0x0] =	vst.idx.add.f32.msk $0xffff, v2;
	v4 =	vand.u32 $0xFF0, v4;
	v6 =	vor.u32 v3, v6  }
0x122: {  	v5 =	vand.u32 $0xFF0, v5;
	v4 =	vor.u32 v3, v4;
	[tilespmem:v11+s20+$0x0] =	vst.idx.add.f32.msk $0xffff, v2  }
0x123: {  	s29 =	sadd.s32 $0x1, s29;
	v5 =	vor.u32 v3, v5;
	[tilespmem:v63+s20+$0x0] =	vst.idx.add.f32.msk $0xffff, v2  }
0x124: {  	s0 =	sadd.s32 $0x7, s30;
	p0 =	sne.s32 s29, $0x4;
	[tilespmem:v9+s20+$0x0] =	vst.idx.add.f32.msk $0xffff, v2  }
.Ltmp5:
0x125: {  	s2 =	sshrl.u32 s0, $0x4;
	s0 =	sshll.u32 s0, $0xA;
	[tilespmem:v7+s20+$0x0] =	vst.idx.add.f32.msk $0xffff, v2;
	(pc) =	sbr.rel @p0 .LBB2_4-.Ltmp5, $4  }
0x126: {  	s2 =	sadd.s32 s5, s2;
	s0 =	sand.u32 $0x3800, s0;
	[tilespmem:v6+s20+$0x0] =	vst.idx.add.f32.msk $0xffff, v2  }
0x127: {  	s2 =	sshll.u32 s2, $0xE;
	s0 =	sadd.s32 s3, s0;
	[tilespmem:v4+s20+$0x0] =	vst.idx.add.f32.msk $0xffff, v2  }
0x128: {  	s0 =	sadd.s32 s2, s0;
	s2 =	simm.s32 $0x0;
	[tilespmem:v5+s20+$0x0] =	vst.idx.add.f32.msk $0xffff, v2  }
0x129: {  	[tilespmem:s18], [sflag:$0x4] =	stream.linear.gather [hbm4b:s0+s2], $0x4000, $0x38;
	[tilespmem:$0x12200] =	vst v63  }
0x12a: {  	s0 =	simm.s32 $0x10020  }
0x12b: {  	v4 =	vld [tilespmem:s0+$0x10]  }
0x12c: {  	v5 =	vld [tilespmem:s0+$0xFFFFFFE0];
	_ =	sdelay $0x1  }
0x12d: {  	v6 =	vld [tilespmem:s0+$0xFFFFFFF0];
	_ =	sdelay $0x1  }
0x12e: {  	(xrf2) =	vadd.scan.msk.f32 $0xffff, v4  }
0x12f: {  	(xrf2) =	vadd.scan.msk.f32 $0xffff, v5;
	_ =	sdelay $0x1  }
0x130: {  	v7 =	vld [tilespmem:s0+$0x0];
	(xrf2) =	vadd.scan.msk.f32 $0xffff, v6;
	_ =	sdelay $0x1  }
0x131: {  	s6 =	simm.s32 $0x10060;
	v4 =	vmov s2;
	s2 =	simm.s32 $0x1  }
0x132: {  	v5 =	vmov s2;
	v6 =	vld [tilespmem:s6+$0x10]  }
0x133: {  	v5 =	vand.u32 $0xFFFFFFFD, v5  }
0x134: {  	s7 =	simm.s32 $0x3;
	v4 =	vand.u32 $0xFFFFFFFC, v4;
	(xrf2) =	vadd.scan.msk.f32 $0xffff, v7  }
0x135: {  	v8 =	vld [tilespmem:s6+$0xFFFFFFE0];
	v4 =	vbroadcast v4, $0x0;
	v7 =	vmov s7  }
0x136: {  	v9 =	vbroadcast v5, $0x0;
	v5, _, _ =	vpop (xrf2)  }
0x137: {  	v11, _, _ =	vpop (xrf2);
	(xrf2) =	vadd.scan.msk.f32 $0xffff, v6  }
0x138: {  	v10 =	vld [tilespmem:s6+$0xFFFFFFF0];
	s7 =	simm.s32 $0x2;
	v5 =	vbroadcast v5, $0xF  }
0x139: {  	v6 =	vmov s7;
	v11 =	vbroadcast v11, $0xF;
	v12, _, _ =	vpop (xrf2)  }
0x13a: {  	(xrf2) =	vadd.scan.msk.f32 $0xffff, v8;
	v6 =	vand.u32 $0xFFFFFFFE, v6;
	[tilespmem:v7+s24+$0x0] =	vst.idx.msk $0x1, v5;
	v7 =	vbroadcast v12, $0xF  }
0x13b: {  	v5 =	vld [tilespmem:s6+$0x0];
	[tilespmem:v4+s24+$0x0] =	vst.idx.msk $0x1, v11;
	v4 =	vbroadcast v6, $0x0;
	_ =	sdelay $0x1  }
0x13c: {  	s29 =	simm.s32 $0x100A0;
	s28 =	simm.s32 $0x8;
	(xrf2) =	vadd.scan.msk.f32 $0xffff, v10  }
0x13d: {  	s30 =	simm.s32 $0xC;
	s31 =	simm.s32 $0x7;
	s2 =	simm.s32 $0x4;
	v6 =	vld [tilespmem:s29+$0x10];
	[tilespmem:v9+s24+$0x0] =	vst.idx.msk $0x1, v7;
	v7, _, _ =	vpop (xrf2)  }
.LBB2_14:
0x13e: {  	p0 =	slt.u32 s30, $0x1FC;
	v8 =	vld [tilespmem:s29+$0xFFFFFFF0];
	v9 =	vmov s2;
	v10 =	vmov s31;
	v7 =	vbroadcast v7, $0xF  }
0x13f: {  	v9 =	vand.u32 $0xFFFFFFFC, v9;
	(xrf2) =	vadd.scan.msk.f32 $0xffff, v5;
	v5 =	vld [tilespmem:s29+$0x0]  }
0x140: {  	s0 =	sadd.s32 $0x1, s2;
	v11 =	vld [tilespmem:s29+$0xFFFFFFE0];
	v9 =	vbroadcast v9, $0x0;
	v12, _, _ =	vpop (xrf2);
	[tilespmem:v4+s24+$0x0] =	vst.idx.msk $0x1, v7  }
0x141: {  	v13 =	vmov s0;
	v7 =	vbroadcast v12, $0xF  }
0x142: {  	(xrf2) =	vadd.scan.msk.f32 $0xffff, v6;
	v6 =	vand.u32 $0xFFFFFFFD, v13  }
0x143: {  	s0 =	sadd.s32 $0x2, s2;
	s2 =	smov.u32 s28;
	s28 =	smov.u32 s30;
	v12 =	vbroadcast v6, $0x0;
	[tilespmem:v10+s24+$0x0] =	vst.idx.msk $0x1, v7;
	v4, _, _ =	vpop (xrf2)  }
0x144: {  	v10 =	vmov s0;
	v4 =	vbroadcast v4, $0xF  }
.Ltmp6:
0x145: {  	v7 =	vand.u32 $0xFFFFFFFE, v10;
	(xrf2) =	vadd.scan.msk.f32 $0xffff, v11;
	(pc) =	sbr.rel @p0 .LBB2_14-.Ltmp6, $4  }
0x146: {  	[tilespmem:v9+s24+$0x0] =	vst.idx.msk $0x1, v4;
	v4 =	vbroadcast v7, $0x0;
	v6, _, _ =	vpop (xrf2)  }
0x147: {  	v9 =	vbroadcast v6, $0xF  }
0x148: {  	s29 =	sadd.s32 $0x40, s29;
	(xrf2) =	vadd.scan.msk.f32 $0xffff, v8  }
0x149: {  	s30 =	sadd.s32 $0x4, s30;
	s31 =	sadd.s32 $0x3, s2;
	v6 =	vld [tilespmem:s29+$0x10];
	[tilespmem:v12+s24+$0x0] =	vst.idx.msk $0x1, v9;
	v7, _, _ =	vpop (xrf2)  }
0x14a: {  	v8 =	vld [tilespmem:s29+$0xFFFFFFE0]  }
0x14b: {  	v9 =	vld [tilespmem:s29+$0xFFFFFFF0]  }
0x14c: {  	v10 =	vld [tilespmem:s29+$0x0]  }
0x14d: {  	(xrf2) =	vadd.scan.msk.f32 $0xffff, v5  }
0x14e: {  	(xrf2) =	vadd.scan.msk.f32 $0xffff, v6  }
0x14f: {  	(xrf2) =	vadd.scan.msk.f32 $0xffff, v8  }
0x150: {  	v5 =	vmov s2;
	v49 =	vmov s31;
	s0 =	sadd.s32 $0x1, s2;
	(xrf2) =	vadd.scan.msk.f32 $0xffff, v9  }
0x151: {  	v7 =	vbroadcast v7, $0xF;
	s7 =	sadd.s32 $0x2, s2;
	v5 =	vand.u32 $0xFFFFFFFC, v5;
	v50 =	vmov s0;
	(xrf2) =	vadd.scan.msk.f32 $0xffff, v10  }
0x152: {  	v52 =	vmov s7;
	v5 =	vbroadcast v5, $0x0;
	v8 =	vand.u32 $0xFFFFFFFD, v50  }
0x153: {  	s29 =	sadd.s32 $0x3, s28;
	v12 =	vmov s28;
	v8 =	vbroadcast v8, $0x0;
	v10 =	vand.u32 $0xFFFFFFFE, v52  }
0x154: {  	s30 =	sadd.s32 $0x1, s28;
	s31 =	sadd.s32 $0x2, s28;
	v13 =	vmov s29;
	v12 =	vand.u32 $0xFFFFFFFC, v12;
	v51, _, _ =	vpop (xrf2);
	v10 =	vbroadcast v10, $0x0  }
0x155: {  	v14 =	vmov s30;
	v54 =	vmov s31;
	v11, _, _ =	vpop (xrf2);
	v9 =	vbroadcast v51, $0xF  }
0x156: {  	[tilespmem:v4+s24+$0x0] =	vst.idx.msk $0x1, v7;
	v4 =	vbroadcast v12, $0x0;
	v53 =	vand.u32 $0xFFFFFFFD, v14;
	v11 =	vbroadcast v11, $0xF;
	v15, _, _ =	vpop (xrf2)  }
0x157: {  	v57 =	vand.u32 $0xFFFFFFFE, v54;
	v7 =	vbroadcast v53, $0x0;
	[tilespmem:v49+s24+$0x0] =	vst.idx.msk $0x1, v9;
	v56 =	vbroadcast v15, $0xF;
	v55, _, _ =	vpop (xrf2)  }
0x158: {  	[tilespmem:v5+s24+$0x0] =	vst.idx.msk $0x1, v11;
	v9 =	vbroadcast v57, $0x0;
	v5 =	vbroadcast v55, $0xF;
	v58, _, _ =	vpop (xrf2)  }
0x159: {  	[tilespmem:v8+s24+$0x0] =	vst.idx.msk $0x1, v56;
	v59 =	vbroadcast v58, $0xF;
	v60, _, _ =	vpop (xrf2)  }
0x15a: {  	[tilespmem:v10+s24+$0x0] =	vst.idx.msk $0x1, v5;
	v5 =	vbroadcast v60, $0xF;
	v61, _, _ =	vpop (xrf2)  }
0x15b: {  	[tilespmem:v13+s24+$0x0] =	vst.idx.msk $0x1, v59;
	v62 =	vbroadcast v61, $0xF;
	v63, _, _ =	vpop (xrf2)  }
0x15c: {  	[tilespmem:v4+s24+$0x0] =	vst.idx.msk $0x1, v5;
	v4 =	vbroadcast v63, $0xF  }
0x15d: {  	[tilespmem:v7+s24+$0x0] =	vst.idx.msk $0x1, v62  }
0x15e: {  	[tilespmem:v9+s24+$0x0] =	vst.idx.msk $0x1, v4  }
0x15f: {  	[hbm4b:s10+s4] =	stream.linear.scatter [tilespmem:s24], [sflag:$0x5], $0x200, $0x38;
	[tilespmem:$0x12200] =	vst v63  }
0x160: {  	_ =	swait.ge [sflag:s25], $0x200  }
0x161: {  	[sflag:s25] =	ssyncset.done $0x0  }
0x162: {  	s2 =	simm.s32 $0x10040;
	[sflag:s25] =	ssyncadd.s32 $0xFFFFFE00  }
0x163: {  	[tilespmem:s2+$0xFFFFFFC0] =	vst v1  }
0x164: {  	[tilespmem:s2+$0x30] =	vst v1  }
0x165: {  	[tilespmem:s2+$0x20] =	vst v1  }
0x166: {  	[tilespmem:s2+$0x10] =	vst v1  }
0x167: {  	[tilespmem:s2+$0x0] =	vst v1  }
0x168: {  	[tilespmem:s2+$0xFFFFFFF0] =	vst v1  }
0x169: {  	s28 =	simm.s32 $0x0;
	[tilespmem:s2+$0xFFFFFFE0] =	vst v1  }
.LBB2_16:
0x16a: {  	s28 =	sadd.s32 $0x8, s28;
	[tilespmem:s2+$0xFFFFFFD0] =	vst v1;
	s2 =	sadd.s32 $0x80, s2  }
0x16b: {  	[tilespmem:s2+$0xFFFFFFC0] =	vst v1;
	p0 =	slt.u32 s28, $0x1F8  }
0x16c: {  	[tilespmem:s2+$0x30] =	vst v1  }
.Ltmp7:
0x16d: {  	[tilespmem:s2+$0x20] =	vst v1;
	(pc) =	sbr.rel @p0 .LBB2_16-.Ltmp7, $4  }
0x16e: {  	[tilespmem:s2+$0x10] =	vst v1  }
0x16f: {  	[tilespmem:s2+$0x0] =	vst v1  }
0x170: {  	[tilespmem:s2+$0xFFFFFFF0] =	vst v1  }
0x171: {  	[tilespmem:s2+$0xFFFFFFE0] =	vst v1  }
0x172: {  	[tilespmem:s2+$0xFFFFFFD0] =	vst v1;
	s28 =	simm.s32 $0x0;
	s29 =	simm.s32 $0x0  }
.LBB2_18:
0x173: {  	_ =	swait.ge [sflag:s19], $0x4000;
	s0 =	simm.s32 $0x0  }
0x174: {  	s2 =	sand.u32 $0xC00, s28;
	s6 =	simm.s32 $0x0;
	s0 =	sand.u32 $0x3000, s0  }
0x175: {  	[sflag:s19] =	ssyncset.done $0x0;
	s6 =	sand.u32 $0x380, s6;
	s0 =	sor.u32 s2, s0  }
0x176: {  	[sflag:s19] =	ssyncadd.s32 $0xFFFFC000;
	s0 =	sor.u32 s6, s0  }
0x177: {  	v4 =	vld [tilespmem:s0+$0x70]  }
0x178: {  	v5 =	vld [tilespmem:s0+$0x0]  }
0x179: {  	v6 =	vld [tilespmem:s0+$0x10]  }
0x17a: {  	v7 =	vld [tilespmem:s0+$0x20]  }
0x17b: {  	v8 =	vld [tilespmem:s0+$0x30]  }
0x17c: {  	v9 =	vld [tilespmem:s0+$0x40]  }
0x17d: {  	v10 =	vld [tilespmem:s0+$0x50];
	v4 =	vmul.f32 $4.096000000e+03, v4  }
0x17e: {  	v11 =	vld [tilespmem:s0+$0x60]  }
0x17f: {  	s30 =	simm.s32 $0x400;
	s6 =	simm.s32 $0x80;
	v5 =	vmul.f32 $4.096000000e+03, v5;
	v4 =	vtrunc.f32 v4  }
0x180: {  	s31 =	simm.s32 $0x20;
	s7 =	sand.u32 $0xC00, s30;
	s0 =	sand.u32 $0x3000, s6;
	v6 =	vmul.f32 $4.096000000e+03, v6;
	v4 =	vcvt.f32.s32 v4  }
0x181: {  	s6 =	sand.u32 $0x380, s31;
	s0 =	sor.u32 s7, s0;
	v7 =	vmul.f32 $4.096000000e+03, v7;
	v8 =	vmul.f32 $4.096000000e+03, v8  }
0x182: {  	s0 =	sor.u32 s6, s0;
	v9 =	vmul.f32 $4.096000000e+03, v9;
	v10 =	vmul.f32 $4.096000000e+03, v10;
	v4 =	vand.u32 $0xFF0, v4  }
0x183: {  	v12 =	vld [tilespmem:s0+$0x70];
	v11 =	vmul.f32 $4.096000000e+03, v11;
	v5 =	vtrunc.f32 v5;
	v4 =	vor.u32 v0, v4  }
0x184: {  	v6 =	vtrunc.f32 v6;
	v7 =	vtrunc.f32 v7  }
0x185: {  	v8 =	vtrunc.f32 v8;
	v9 =	vtrunc.f32 v9  }
0x186: {  	v10 =	vtrunc.f32 v10;
	v5 =	vcvt.f32.s32 v5  }
0x187: {  	v13 =	vld [tilespmem:s0+$0x0];
	v11 =	vtrunc.f32 v11;
	v6 =	vcvt.f32.s32 v6  }
0x188: {  	v20 =	vmul.f32 $4.096000000e+03, v12;
	v5 =	vand.u32 $0xFF0, v5;
	[tilespmem:v4+s20+$0x0] =	vst.idx.add.f32.msk $0xffff, v2;
	v4 =	vcvt.f32.s32 v7  }
0x189: {  	v14 =	vld [tilespmem:s0+$0x10];
	v6 =	vand.u32 $0xFF0, v6;
	v7 =	vcvt.f32.s32 v8;
	v8 =	vcvt.f32.s32 v9  }
0x18a: {  	v17 =	vld [tilespmem:s0+$0x30];
	v5 =	vor.u32 v0, v5;
	v9 =	vcvt.f32.s32 v10;
	v10 =	vcvt.f32.s32 v11  }
0x18b: {  	v18 =	vor.u32 v0, v6;
	v11 =	vld [tilespmem:s0+$0x20];
	v4 =	vand.u32 $0xFF0, v4;
	v7 =	vand.u32 $0xFF0, v7  }
0x18c: {  	v15 =	vand.u32 $0xFF0, v8;
	v19 =	vand.u32 $0xFF0, v10;
	v10 =	vld [tilespmem:s0+$0x40];
	v8 =	vor.u32 v0, v4  }
0x18d: {  	v21 =	vmul.f32 $4.096000000e+03, v13;
	v12 =	vld [tilespmem:s0+$0x50];
	v16 =	vand.u32 $0xFF0, v9;
	v7 =	vor.u32 v0, v7  }
0x18e: {  	v9 =	vld [tilespmem:s0+$0x60];
	v6 =	vor.u32 v0, v15;
	v15 =	vmul.f32 $4.096000000e+03, v14;
	v14 =	vtrunc.f32 v20  }
0x18f: {  	[tilespmem:v5+s20+$0x0] =	vst.idx.add.f32.msk $0xffff, v2;
	v4 =	vor.u32 v0, v16;
	v16 =	vcvt.f32.s32 v14;
	v14 =	vmul.f32 $4.096000000e+03, v17  }
0x190: {  	s2 =	simm.s32 $0x8;
	[tilespmem:v18+s20+$0x0] =	vst.idx.add.f32.msk $0xffff, v2;
	v5 =	vor.u32 v0, v19;
	v13 =	vmul.f32 $4.096000000e+03, v11;
	v11 =	vtrunc.f32 v21  }
.LBB2_19:
0x191: {  	s2 =	sadd.s32 $0x8, s2;
	v15 =	vtrunc.f32 v15;
	v10 =	vmul.f32 $4.096000000e+03, v10;
	v16 =	vand.u32 $0xFF0, v16;
	[tilespmem:v8+s20+$0x0] =	vst.idx.add.f32.msk $0xffff, v2  }
0x192: {  	v8 =	vtrunc.f32 v13;
	s30 =	sadd.s32 $0x400, s30;
	s0 =	sshll.u32 s2, $0x4;
	p0 =	slt.u32 s2, $0x3F8;
	v12 =	vmul.f32 $4.096000000e+03, v12;
	v13 =	vor.u32 v0, v16;
	[tilespmem:v7+s20+$0x0] =	vst.idx.add.f32.msk $0xffff, v2  }
0x193: {  	s6 =	sand.u32 $0xC00, s30;
	s7 =	sshll.u32 s2, $0x2;
	v7 =	vtrunc.f32 v14;
	s0 =	sand.u32 $0x3000, s0;
	v9 =	vmul.f32 $4.096000000e+03, v9;
	[tilespmem:v6+s20+$0x0] =	vst.idx.add.f32.msk $0xffff, v2  }
0x194: {  	s7 =	sand.u32 $0x380, s7;
	v6 =	vtrunc.f32 v10;
	s0 =	sor.u32 s6, s0;
	v10 =	vtrunc.f32 v12;
	[tilespmem:v4+s20+$0x0] =	vst.idx.add.f32.msk $0xffff, v2  }
0x195: {  	v4 =	vcvt.f32.s32 v11;
	s0 =	sor.u32 s7, s0;
	v9 =	vtrunc.f32 v9;
	[tilespmem:v5+s20+$0x0] =	vst.idx.add.f32.msk $0xffff, v2  }
0x196: {  	v8 =	vcvt.f32.s32 v8;
	v11 =	vcvt.f32.s32 v15;
	v5 =	vld [tilespmem:s0+$0x70]  }
0x197: {  	v7 =	vcvt.f32.s32 v7;
	v6 =	vcvt.f32.s32 v6;
	v4 =	vand.u32 $0xFF0, v4;
	[tilespmem:v13+s20+$0x0] =	vst.idx.add.f32.msk $0xffff, v2  }
0x198: {  	v10 =	vcvt.f32.s32 v10;
	v11 =	vand.u32 $0xFF0, v11;
	v9 =	vcvt.f32.s32 v9;
	v12 =	vld [tilespmem:s0+$0x0]  }
0x199: {  	v8 =	vand.u32 $0xFF0, v8;
	v7 =	vand.u32 $0xFF0, v7;
	v6 =	vand.u32 $0xFF0, v6;
	v13 =	vld [tilespmem:s0+$0x10]  }
0x19a: {  	v17 =	vor.u32 v0, v4;
	v4 =	vand.u32 $0xFF0, v10;
	v9 =	vand.u32 $0xFF0, v9;
	v14 =	vld [tilespmem:s0+$0x20]  }
0x19b: {  	v8 =	vor.u32 v0, v8;
	v7 =	vor.u32 v0, v7;
	v19 =	vor.u32 v0, v11;
	v18 =	vld [tilespmem:s0+$0x30]  }
.Ltmp8:
0x19c: {  	v6 =	vor.u32 v0, v6;
	v4 =	vor.u32 v0, v4;
	v11 =	vmul.f32 $4.096000000e+03, v5;
	v10 =	vld [tilespmem:s0+$0x40];
	(pc) =	sbr.rel @p0 .LBB2_19-.Ltmp8, $4  }
0x19d: {  	v5 =	vor.u32 v0, v9;
	v20 =	vmul.f32 $4.096000000e+03, v12;
	v12 =	vld [tilespmem:s0+$0x50]  }
0x19e: {  	v11 =	vtrunc.f32 v11;
	v15 =	vmul.f32 $4.096000000e+03, v13;
	v9 =	vld [tilespmem:s0+$0x60]  }
0x19f: {  	v16 =	vcvt.f32.s32 v11;
	v13 =	vmul.f32 $4.096000000e+03, v14;
	[tilespmem:v17+s20+$0x0] =	vst.idx.add.f32.msk $0xffff, v2  }
0x1a0: {  	v11 =	vtrunc.f32 v20;
	v14 =	vmul.f32 $4.096000000e+03, v18;
	[tilespmem:v19+s20+$0x0] =	vst.idx.add.f32.msk $0xffff, v2  }
0x1a1: {  	v15 =	vtrunc.f32 v15  }
0x1a2: {  	v10 =	vmul.f32 $4.096000000e+03, v10;
	v13 =	vtrunc.f32 v13  }
0x1a3: {  	v16 =	vand.u32 $0xFF0, v16;
	v11 =	vcvt.f32.s32 v11;
	v12 =	vmul.f32 $4.096000000e+03, v12  }
0x1a4: {  	v14 =	vtrunc.f32 v14;
	v16 =	vor.u32 v0, v16;
	v15 =	vcvt.f32.s32 v15  }
0x1a5: {  	[tilespmem:v7+s20+$0x0] =	vst.idx.add.f32.msk $0xffff, v2;
	v9 =	vmul.f32 $4.096000000e+03, v9;
	v10 =	vtrunc.f32 v10;
	v11 =	vand.u32 $0xFF0, v11  }
0x1a6: {  	[tilespmem:v6+s20+$0x0] =	vst.idx.add.f32.msk $0xffff, v2;
	v7 =	vcvt.f32.s32 v14;
	v11 =	vor.u32 v0, v11;
	v6 =	vcvt.f32.s32 v10  }
0x1a7: {  	[tilespmem:v8+s20+$0x0] =	vst.idx.add.f32.msk $0xffff, v2;
	v8 =	vtrunc.f32 v9;
	v9 =	vcvt.f32.s32 v13;
	v13 =	vand.u32 $0xFF0, v15  }
0x1a8: {  	v12 =	vtrunc.f32 v12;
	v7 =	vand.u32 $0xFF0, v7;
	v10 =	vor.u32 v0, v13  }
0x1a9: {  	[tilespmem:v4+s20+$0x0] =	vst.idx.add.f32.msk $0xffff, v2;
	v4 =	vcvt.f32.s32 v12;
	v6 =	vand.u32 $0xFF0, v6;
	v7 =	vor.u32 v0, v7  }
0x1aa: {  	[tilespmem:v5+s20+$0x0] =	vst.idx.add.f32.msk $0xffff, v2;
	v5 =	vcvt.f32.s32 v8;
	v9 =	vand.u32 $0xFF0, v9;
	v6 =	vor.u32 v0, v6  }
0x1ab: {  	[tilespmem:v16+s20+$0x0] =	vst.idx.add.f32.msk $0xffff, v2;
	v4 =	vand.u32 $0xFF0, v4;
	v9 =	vor.u32 v0, v9  }
0x1ac: {  	v5 =	vand.u32 $0xFF0, v5;
	v4 =	vor.u32 v0, v4;
	[tilespmem:v11+s20+$0x0] =	vst.idx.add.f32.msk $0xffff, v2  }
0x1ad: {  	s30 =	sshll.u32 s29, $0x2;
	v5 =	vor.u32 v0, v5;
	[tilespmem:v10+s20+$0x0] =	vst.idx.add.f32.msk $0xffff, v2  }
0x1ae: {  	s0 =	sadd.s32 $0x4, s30;
	[tilespmem:v7+s20+$0x0] =	vst.idx.add.f32.msk $0xffff, v2  }
0x1af: {  	s2 =	sshrl.u32 s0, $0x4;
	s0 =	sshll.u32 s0, $0xA;
	[tilespmem:v6+s20+$0x0] =	vst.idx.add.f32.msk $0xffff, v2  }
0x1b0: {  	s2 =	sadd.s32 s2, s11;
	s0 =	sand.u32 $0x3000, s0;
	[tilespmem:v9+s20+$0x0] =	vst.idx.add.f32.msk $0xffff, v2  }
0x1b1: {  	s6 =	simm.s32 $0x0;
	s2 =	sshll.u32 s2, $0xE;
	s0 =	sadd.s32 s1, s0;
	[tilespmem:v4+s20+$0x0] =	vst.idx.add.f32.msk $0xffff, v2  }
0x1b2: {  	s7 =	simm.s32 $0x0;
	s0 =	sadd.s32 s2, s0;
	s2 =	sand.u32 $0xC00, s6;
	[tilespmem:v5+s20+$0x0] =	vst.idx.add.f32.msk $0xffff, v2  }
0x1b3: {  	[tilespmem:s6], [sflag:$0x1] =	stream.linear.gather [hbm4b:s0+s6], $0x4000, $0x38;
	[tilespmem:$0x12200] =	vst v63  }
0x1b4: {  	s0 =	sand.u32 $0x3000, s7;
	s6 =	simm.s32 $0x0;
	_ =	swait.ge [sflag:s21], $0x4000  }
0x1b5: {  	s6 =	sand.u32 $0x380, s6;
	s0 =	sor.u32 s2, s0;
	[sflag:s21] =	ssyncset.done $0x0  }
0x1b6: {  	s0 =	sor.u32 s6, s0;
	[sflag:s21] =	ssyncadd.s32 $0xFFFFC000  }
0x1b7: {  	v4 =	vld [tilespmem:s0+$0x4070]  }
0x1b8: {  	v5 =	vld [tilespmem:s0+$0x4000]  }
0x1b9: {  	v6 =	vld [tilespmem:s0+$0x4010]  }
0x1ba: {  	v7 =	vld [tilespmem:s0+$0x4020]  }
0x1bb: {  	v8 =	vld [tilespmem:s0+$0x4030]  }
0x1bc: {  	v9 =	vld [tilespmem:s0+$0x4040]  }
0x1bd: {  	v10 =	vld [tilespmem:s0+$0x4050];
	v4 =	vmul.f32 $4.096000000e+03, v4  }
0x1be: {  	v11 =	vld [tilespmem:s0+$0x4060]  }
0x1bf: {  	s31 =	simm.s32 $0x400;
	s6 =	simm.s32 $0x80;
	v5 =	vmul.f32 $4.096000000e+03, v5;
	v4 =	vtrunc.f32 v4  }
0x1c0: {  	s7 =	simm.s32 $0x20;
	s2 =	sand.u32 $0xC00, s31;
	s0 =	sand.u32 $0x3000, s6;
	v6 =	vmul.f32 $4.096000000e+03, v6;
	v4 =	vcvt.f32.s32 v4  }
0x1c1: {  	s6 =	sand.u32 $0x380, s7;
	s0 =	sor.u32 s2, s0;
	v7 =	vmul.f32 $4.096000000e+03, v7;
	v8 =	vmul.f32 $4.096000000e+03, v8  }
0x1c2: {  	s0 =	sor.u32 s6, s0;
	v9 =	vmul.f32 $4.096000000e+03, v9;
	v10 =	vmul.f32 $4.096000000e+03, v10;
	v4 =	vand.u32 $0xFF0, v4  }
0x1c3: {  	v12 =	vld [tilespmem:s0+$0x4070];
	v11 =	vmul.f32 $4.096000000e+03, v11;
	v5 =	vtrunc.f32 v5;
	v4 =	vor.u32 v3, v4  }
0x1c4: {  	v6 =	vtrunc.f32 v6;
	v7 =	vtrunc.f32 v7  }
0x1c5: {  	v8 =	vtrunc.f32 v8;
	v9 =	vtrunc.f32 v9  }
0x1c6: {  	v10 =	vtrunc.f32 v10;
	v5 =	vcvt.f32.s32 v5  }
0x1c7: {  	v13 =	vld [tilespmem:s0+$0x4000];
	v11 =	vtrunc.f32 v11;
	v6 =	vcvt.f32.s32 v6  }
0x1c8: {  	v20 =	vmul.f32 $4.096000000e+03, v12;
	v5 =	vand.u32 $0xFF0, v5;
	[tilespmem:v4+s20+$0x0] =	vst.idx.add.f32.msk $0xffff, v2;
	v4 =	vcvt.f32.s32 v7  }
0x1c9: {  	v14 =	vld [tilespmem:s0+$0x4010];
	v6 =	vand.u32 $0xFF0, v6;
	v7 =	vcvt.f32.s32 v8;
	v8 =	vcvt.f32.s32 v9  }
0x1ca: {  	v17 =	vld [tilespmem:s0+$0x4030];
	v5 =	vor.u32 v3, v5;
	v9 =	vcvt.f32.s32 v10;
	v10 =	vcvt.f32.s32 v11  }
0x1cb: {  	v18 =	vor.u32 v3, v6;
	v11 =	vld [tilespmem:s0+$0x4020];
	v4 =	vand.u32 $0xFF0, v4;
	v7 =	vand.u32 $0xFF0, v7  }
0x1cc: {  	v15 =	vand.u32 $0xFF0, v8;
	v19 =	vand.u32 $0xFF0, v10;
	v10 =	vld [tilespmem:s0+$0x4040];
	v8 =	vor.u32 v3, v4  }
0x1cd: {  	v21 =	vmul.f32 $4.096000000e+03, v13;
	v12 =	vld [tilespmem:s0+$0x4050];
	v16 =	vand.u32 $0xFF0, v9;
	v7 =	vor.u32 v3, v7  }
0x1ce: {  	v9 =	vld [tilespmem:s0+$0x4060];
	v6 =	vor.u32 v3, v15;
	v15 =	vmul.f32 $4.096000000e+03, v14;
	v14 =	vtrunc.f32 v20  }
0x1cf: {  	[tilespmem:v5+s20+$0x0] =	vst.idx.add.f32.msk $0xffff, v2;
	v4 =	vor.u32 v3, v16;
	v16 =	vcvt.f32.s32 v14;
	v14 =	vmul.f32 $4.096000000e+03, v17  }
0x1d0: {  	s2 =	simm.s32 $0x8;
	[tilespmem:v18+s20+$0x0] =	vst.idx.add.f32.msk $0xffff, v2;
	v5 =	vor.u32 v3, v19;
	v13 =	vmul.f32 $4.096000000e+03, v11;
	v11 =	vtrunc.f32 v21  }
.LBB2_21:
0x1d1: {  	s2 =	sadd.s32 $0x8, s2;
	v15 =	vtrunc.f32 v15;
	v10 =	vmul.f32 $4.096000000e+03, v10;
	v16 =	vand.u32 $0xFF0, v16;
	[tilespmem:v8+s20+$0x0] =	vst.idx.add.f32.msk $0xffff, v2  }
0x1d2: {  	v8 =	vtrunc.f32 v13;
	s31 =	sadd.s32 $0x400, s31;
	s0 =	sshll.u32 s2, $0x4;
	p0 =	slt.u32 s2, $0x3F8;
	v12 =	vmul.f32 $4.096000000e+03, v12;
	v13 =	vor.u32 v3, v16;
	[tilespmem:v7+s20+$0x0] =	vst.idx.add.f32.msk $0xffff, v2  }
0x1d3: {  	s6 =	sand.u32 $0xC00, s31;
	s7 =	sshll.u32 s2, $0x2;
	v7 =	vtrunc.f32 v14;
	s0 =	sand.u32 $0x3000, s0;
	v9 =	vmul.f32 $4.096000000e+03, v9;
	[tilespmem:v6+s20+$0x0] =	vst.idx.add.f32.msk $0xffff, v2  }
0x1d4: {  	s7 =	sand.u32 $0x380, s7;
	v6 =	vtrunc.f32 v10;
	s0 =	sor.u32 s6, s0;
	v10 =	vtrunc.f32 v12;
	[tilespmem:v4+s20+$0x0] =	vst.idx.add.f32.msk $0xffff, v2  }
0x1d5: {  	v4 =	vcvt.f32.s32 v11;
	s0 =	sor.u32 s7, s0;
	v9 =	vtrunc.f32 v9;
	[tilespmem:v5+s20+$0x0] =	vst.idx.add.f32.msk $0xffff, v2  }
0x1d6: {  	v8 =	vcvt.f32.s32 v8;
	v11 =	vcvt.f32.s32 v15;
	v5 =	vld [tilespmem:s0+$0x4070]  }
0x1d7: {  	v7 =	vcvt.f32.s32 v7;
	v6 =	vcvt.f32.s32 v6;
	v4 =	vand.u32 $0xFF0, v4;
	[tilespmem:v13+s20+$0x0] =	vst.idx.add.f32.msk $0xffff, v2  }
0x1d8: {  	v10 =	vcvt.f32.s32 v10;
	v11 =	vand.u32 $0xFF0, v11;
	v9 =	vcvt.f32.s32 v9;
	v12 =	vld [tilespmem:s0+$0x4000]  }
0x1d9: {  	v8 =	vand.u32 $0xFF0, v8;
	v7 =	vand.u32 $0xFF0, v7;
	v6 =	vand.u32 $0xFF0, v6;
	v13 =	vld [tilespmem:s0+$0x4010]  }
0x1da: {  	v17 =	vor.u32 v3, v4;
	v4 =	vand.u32 $0xFF0, v10;
	v9 =	vand.u32 $0xFF0, v9;
	v14 =	vld [tilespmem:s0+$0x4020]  }
0x1db: {  	v8 =	vor.u32 v3, v8;
	v7 =	vor.u32 v3, v7;
	v19 =	vor.u32 v3, v11;
	v18 =	vld [tilespmem:s0+$0x4030]  }
.Ltmp9:
0x1dc: {  	v6 =	vor.u32 v3, v6;
	v4 =	vor.u32 v3, v4;
	v11 =	vmul.f32 $4.096000000e+03, v5;
	v10 =	vld [tilespmem:s0+$0x4040];
	(pc) =	sbr.rel @p0 .LBB2_21-.Ltmp9, $4  }
0x1dd: {  	v5 =	vor.u32 v3, v9;
	v20 =	vmul.f32 $4.096000000e+03, v12;
	v12 =	vld [tilespmem:s0+$0x4050]  }
0x1de: {  	v11 =	vtrunc.f32 v11;
	v15 =	vmul.f32 $4.096000000e+03, v13;
	v9 =	vld [tilespmem:s0+$0x4060]  }
0x1df: {  	v16 =	vcvt.f32.s32 v11;
	v13 =	vmul.f32 $4.096000000e+03, v14;
	[tilespmem:v17+s20+$0x0] =	vst.idx.add.f32.msk $0xffff, v2  }
0x1e0: {  	v11 =	vtrunc.f32 v20;
	v14 =	vmul.f32 $4.096000000e+03, v18;
	[tilespmem:v19+s20+$0x0] =	vst.idx.add.f32.msk $0xffff, v2  }
0x1e1: {  	v15 =	vtrunc.f32 v15  }
0x1e2: {  	v10 =	vmul.f32 $4.096000000e+03, v10;
	v13 =	vtrunc.f32 v13  }
0x1e3: {  	v16 =	vand.u32 $0xFF0, v16;
	v11 =	vcvt.f32.s32 v11;
	v12 =	vmul.f32 $4.096000000e+03, v12  }
0x1e4: {  	v14 =	vtrunc.f32 v14;
	v16 =	vor.u32 v3, v16;
	v15 =	vcvt.f32.s32 v15  }
0x1e5: {  	[tilespmem:v7+s20+$0x0] =	vst.idx.add.f32.msk $0xffff, v2;
	v9 =	vmul.f32 $4.096000000e+03, v9;
	v10 =	vtrunc.f32 v10;
	v11 =	vand.u32 $0xFF0, v11  }
0x1e6: {  	[tilespmem:v6+s20+$0x0] =	vst.idx.add.f32.msk $0xffff, v2;
	v7 =	vcvt.f32.s32 v14;
	v11 =	vor.u32 v3, v11;
	v6 =	vcvt.f32.s32 v10  }
0x1e7: {  	[tilespmem:v8+s20+$0x0] =	vst.idx.add.f32.msk $0xffff, v2;
	v8 =	vtrunc.f32 v9;
	v9 =	vcvt.f32.s32 v13;
	v13 =	vand.u32 $0xFF0, v15  }
0x1e8: {  	v12 =	vtrunc.f32 v12;
	v7 =	vand.u32 $0xFF0, v7;
	v10 =	vor.u32 v3, v13  }
0x1e9: {  	[tilespmem:v4+s20+$0x0] =	vst.idx.add.f32.msk $0xffff, v2;
	v4 =	vcvt.f32.s32 v12;
	v6 =	vand.u32 $0xFF0, v6;
	v7 =	vor.u32 v3, v7  }
0x1ea: {  	[tilespmem:v5+s20+$0x0] =	vst.idx.add.f32.msk $0xffff, v2;
	v5 =	vcvt.f32.s32 v8;
	v9 =	vand.u32 $0xFF0, v9;
	v6 =	vor.u32 v3, v6  }
0x1eb: {  	[tilespmem:v16+s20+$0x0] =	vst.idx.add.f32.msk $0xffff, v2;
	v4 =	vand.u32 $0xFF0, v4;
	v9 =	vor.u32 v3, v9  }
0x1ec: {  	v5 =	vand.u32 $0xFF0, v5;
	v4 =	vor.u32 v3, v4;
	[tilespmem:v11+s20+$0x0] =	vst.idx.add.f32.msk $0xffff, v2  }
0x1ed: {  	v5 =	vor.u32 v3, v5;
	[tilespmem:v10+s20+$0x0] =	vst.idx.add.f32.msk $0xffff, v2  }
0x1ee: {  	s0 =	sadd.s32 $0x5, s30;
	[tilespmem:v7+s20+$0x0] =	vst.idx.add.f32.msk $0xffff, v2  }
0x1ef: {  	s2 =	sshrl.u32 s0, $0x4;
	s0 =	sshll.u32 s0, $0xA;
	[tilespmem:v6+s20+$0x0] =	vst.idx.add.f32.msk $0xffff, v2  }
0x1f0: {  	s2 =	sadd.s32 s2, s11;
	s0 =	sand.u32 $0x3000, s0;
	[tilespmem:v9+s20+$0x0] =	vst.idx.add.f32.msk $0xffff, v2  }
0x1f1: {  	s6 =	simm.s32 $0x0;
	s2 =	sshll.u32 s2, $0xE;
	s0 =	sadd.s32 s3, s0;
	[tilespmem:v4+s20+$0x0] =	vst.idx.add.f32.msk $0xffff, v2  }
0x1f2: {  	s7 =	simm.s32 $0x0;
	s0 =	sadd.s32 s2, s0;
	s2 =	sand.u32 $0xC00, s6;
	[tilespmem:v5+s20+$0x0] =	vst.idx.add.f32.msk $0xffff, v2  }
0x1f3: {  	[tilespmem:s16], [sflag:$0x2] =	stream.linear.gather [hbm4b:s0+s6], $0x4000, $0x38;
	[tilespmem:$0x12200] =	vst v63  }
0x1f4: {  	s0 =	sand.u32 $0x3000, s7;
	s6 =	simm.s32 $0x0;
	_ =	swait.ge [sflag:s22], $0x4000  }
0x1f5: {  	s6 =	sand.u32 $0x380, s6;
	s0 =	sor.u32 s2, s0;
	[sflag:s22] =	ssyncset.done $0x0  }
0x1f6: {  	s0 =	sor.u32 s6, s0;
	[sflag:s22] =	ssyncadd.s32 $0xFFFFC000  }
0x1f7: {  	v4 =	vld [tilespmem:s0+$0x8070]  }
0x1f8: {  	v5 =	vld [tilespmem:s0+$0x8000]  }
0x1f9: {  	v6 =	vld [tilespmem:s0+$0x8010]  }
0x1fa: {  	v7 =	vld [tilespmem:s0+$0x8020]  }
0x1fb: {  	v8 =	vld [tilespmem:s0+$0x8030]  }
0x1fc: {  	v9 =	vld [tilespmem:s0+$0x8040]  }
0x1fd: {  	v10 =	vld [tilespmem:s0+$0x8050];
	v4 =	vmul.f32 $4.096000000e+03, v4  }
0x1fe: {  	v11 =	vld [tilespmem:s0+$0x8060]  }
0x1ff: {  	s31 =	simm.s32 $0x400;
	s6 =	simm.s32 $0x80;
	v5 =	vmul.f32 $4.096000000e+03, v5;
	v4 =	vtrunc.f32 v4  }
0x200: {  	s7 =	simm.s32 $0x20;
	s2 =	sand.u32 $0xC00, s31;
	s0 =	sand.u32 $0x3000, s6;
	v6 =	vmul.f32 $4.096000000e+03, v6;
	v4 =	vcvt.f32.s32 v4  }
0x201: {  	s6 =	sand.u32 $0x380, s7;
	s0 =	sor.u32 s2, s0;
	v7 =	vmul.f32 $4.096000000e+03, v7;
	v8 =	vmul.f32 $4.096000000e+03, v8  }
0x202: {  	s0 =	sor.u32 s6, s0;
	v9 =	vmul.f32 $4.096000000e+03, v9;
	v10 =	vmul.f32 $4.096000000e+03, v10;
	v4 =	vand.u32 $0xFF0, v4  }
0x203: {  	v12 =	vld [tilespmem:s0+$0x8070];
	v11 =	vmul.f32 $4.096000000e+03, v11;
	v5 =	vtrunc.f32 v5;
	v4 =	vor.u32 v0, v4  }
0x204: {  	v6 =	vtrunc.f32 v6;
	v7 =	vtrunc.f32 v7  }
0x205: {  	v8 =	vtrunc.f32 v8;
	v9 =	vtrunc.f32 v9  }
0x206: {  	v10 =	vtrunc.f32 v10;
	v5 =	vcvt.f32.s32 v5  }
0x207: {  	v13 =	vld [tilespmem:s0+$0x8000];
	v11 =	vtrunc.f32 v11;
	v6 =	vcvt.f32.s32 v6  }
0x208: {  	v20 =	vmul.f32 $4.096000000e+03, v12;
	v5 =	vand.u32 $0xFF0, v5;
	[tilespmem:v4+s20+$0x0] =	vst.idx.add.f32.msk $0xffff, v2;
	v4 =	vcvt.f32.s32 v7  }
0x209: {  	v14 =	vld [tilespmem:s0+$0x8010];
	v6 =	vand.u32 $0xFF0, v6;
	v7 =	vcvt.f32.s32 v8;
	v8 =	vcvt.f32.s32 v9  }
0x20a: {  	v17 =	vld [tilespmem:s0+$0x8030];
	v5 =	vor.u32 v0, v5;
	v9 =	vcvt.f32.s32 v10;
	v10 =	vcvt.f32.s32 v11  }
0x20b: {  	v18 =	vor.u32 v0, v6;
	v11 =	vld [tilespmem:s0+$0x8020];
	v4 =	vand.u32 $0xFF0, v4;
	v7 =	vand.u32 $0xFF0, v7  }
0x20c: {  	v15 =	vand.u32 $0xFF0, v8;
	v19 =	vand.u32 $0xFF0, v10;
	v10 =	vld [tilespmem:s0+$0x8040];
	v8 =	vor.u32 v0, v4  }
0x20d: {  	v21 =	vmul.f32 $4.096000000e+03, v13;
	v12 =	vld [tilespmem:s0+$0x8050];
	v16 =	vand.u32 $0xFF0, v9;
	v7 =	vor.u32 v0, v7  }
0x20e: {  	v9 =	vld [tilespmem:s0+$0x8060];
	v6 =	vor.u32 v0, v15;
	v15 =	vmul.f32 $4.096000000e+03, v14;
	v14 =	vtrunc.f32 v20  }
0x20f: {  	[tilespmem:v5+s20+$0x0] =	vst.idx.add.f32.msk $0xffff, v2;
	v4 =	vor.u32 v0, v16;
	v16 =	vcvt.f32.s32 v14;
	v14 =	vmul.f32 $4.096000000e+03, v17  }
0x210: {  	s2 =	simm.s32 $0x8;
	[tilespmem:v18+s20+$0x0] =	vst.idx.add.f32.msk $0xffff, v2;
	v5 =	vor.u32 v0, v19;
	v13 =	vmul.f32 $4.096000000e+03, v11;
	v11 =	vtrunc.f32 v21  }
.LBB2_23:
0x211: {  	s2 =	sadd.s32 $0x8, s2;
	v15 =	vtrunc.f32 v15;
	v10 =	vmul.f32 $4.096000000e+03, v10;
	v16 =	vand.u32 $0xFF0, v16;
	[tilespmem:v8+s20+$0x0] =	vst.idx.add.f32.msk $0xffff, v2  }
0x212: {  	v8 =	vtrunc.f32 v13;
	s31 =	sadd.s32 $0x400, s31;
	s0 =	sshll.u32 s2, $0x4;
	p0 =	slt.u32 s2, $0x3F8;
	v12 =	vmul.f32 $4.096000000e+03, v12;
	v13 =	vor.u32 v0, v16;
	[tilespmem:v7+s20+$0x0] =	vst.idx.add.f32.msk $0xffff, v2  }
0x213: {  	s6 =	sand.u32 $0xC00, s31;
	s7 =	sshll.u32 s2, $0x2;
	v7 =	vtrunc.f32 v14;
	s0 =	sand.u32 $0x3000, s0;
	v9 =	vmul.f32 $4.096000000e+03, v9;
	[tilespmem:v6+s20+$0x0] =	vst.idx.add.f32.msk $0xffff, v2  }
0x214: {  	s7 =	sand.u32 $0x380, s7;
	v6 =	vtrunc.f32 v10;
	s0 =	sor.u32 s6, s0;
	v10 =	vtrunc.f32 v12;
	[tilespmem:v4+s20+$0x0] =	vst.idx.add.f32.msk $0xffff, v2  }
0x215: {  	v4 =	vcvt.f32.s32 v11;
	s0 =	sor.u32 s7, s0;
	v9 =	vtrunc.f32 v9;
	[tilespmem:v5+s20+$0x0] =	vst.idx.add.f32.msk $0xffff, v2  }
0x216: {  	v8 =	vcvt.f32.s32 v8;
	v11 =	vcvt.f32.s32 v15;
	v5 =	vld [tilespmem:s0+$0x8070]  }
0x217: {  	v7 =	vcvt.f32.s32 v7;
	v6 =	vcvt.f32.s32 v6;
	v4 =	vand.u32 $0xFF0, v4;
	[tilespmem:v13+s20+$0x0] =	vst.idx.add.f32.msk $0xffff, v2  }
0x218: {  	v10 =	vcvt.f32.s32 v10;
	v11 =	vand.u32 $0xFF0, v11;
	v9 =	vcvt.f32.s32 v9;
	v12 =	vld [tilespmem:s0+$0x8000]  }
0x219: {  	v8 =	vand.u32 $0xFF0, v8;
	v7 =	vand.u32 $0xFF0, v7;
	v6 =	vand.u32 $0xFF0, v6;
	v13 =	vld [tilespmem:s0+$0x8010]  }
0x21a: {  	v17 =	vor.u32 v0, v4;
	v4 =	vand.u32 $0xFF0, v10;
	v9 =	vand.u32 $0xFF0, v9;
	v14 =	vld [tilespmem:s0+$0x8020]  }
0x21b: {  	v8 =	vor.u32 v0, v8;
	v7 =	vor.u32 v0, v7;
	v19 =	vor.u32 v0, v11;
	v18 =	vld [tilespmem:s0+$0x8030]  }
.Ltmp10:
0x21c: {  	v6 =	vor.u32 v0, v6;
	v4 =	vor.u32 v0, v4;
	v11 =	vmul.f32 $4.096000000e+03, v5;
	v10 =	vld [tilespmem:s0+$0x8040];
	(pc) =	sbr.rel @p0 .LBB2_23-.Ltmp10, $4  }
0x21d: {  	v5 =	vor.u32 v0, v9;
	v20 =	vmul.f32 $4.096000000e+03, v12;
	v12 =	vld [tilespmem:s0+$0x8050]  }
0x21e: {  	v11 =	vtrunc.f32 v11;
	v15 =	vmul.f32 $4.096000000e+03, v13;
	v9 =	vld [tilespmem:s0+$0x8060]  }
0x21f: {  	v16 =	vcvt.f32.s32 v11;
	v13 =	vmul.f32 $4.096000000e+03, v14;
	[tilespmem:v17+s20+$0x0] =	vst.idx.add.f32.msk $0xffff, v2  }
0x220: {  	v11 =	vtrunc.f32 v20;
	v14 =	vmul.f32 $4.096000000e+03, v18;
	[tilespmem:v19+s20+$0x0] =	vst.idx.add.f32.msk $0xffff, v2  }
0x221: {  	v15 =	vtrunc.f32 v15  }
0x222: {  	v10 =	vmul.f32 $4.096000000e+03, v10;
	v13 =	vtrunc.f32 v13  }
0x223: {  	v16 =	vand.u32 $0xFF0, v16;
	v11 =	vcvt.f32.s32 v11;
	v12 =	vmul.f32 $4.096000000e+03, v12  }
0x224: {  	v14 =	vtrunc.f32 v14;
	v16 =	vor.u32 v0, v16;
	v15 =	vcvt.f32.s32 v15  }
0x225: {  	[tilespmem:v7+s20+$0x0] =	vst.idx.add.f32.msk $0xffff, v2;
	v9 =	vmul.f32 $4.096000000e+03, v9;
	v10 =	vtrunc.f32 v10;
	v11 =	vand.u32 $0xFF0, v11  }
0x226: {  	[tilespmem:v6+s20+$0x0] =	vst.idx.add.f32.msk $0xffff, v2;
	v7 =	vcvt.f32.s32 v14;
	v11 =	vor.u32 v0, v11;
	v6 =	vcvt.f32.s32 v10  }
0x227: {  	[tilespmem:v8+s20+$0x0] =	vst.idx.add.f32.msk $0xffff, v2;
	v8 =	vtrunc.f32 v9;
	v9 =	vcvt.f32.s32 v13;
	v13 =	vand.u32 $0xFF0, v15  }
0x228: {  	v12 =	vtrunc.f32 v12;
	v7 =	vand.u32 $0xFF0, v7;
	v10 =	vor.u32 v0, v13  }
0x229: {  	[tilespmem:v4+s20+$0x0] =	vst.idx.add.f32.msk $0xffff, v2;
	v4 =	vcvt.f32.s32 v12;
	v6 =	vand.u32 $0xFF0, v6;
	v7 =	vor.u32 v0, v7  }
0x22a: {  	[tilespmem:v5+s20+$0x0] =	vst.idx.add.f32.msk $0xffff, v2;
	v5 =	vcvt.f32.s32 v8;
	v9 =	vand.u32 $0xFF0, v9;
	v6 =	vor.u32 v0, v6  }
0x22b: {  	[tilespmem:v16+s20+$0x0] =	vst.idx.add.f32.msk $0xffff, v2;
	v4 =	vand.u32 $0xFF0, v4;
	v9 =	vor.u32 v0, v9  }
0x22c: {  	v5 =	vand.u32 $0xFF0, v5;
	v4 =	vor.u32 v0, v4;
	[tilespmem:v11+s20+$0x0] =	vst.idx.add.f32.msk $0xffff, v2  }
0x22d: {  	v5 =	vor.u32 v0, v5;
	[tilespmem:v10+s20+$0x0] =	vst.idx.add.f32.msk $0xffff, v2  }
0x22e: {  	s0 =	sadd.s32 $0x6, s30;
	[tilespmem:v7+s20+$0x0] =	vst.idx.add.f32.msk $0xffff, v2  }
0x22f: {  	s2 =	sshrl.u32 s0, $0x4;
	s0 =	sshll.u32 s0, $0xA;
	[tilespmem:v6+s20+$0x0] =	vst.idx.add.f32.msk $0xffff, v2  }
0x230: {  	s2 =	sadd.s32 s2, s11;
	s0 =	sand.u32 $0x3800, s0;
	[tilespmem:v9+s20+$0x0] =	vst.idx.add.f32.msk $0xffff, v2  }
0x231: {  	s6 =	simm.s32 $0x0;
	s2 =	sshll.u32 s2, $0xE;
	s0 =	sadd.s32 s1, s0;
	[tilespmem:v4+s20+$0x0] =	vst.idx.add.f32.msk $0xffff, v2  }
0x232: {  	s7 =	simm.s32 $0x0;
	s0 =	sadd.s32 s2, s0;
	s2 =	sand.u32 $0xC00, s6;
	[tilespmem:v5+s20+$0x0] =	vst.idx.add.f32.msk $0xffff, v2  }
0x233: {  	[tilespmem:s17], [sflag:$0x3] =	stream.linear.gather [hbm4b:s0+s6], $0x4000, $0x38;
	[tilespmem:$0x12200] =	vst v63  }
0x234: {  	s0 =	sand.u32 $0x3000, s7;
	s6 =	simm.s32 $0x0;
	_ =	swait.ge [sflag:s23], $0x4000  }
0x235: {  	s6 =	sand.u32 $0x380, s6;
	s0 =	sor.u32 s2, s0;
	[sflag:s23] =	ssyncset.done $0x0  }
0x236: {  	s0 =	sor.u32 s6, s0;
	[sflag:s23] =	ssyncadd.s32 $0xFFFFC000  }
0x237: {  	v4 =	vld [tilespmem:s0+$0xC070]  }
0x238: {  	v5 =	vld [tilespmem:s0+$0xC000]  }
0x239: {  	v6 =	vld [tilespmem:s0+$0xC010]  }
0x23a: {  	v7 =	vld [tilespmem:s0+$0xC020]  }
0x23b: {  	v8 =	vld [tilespmem:s0+$0xC030]  }
0x23c: {  	v9 =	vld [tilespmem:s0+$0xC040]  }
0x23d: {  	v10 =	vld [tilespmem:s0+$0xC050];
	v4 =	vmul.f32 $4.096000000e+03, v4  }
0x23e: {  	v11 =	vld [tilespmem:s0+$0xC060]  }
0x23f: {  	s31 =	simm.s32 $0x400;
	s6 =	simm.s32 $0x80;
	v5 =	vmul.f32 $4.096000000e+03, v5;
	v4 =	vtrunc.f32 v4  }
0x240: {  	s7 =	simm.s32 $0x20;
	s2 =	sand.u32 $0xC00, s31;
	s0 =	sand.u32 $0x3000, s6;
	v6 =	vmul.f32 $4.096000000e+03, v6;
	v4 =	vcvt.f32.s32 v4  }
0x241: {  	s6 =	sand.u32 $0x380, s7;
	s0 =	sor.u32 s2, s0;
	v7 =	vmul.f32 $4.096000000e+03, v7;
	v8 =	vmul.f32 $4.096000000e+03, v8  }
0x242: {  	s0 =	sor.u32 s6, s0;
	v9 =	vmul.f32 $4.096000000e+03, v9;
	v10 =	vmul.f32 $4.096000000e+03, v10;
	v4 =	vand.u32 $0xFF0, v4  }
0x243: {  	v12 =	vld [tilespmem:s0+$0xC070];
	v11 =	vmul.f32 $4.096000000e+03, v11;
	v5 =	vtrunc.f32 v5;
	v4 =	vor.u32 v3, v4  }
0x244: {  	v6 =	vtrunc.f32 v6;
	v7 =	vtrunc.f32 v7  }
0x245: {  	v8 =	vtrunc.f32 v8;
	v9 =	vtrunc.f32 v9  }
0x246: {  	v10 =	vtrunc.f32 v10;
	v5 =	vcvt.f32.s32 v5  }
0x247: {  	v13 =	vld [tilespmem:s0+$0xC000];
	v11 =	vtrunc.f32 v11;
	v6 =	vcvt.f32.s32 v6  }
0x248: {  	v20 =	vmul.f32 $4.096000000e+03, v12;
	v5 =	vand.u32 $0xFF0, v5;
	[tilespmem:v4+s20+$0x0] =	vst.idx.add.f32.msk $0xffff, v2;
	v4 =	vcvt.f32.s32 v7  }
0x249: {  	v14 =	vld [tilespmem:s0+$0xC010];
	v6 =	vand.u32 $0xFF0, v6;
	v7 =	vcvt.f32.s32 v8;
	v8 =	vcvt.f32.s32 v9  }
0x24a: {  	v17 =	vld [tilespmem:s0+$0xC030];
	v5 =	vor.u32 v3, v5;
	v9 =	vcvt.f32.s32 v10;
	v10 =	vcvt.f32.s32 v11  }
0x24b: {  	v18 =	vor.u32 v3, v6;
	v11 =	vld [tilespmem:s0+$0xC020];
	v4 =	vand.u32 $0xFF0, v4;
	v7 =	vand.u32 $0xFF0, v7  }
0x24c: {  	v15 =	vand.u32 $0xFF0, v8;
	v19 =	vand.u32 $0xFF0, v10;
	v10 =	vld [tilespmem:s0+$0xC040];
	v8 =	vor.u32 v3, v4  }
0x24d: {  	v21 =	vmul.f32 $4.096000000e+03, v13;
	v12 =	vld [tilespmem:s0+$0xC050];
	v16 =	vand.u32 $0xFF0, v9;
	v7 =	vor.u32 v3, v7  }
0x24e: {  	v9 =	vld [tilespmem:s0+$0xC060];
	v6 =	vor.u32 v3, v15;
	v15 =	vmul.f32 $4.096000000e+03, v14;
	v14 =	vtrunc.f32 v20  }
0x24f: {  	[tilespmem:v5+s20+$0x0] =	vst.idx.add.f32.msk $0xffff, v2;
	v4 =	vor.u32 v3, v16;
	v16 =	vcvt.f32.s32 v14;
	v14 =	vmul.f32 $4.096000000e+03, v17  }
0x250: {  	s2 =	simm.s32 $0x8;
	[tilespmem:v18+s20+$0x0] =	vst.idx.add.f32.msk $0xffff, v2;
	v5 =	vor.u32 v3, v19;
	v13 =	vmul.f32 $4.096000000e+03, v11;
	v11 =	vtrunc.f32 v21  }
.LBB2_25:
0x251: {  	s2 =	sadd.s32 $0x8, s2;
	v15 =	vtrunc.f32 v15;
	v10 =	vmul.f32 $4.096000000e+03, v10;
	v16 =	vand.u32 $0xFF0, v16;
	[tilespmem:v8+s20+$0x0] =	vst.idx.add.f32.msk $0xffff, v2  }
0x252: {  	v8 =	vtrunc.f32 v13;
	s31 =	sadd.s32 $0x400, s31;
	s0 =	sshll.u32 s2, $0x4;
	p0 =	slt.u32 s2, $0x3F8;
	v12 =	vmul.f32 $4.096000000e+03, v12;
	v13 =	vor.u32 v3, v16;
	[tilespmem:v7+s20+$0x0] =	vst.idx.add.f32.msk $0xffff, v2  }
0x253: {  	s6 =	sand.u32 $0xC00, s31;
	s7 =	sshll.u32 s2, $0x2;
	v7 =	vtrunc.f32 v14;
	s0 =	sand.u32 $0x3000, s0;
	v9 =	vmul.f32 $4.096000000e+03, v9;
	[tilespmem:v6+s20+$0x0] =	vst.idx.add.f32.msk $0xffff, v2  }
0x254: {  	s7 =	sand.u32 $0x380, s7;
	v6 =	vtrunc.f32 v10;
	s0 =	sor.u32 s6, s0;
	v10 =	vtrunc.f32 v12;
	[tilespmem:v4+s20+$0x0] =	vst.idx.add.f32.msk $0xffff, v2  }
0x255: {  	v4 =	vcvt.f32.s32 v11;
	s0 =	sor.u32 s7, s0;
	v9 =	vtrunc.f32 v9;
	[tilespmem:v5+s20+$0x0] =	vst.idx.add.f32.msk $0xffff, v2  }
0x256: {  	v8 =	vcvt.f32.s32 v8;
	v11 =	vcvt.f32.s32 v15;
	v5 =	vld [tilespmem:s0+$0xC070]  }
0x257: {  	v7 =	vcvt.f32.s32 v7;
	v6 =	vcvt.f32.s32 v6;
	v4 =	vand.u32 $0xFF0, v4;
	[tilespmem:v13+s20+$0x0] =	vst.idx.add.f32.msk $0xffff, v2  }
0x258: {  	v10 =	vcvt.f32.s32 v10;
	v11 =	vand.u32 $0xFF0, v11;
	v9 =	vcvt.f32.s32 v9;
	v12 =	vld [tilespmem:s0+$0xC000]  }
0x259: {  	v8 =	vand.u32 $0xFF0, v8;
	v7 =	vand.u32 $0xFF0, v7;
	v6 =	vand.u32 $0xFF0, v6;
	v13 =	vld [tilespmem:s0+$0xC010]  }
0x25a: {  	v17 =	vor.u32 v3, v4;
	v4 =	vand.u32 $0xFF0, v10;
	v9 =	vand.u32 $0xFF0, v9;
	v14 =	vld [tilespmem:s0+$0xC020]  }
0x25b: {  	v8 =	vor.u32 v3, v8;
	v7 =	vor.u32 v3, v7;
	v19 =	vor.u32 v3, v11;
	v18 =	vld [tilespmem:s0+$0xC030]  }
.Ltmp11:
0x25c: {  	v6 =	vor.u32 v3, v6;
	v4 =	vor.u32 v3, v4;
	v11 =	vmul.f32 $4.096000000e+03, v5;
	v10 =	vld [tilespmem:s0+$0xC040];
	(pc) =	sbr.rel @p0 .LBB2_25-.Ltmp11, $4  }
0x25d: {  	v5 =	vor.u32 v3, v9;
	v20 =	vmul.f32 $4.096000000e+03, v12;
	v12 =	vld [tilespmem:s0+$0xC050]  }
0x25e: {  	v11 =	vtrunc.f32 v11;
	v15 =	vmul.f32 $4.096000000e+03, v13;
	v9 =	vld [tilespmem:s0+$0xC060]  }
0x25f: {  	v16 =	vcvt.f32.s32 v11;
	v13 =	vmul.f32 $4.096000000e+03, v14;
	[tilespmem:v17+s20+$0x0] =	vst.idx.add.f32.msk $0xffff, v2  }
0x260: {  	v11 =	vtrunc.f32 v20;
	v14 =	vmul.f32 $4.096000000e+03, v18;
	[tilespmem:v19+s20+$0x0] =	vst.idx.add.f32.msk $0xffff, v2  }
0x261: {  	v15 =	vtrunc.f32 v15;
	v10 =	vmul.f32 $4.096000000e+03, v10  }
0x262: {  	v13 =	vtrunc.f32 v13;
	v11 =	vcvt.f32.s32 v11  }
0x263: {  	v12 =	vmul.f32 $4.096000000e+03, v12;
	v14 =	vtrunc.f32 v14  }
0x264: {  	v16 =	vand.u32 $0xFF0, v16;
	v15 =	vcvt.f32.s32 v15;
	v59 =	vcvt.f32.s32 v13  }
0x265: {  	v16 =	vor.u32 v3, v16;
	v9 =	vmul.f32 $4.096000000e+03, v9;
	v10 =	vtrunc.f32 v10  }
0x266: {  	[tilespmem:v8+s20+$0x0] =	vst.idx.add.f32.msk $0xffff, v2;
	v11 =	vand.u32 $0xFF0, v11;
	v60 =	vcvt.f32.s32 v14;
	v12 =	vtrunc.f32 v12  }
0x267: {  	[tilespmem:v7+s20+$0x0] =	vst.idx.add.f32.msk $0xffff, v2;
	v61 =	vand.u32 $0xFF0, v15;
	v11 =	vor.u32 v3, v11;
	v62 =	vcvt.f32.s32 v10  }
0x268: {  	[tilespmem:v6+s20+$0x0] =	vst.idx.add.f32.msk $0xffff, v2;
	v58 =	vtrunc.f32 v9;
	v9 =	vand.u32 $0xFF0, v59;
	v63 =	vor.u32 v3, v61  }
0x269: {  	[tilespmem:v4+s20+$0x0] =	vst.idx.add.f32.msk $0xffff, v2;
	v4 =	vcvt.f32.s32 v12;
	v7 =	vand.u32 $0xFF0, v60;
	v9 =	vor.u32 v3, v9  }
0x26a: {  	[tilespmem:v5+s20+$0x0] =	vst.idx.add.f32.msk $0xffff, v2;
	v5 =	vcvt.f32.s32 v58;
	v6 =	vand.u32 $0xFF0, v62;
	v7 =	vor.u32 v3, v7  }
0x26b: {  	[tilespmem:v16+s20+$0x0] =	vst.idx.add.f32.msk $0xffff, v2;
	v4 =	vand.u32 $0xFF0, v4;
	v6 =	vor.u32 v3, v6  }
0x26c: {  	v5 =	vand.u32 $0xFF0, v5;
	v4 =	vor.u32 v3, v4;
	[tilespmem:v11+s20+$0x0] =	vst.idx.add.f32.msk $0xffff, v2  }
0x26d: {  	s29 =	sadd.s32 $0x1, s29;
	v5 =	vor.u32 v3, v5;
	[tilespmem:v63+s20+$0x0] =	vst.idx.add.f32.msk $0xffff, v2  }
0x26e: {  	s0 =	sadd.s32 $0x7, s30;
	p0 =	sne.s32 s29, $0x4;
	[tilespmem:v9+s20+$0x0] =	vst.idx.add.f32.msk $0xffff, v2  }
.Ltmp12:
0x26f: {  	s2 =	sshrl.u32 s0, $0x4;
	s0 =	sshll.u32 s0, $0xA;
	[tilespmem:v7+s20+$0x0] =	vst.idx.add.f32.msk $0xffff, v2;
	(pc) =	sbr.rel @p0 .LBB2_18-.Ltmp12, $4  }
0x270: {  	s2 =	sadd.s32 s2, s11;
	s0 =	sand.u32 $0x3800, s0;
	[tilespmem:v6+s20+$0x0] =	vst.idx.add.f32.msk $0xffff, v2  }
0x271: {  	s2 =	sshll.u32 s2, $0xE;
	s0 =	sadd.s32 s3, s0;
	[tilespmem:v4+s20+$0x0] =	vst.idx.add.f32.msk $0xffff, v2  }
0x272: {  	s0 =	sadd.s32 s2, s0;
	s2 =	simm.s32 $0x0;
	[tilespmem:v5+s20+$0x0] =	vst.idx.add.f32.msk $0xffff, v2  }
0x273: {  	[tilespmem:s18], [sflag:$0x4] =	stream.linear.gather [hbm4b:s0+s2], $0x4000, $0x38;
	[tilespmem:$0x12200] =	vst v63  }
0x274: {  	s0 =	simm.s32 $0x10020  }
0x275: {  	v4 =	vld [tilespmem:s0+$0x10]  }
0x276: {  	v5 =	vld [tilespmem:s0+$0xFFFFFFE0];
	_ =	sdelay $0x1  }
0x277: {  	v6 =	vld [tilespmem:s0+$0xFFFFFFF0];
	_ =	sdelay $0x1  }
0x278: {  	(xrf2) =	vadd.scan.msk.f32 $0xffff, v4  }
0x279: {  	(xrf2) =	vadd.scan.msk.f32 $0xffff, v5;
	_ =	sdelay $0x1  }
0x27a: {  	v7 =	vld [tilespmem:s0+$0x0];
	(xrf2) =	vadd.scan.msk.f32 $0xffff, v6;
	_ =	sdelay $0x1  }
0x27b: {  	s6 =	simm.s32 $0x10060;
	v4 =	vmov s2;
	s2 =	simm.s32 $0x1  }
0x27c: {  	v5 =	vmov s2;
	v6 =	vld [tilespmem:s6+$0x10]  }
0x27d: {  	v5 =	vand.u32 $0xFFFFFFFD, v5  }
0x27e: {  	s7 =	simm.s32 $0x3;
	v4 =	vand.u32 $0xFFFFFFFC, v4;
	(xrf2) =	vadd.scan.msk.f32 $0xffff, v7  }
0x27f: {  	v8 =	vld [tilespmem:s6+$0xFFFFFFE0];
	v4 =	vbroadcast v4, $0x0;
	v7 =	vmov s7  }
0x280: {  	v9 =	vbroadcast v5, $0x0;
	v5, _, _ =	vpop (xrf2)  }
0x281: {  	v11, _, _ =	vpop (xrf2);
	(xrf2) =	vadd.scan.msk.f32 $0xffff, v6  }
0x282: {  	v10 =	vld [tilespmem:s6+$0xFFFFFFF0];
	s7 =	simm.s32 $0x2;
	v5 =	vbroadcast v5, $0xF  }
0x283: {  	v6 =	vmov s7;
	v11 =	vbroadcast v11, $0xF;
	v12, _, _ =	vpop (xrf2)  }
0x284: {  	(xrf2) =	vadd.scan.msk.f32 $0xffff, v8;
	v6 =	vand.u32 $0xFFFFFFFE, v6;
	[tilespmem:v7+s24+$0x0] =	vst.idx.msk $0x1, v5;
	v7 =	vbroadcast v12, $0xF  }
0x285: {  	v5 =	vld [tilespmem:s6+$0x0];
	[tilespmem:v4+s24+$0x0] =	vst.idx.msk $0x1, v11;
	v4 =	vbroadcast v6, $0x0;
	_ =	sdelay $0x1  }
0x286: {  	s29 =	simm.s32 $0x100A0;
	s28 =	simm.s32 $0x8;
	(xrf2) =	vadd.scan.msk.f32 $0xffff, v10  }
0x287: {  	s30 =	simm.s32 $0xC;
	s31 =	simm.s32 $0x7;
	s2 =	simm.s32 $0x4;
	v6 =	vld [tilespmem:s29+$0x10];
	[tilespmem:v9+s24+$0x0] =	vst.idx.msk $0x1, v7;
	v7, _, _ =	vpop (xrf2)  }
.LBB2_28:
0x288: {  	p0 =	slt.u32 s30, $0x1FC;
	v8 =	vld [tilespmem:s29+$0xFFFFFFF0];
	v9 =	vmov s2;
	v10 =	vmov s31;
	v7 =	vbroadcast v7, $0xF  }
0x289: {  	v9 =	vand.u32 $0xFFFFFFFC, v9;
	(xrf2) =	vadd.scan.msk.f32 $0xffff, v5;
	v5 =	vld [tilespmem:s29+$0x0]  }
0x28a: {  	s0 =	sadd.s32 $0x1, s2;
	v11 =	vld [tilespmem:s29+$0xFFFFFFE0];
	v9 =	vbroadcast v9, $0x0;
	v12, _, _ =	vpop (xrf2);
	[tilespmem:v4+s24+$0x0] =	vst.idx.msk $0x1, v7  }
0x28b: {  	v13 =	vmov s0;
	v7 =	vbroadcast v12, $0xF  }
0x28c: {  	(xrf2) =	vadd.scan.msk.f32 $0xffff, v6;
	v6 =	vand.u32 $0xFFFFFFFD, v13  }
0x28d: {  	s0 =	sadd.s32 $0x2, s2;
	s2 =	smov.u32 s28;
	s28 =	smov.u32 s30;
	v12 =	vbroadcast v6, $0x0;
	[tilespmem:v10+s24+$0x0] =	vst.idx.msk $0x1, v7;
	v4, _, _ =	vpop (xrf2)  }
0x28e: {  	v10 =	vmov s0;
	v4 =	vbroadcast v4, $0xF  }
.Ltmp13:
0x28f: {  	v7 =	vand.u32 $0xFFFFFFFE, v10;
	(xrf2) =	vadd.scan.msk.f32 $0xffff, v11;
	(pc) =	sbr.rel @p0 .LBB2_28-.Ltmp13, $4  }
0x290: {  	[tilespmem:v9+s24+$0x0] =	vst.idx.msk $0x1, v4;
	v4 =	vbroadcast v7, $0x0;
	v6, _, _ =	vpop (xrf2)  }
0x291: {  	v9 =	vbroadcast v6, $0xF  }
0x292: {  	s29 =	sadd.s32 $0x40, s29;
	(xrf2) =	vadd.scan.msk.f32 $0xffff, v8  }
0x293: {  	s30 =	sadd.s32 $0x4, s30;
	s31 =	sadd.s32 $0x3, s2;
	v6 =	vld [tilespmem:s29+$0x10];
	[tilespmem:v12+s24+$0x0] =	vst.idx.msk $0x1, v9;
	v7, _, _ =	vpop (xrf2)  }
0x294: {  	v8 =	vld [tilespmem:s29+$0xFFFFFFE0]  }
0x295: {  	v9 =	vld [tilespmem:s29+$0xFFFFFFF0]  }
0x296: {  	v10 =	vld [tilespmem:s29+$0x0]  }
0x297: {  	(xrf2) =	vadd.scan.msk.f32 $0xffff, v5  }
0x298: {  	(xrf2) =	vadd.scan.msk.f32 $0xffff, v6  }
0x299: {  	(xrf2) =	vadd.scan.msk.f32 $0xffff, v8  }
0x29a: {  	v5 =	vmov s2;
	v49 =	vmov s31;
	s0 =	sadd.s32 $0x1, s2;
	(xrf2) =	vadd.scan.msk.f32 $0xffff, v9  }
0x29b: {  	v7 =	vbroadcast v7, $0xF;
	s7 =	sadd.s32 $0x2, s2;
	v5 =	vand.u32 $0xFFFFFFFC, v5;
	v50 =	vmov s0;
	(xrf2) =	vadd.scan.msk.f32 $0xffff, v10  }
0x29c: {  	v52 =	vmov s7;
	v5 =	vbroadcast v5, $0x0;
	v8 =	vand.u32 $0xFFFFFFFD, v50  }
0x29d: {  	s29 =	sadd.s32 $0x3, s28;
	v12 =	vmov s28;
	v8 =	vbroadcast v8, $0x0;
	v10 =	vand.u32 $0xFFFFFFFE, v52  }
0x29e: {  	s30 =	sadd.s32 $0x1, s28;
	s31 =	sadd.s32 $0x2, s28;
	v13 =	vmov s29;
	v12 =	vand.u32 $0xFFFFFFFC, v12;
	v51, _, _ =	vpop (xrf2);
	v10 =	vbroadcast v10, $0x0  }
0x29f: {  	v14 =	vmov s30;
	v54 =	vmov s31;
	v11, _, _ =	vpop (xrf2);
	v9 =	vbroadcast v51, $0xF  }
0x2a0: {  	[tilespmem:v4+s24+$0x0] =	vst.idx.msk $0x1, v7;
	v4 =	vbroadcast v12, $0x0;
	v53 =	vand.u32 $0xFFFFFFFD, v14;
	v11 =	vbroadcast v11, $0xF;
	v15, _, _ =	vpop (xrf2)  }
0x2a1: {  	v57 =	vand.u32 $0xFFFFFFFE, v54;
	v7 =	vbroadcast v53, $0x0;
	[tilespmem:v49+s24+$0x0] =	vst.idx.msk $0x1, v9;
	v56 =	vbroadcast v15, $0xF;
	v55, _, _ =	vpop (xrf2)  }
0x2a2: {  	[tilespmem:v5+s24+$0x0] =	vst.idx.msk $0x1, v11;
	v9 =	vbroadcast v57, $0x0;
	v5 =	vbroadcast v55, $0xF;
	v58, _, _ =	vpop (xrf2)  }
0x2a3: {  	[tilespmem:v8+s24+$0x0] =	vst.idx.msk $0x1, v56;
	v59 =	vbroadcast v58, $0xF;
	v60, _, _ =	vpop (xrf2)  }
0x2a4: {  	[tilespmem:v10+s24+$0x0] =	vst.idx.msk $0x1, v5;
	v5 =	vbroadcast v60, $0xF;
	v61, _, _ =	vpop (xrf2)  }
0x2a5: {  	[tilespmem:v13+s24+$0x0] =	vst.idx.msk $0x1, v59;
	v62 =	vbroadcast v61, $0xF;
	v63, _, _ =	vpop (xrf2)  }
0x2a6: {  	[tilespmem:v4+s24+$0x0] =	vst.idx.msk $0x1, v5;
	v4 =	vbroadcast v63, $0xF  }
0x2a7: {  	[tilespmem:v7+s24+$0x0] =	vst.idx.msk $0x1, v62  }
0x2a8: {  	[tilespmem:v9+s24+$0x0] =	vst.idx.msk $0x1, v4  }
0x2a9: {  	[hbm4b:s12+s4] =	stream.linear.scatter [tilespmem:s24], [sflag:$0x5], $0x200, $0x38;
	[tilespmem:$0x12200] =	vst v63  }
0x2aa: {  	_ =	swait.ge [sflag:s25], $0x200  }
0x2ab: {  	[sflag:s25] =	ssyncset.done $0x0  }
0x2ac: {  	s2 =	simm.s32 $0x10040;
	[sflag:s25] =	ssyncadd.s32 $0xFFFFFE00  }
0x2ad: {  	[tilespmem:s2+$0xFFFFFFC0] =	vst v1  }
0x2ae: {  	[tilespmem:s2+$0x30] =	vst v1  }
0x2af: {  	[tilespmem:s2+$0x20] =	vst v1  }
0x2b0: {  	[tilespmem:s2+$0x10] =	vst v1  }
0x2b1: {  	[tilespmem:s2+$0x0] =	vst v1  }
0x2b2: {  	[tilespmem:s2+$0xFFFFFFF0] =	vst v1  }
0x2b3: {  	s28 =	simm.s32 $0x0;
	[tilespmem:s2+$0xFFFFFFE0] =	vst v1  }
.LBB2_30:
0x2b4: {  	s28 =	sadd.s32 $0x8, s28;
	[tilespmem:s2+$0xFFFFFFD0] =	vst v1;
	s2 =	sadd.s32 $0x80, s2  }
0x2b5: {  	[tilespmem:s2+$0xFFFFFFC0] =	vst v1;
	p0 =	slt.u32 s28, $0x1F8  }
0x2b6: {  	[tilespmem:s2+$0x30] =	vst v1  }
.Ltmp14:
0x2b7: {  	[tilespmem:s2+$0x20] =	vst v1;
	(pc) =	sbr.rel @p0 .LBB2_30-.Ltmp14, $4  }
0x2b8: {  	[tilespmem:s2+$0x10] =	vst v1  }
0x2b9: {  	[tilespmem:s2+$0x0] =	vst v1  }
0x2ba: {  	[tilespmem:s2+$0xFFFFFFF0] =	vst v1  }
0x2bb: {  	[tilespmem:s2+$0xFFFFFFE0] =	vst v1  }
0x2bc: {  	[tilespmem:s2+$0xFFFFFFD0] =	vst v1;
	s28 =	simm.s32 $0x0;
	s29 =	simm.s32 $0x0  }
.LBB2_32:
0x2bd: {  	_ =	swait.ge [sflag:s19], $0x4000;
	s0 =	simm.s32 $0x0  }
0x2be: {  	s2 =	sand.u32 $0xC00, s28;
	s6 =	simm.s32 $0x0;
	s0 =	sand.u32 $0x3000, s0  }
0x2bf: {  	[sflag:s19] =	ssyncset.done $0x0;
	s6 =	sand.u32 $0x380, s6;
	s0 =	sor.u32 s2, s0  }
0x2c0: {  	[sflag:s19] =	ssyncadd.s32 $0xFFFFC000;
	s0 =	sor.u32 s6, s0  }
0x2c1: {  	v4 =	vld [tilespmem:s0+$0x70]  }
0x2c2: {  	v5 =	vld [tilespmem:s0+$0x0]  }
0x2c3: {  	v6 =	vld [tilespmem:s0+$0x10]  }
0x2c4: {  	v7 =	vld [tilespmem:s0+$0x20]  }
0x2c5: {  	v8 =	vld [tilespmem:s0+$0x30]  }
0x2c6: {  	v9 =	vld [tilespmem:s0+$0x40]  }
0x2c7: {  	v10 =	vld [tilespmem:s0+$0x50];
	v4 =	vmul.f32 $4.096000000e+03, v4  }
0x2c8: {  	v11 =	vld [tilespmem:s0+$0x60]  }
0x2c9: {  	s30 =	simm.s32 $0x400;
	s6 =	simm.s32 $0x80;
	v5 =	vmul.f32 $4.096000000e+03, v5;
	v4 =	vtrunc.f32 v4  }
0x2ca: {  	s31 =	simm.s32 $0x20;
	s7 =	sand.u32 $0xC00, s30;
	s0 =	sand.u32 $0x3000, s6;
	v6 =	vmul.f32 $4.096000000e+03, v6;
	v4 =	vcvt.f32.s32 v4  }
0x2cb: {  	s6 =	sand.u32 $0x380, s31;
	s0 =	sor.u32 s7, s0;
	v7 =	vmul.f32 $4.096000000e+03, v7;
	v8 =	vmul.f32 $4.096000000e+03, v8  }
0x2cc: {  	s0 =	sor.u32 s6, s0;
	v9 =	vmul.f32 $4.096000000e+03, v9;
	v10 =	vmul.f32 $4.096000000e+03, v10;
	v4 =	vand.u32 $0xFF0, v4  }
0x2cd: {  	v12 =	vld [tilespmem:s0+$0x70];
	v11 =	vmul.f32 $4.096000000e+03, v11;
	v5 =	vtrunc.f32 v5;
	v4 =	vor.u32 v0, v4  }
0x2ce: {  	v6 =	vtrunc.f32 v6;
	v7 =	vtrunc.f32 v7  }
0x2cf: {  	v8 =	vtrunc.f32 v8;
	v9 =	vtrunc.f32 v9  }
0x2d0: {  	v10 =	vtrunc.f32 v10;
	v5 =	vcvt.f32.s32 v5  }
0x2d1: {  	v13 =	vld [tilespmem:s0+$0x0];
	v11 =	vtrunc.f32 v11;
	v6 =	vcvt.f32.s32 v6  }
0x2d2: {  	v20 =	vmul.f32 $4.096000000e+03, v12;
	v5 =	vand.u32 $0xFF0, v5;
	[tilespmem:v4+s20+$0x0] =	vst.idx.add.f32.msk $0xffff, v2;
	v4 =	vcvt.f32.s32 v7  }
0x2d3: {  	v14 =	vld [tilespmem:s0+$0x10];
	v6 =	vand.u32 $0xFF0, v6;
	v7 =	vcvt.f32.s32 v8;
	v8 =	vcvt.f32.s32 v9  }
0x2d4: {  	v17 =	vld [tilespmem:s0+$0x30];
	v5 =	vor.u32 v0, v5;
	v9 =	vcvt.f32.s32 v10;
	v10 =	vcvt.f32.s32 v11  }
0x2d5: {  	v18 =	vor.u32 v0, v6;
	v11 =	vld [tilespmem:s0+$0x20];
	v4 =	vand.u32 $0xFF0, v4;
	v7 =	vand.u32 $0xFF0, v7  }
0x2d6: {  	v15 =	vand.u32 $0xFF0, v8;
	v19 =	vand.u32 $0xFF0, v10;
	v10 =	vld [tilespmem:s0+$0x40];
	v8 =	vor.u32 v0, v4  }
0x2d7: {  	v21 =	vmul.f32 $4.096000000e+03, v13;
	v12 =	vld [tilespmem:s0+$0x50];
	v16 =	vand.u32 $0xFF0, v9;
	v7 =	vor.u32 v0, v7  }
0x2d8: {  	v9 =	vld [tilespmem:s0+$0x60];
	v6 =	vor.u32 v0, v15;
	v15 =	vmul.f32 $4.096000000e+03, v14;
	v14 =	vtrunc.f32 v20  }
0x2d9: {  	[tilespmem:v5+s20+$0x0] =	vst.idx.add.f32.msk $0xffff, v2;
	v4 =	vor.u32 v0, v16;
	v16 =	vcvt.f32.s32 v14;
	v14 =	vmul.f32 $4.096000000e+03, v17  }
0x2da: {  	s2 =	simm.s32 $0x8;
	[tilespmem:v18+s20+$0x0] =	vst.idx.add.f32.msk $0xffff, v2;
	v5 =	vor.u32 v0, v19;
	v13 =	vmul.f32 $4.096000000e+03, v11;
	v11 =	vtrunc.f32 v21  }
.LBB2_33:
0x2db: {  	s2 =	sadd.s32 $0x8, s2;
	v15 =	vtrunc.f32 v15;
	v10 =	vmul.f32 $4.096000000e+03, v10;
	v16 =	vand.u32 $0xFF0, v16;
	[tilespmem:v8+s20+$0x0] =	vst.idx.add.f32.msk $0xffff, v2  }
0x2dc: {  	v8 =	vtrunc.f32 v13;
	s30 =	sadd.s32 $0x400, s30;
	s0 =	sshll.u32 s2, $0x4;
	p0 =	slt.u32 s2, $0x3F8;
	v12 =	vmul.f32 $4.096000000e+03, v12;
	v13 =	vor.u32 v0, v16;
	[tilespmem:v7+s20+$0x0] =	vst.idx.add.f32.msk $0xffff, v2  }
0x2dd: {  	s6 =	sand.u32 $0xC00, s30;
	s7 =	sshll.u32 s2, $0x2;
	v7 =	vtrunc.f32 v14;
	s0 =	sand.u32 $0x3000, s0;
	v9 =	vmul.f32 $4.096000000e+03, v9;
	[tilespmem:v6+s20+$0x0] =	vst.idx.add.f32.msk $0xffff, v2  }
0x2de: {  	s7 =	sand.u32 $0x380, s7;
	v6 =	vtrunc.f32 v10;
	s0 =	sor.u32 s6, s0;
	v10 =	vtrunc.f32 v12;
	[tilespmem:v4+s20+$0x0] =	vst.idx.add.f32.msk $0xffff, v2  }
0x2df: {  	v4 =	vcvt.f32.s32 v11;
	s0 =	sor.u32 s7, s0;
	v9 =	vtrunc.f32 v9;
	[tilespmem:v5+s20+$0x0] =	vst.idx.add.f32.msk $0xffff, v2  }
0x2e0: {  	v8 =	vcvt.f32.s32 v8;
	v11 =	vcvt.f32.s32 v15;
	v5 =	vld [tilespmem:s0+$0x70]  }
0x2e1: {  	v7 =	vcvt.f32.s32 v7;
	v6 =	vcvt.f32.s32 v6;
	v4 =	vand.u32 $0xFF0, v4;
	[tilespmem:v13+s20+$0x0] =	vst.idx.add.f32.msk $0xffff, v2  }
0x2e2: {  	v10 =	vcvt.f32.s32 v10;
	v11 =	vand.u32 $0xFF0, v11;
	v9 =	vcvt.f32.s32 v9;
	v12 =	vld [tilespmem:s0+$0x0]  }
0x2e3: {  	v8 =	vand.u32 $0xFF0, v8;
	v7 =	vand.u32 $0xFF0, v7;
	v6 =	vand.u32 $0xFF0, v6;
	v13 =	vld [tilespmem:s0+$0x10]  }
0x2e4: {  	v17 =	vor.u32 v0, v4;
	v4 =	vand.u32 $0xFF0, v10;
	v9 =	vand.u32 $0xFF0, v9;
	v14 =	vld [tilespmem:s0+$0x20]  }
0x2e5: {  	v8 =	vor.u32 v0, v8;
	v7 =	vor.u32 v0, v7;
	v19 =	vor.u32 v0, v11;
	v18 =	vld [tilespmem:s0+$0x30]  }
.Ltmp15:
0x2e6: {  	v6 =	vor.u32 v0, v6;
	v4 =	vor.u32 v0, v4;
	v11 =	vmul.f32 $4.096000000e+03, v5;
	v10 =	vld [tilespmem:s0+$0x40];
	(pc) =	sbr.rel @p0 .LBB2_33-.Ltmp15, $4  }
0x2e7: {  	v5 =	vor.u32 v0, v9;
	v20 =	vmul.f32 $4.096000000e+03, v12;
	v12 =	vld [tilespmem:s0+$0x50]  }
0x2e8: {  	v11 =	vtrunc.f32 v11;
	v15 =	vmul.f32 $4.096000000e+03, v13;
	v9 =	vld [tilespmem:s0+$0x60]  }
0x2e9: {  	v16 =	vcvt.f32.s32 v11;
	v13 =	vmul.f32 $4.096000000e+03, v14;
	[tilespmem:v17+s20+$0x0] =	vst.idx.add.f32.msk $0xffff, v2  }
0x2ea: {  	v11 =	vtrunc.f32 v20;
	v14 =	vmul.f32 $4.096000000e+03, v18;
	[tilespmem:v19+s20+$0x0] =	vst.idx.add.f32.msk $0xffff, v2  }
0x2eb: {  	v15 =	vtrunc.f32 v15  }
0x2ec: {  	v10 =	vmul.f32 $4.096000000e+03, v10;
	v13 =	vtrunc.f32 v13  }
0x2ed: {  	v16 =	vand.u32 $0xFF0, v16;
	v11 =	vcvt.f32.s32 v11;
	v12 =	vmul.f32 $4.096000000e+03, v12  }
0x2ee: {  	v14 =	vtrunc.f32 v14;
	v16 =	vor.u32 v0, v16;
	v15 =	vcvt.f32.s32 v15  }
0x2ef: {  	[tilespmem:v7+s20+$0x0] =	vst.idx.add.f32.msk $0xffff, v2;
	v9 =	vmul.f32 $4.096000000e+03, v9;
	v10 =	vtrunc.f32 v10;
	v11 =	vand.u32 $0xFF0, v11  }
0x2f0: {  	[tilespmem:v6+s20+$0x0] =	vst.idx.add.f32.msk $0xffff, v2;
	v7 =	vcvt.f32.s32 v14;
	v11 =	vor.u32 v0, v11;
	v6 =	vcvt.f32.s32 v10  }
0x2f1: {  	[tilespmem:v8+s20+$0x0] =	vst.idx.add.f32.msk $0xffff, v2;
	v8 =	vtrunc.f32 v9;
	v9 =	vcvt.f32.s32 v13;
	v13 =	vand.u32 $0xFF0, v15  }
0x2f2: {  	v12 =	vtrunc.f32 v12;
	v7 =	vand.u32 $0xFF0, v7;
	v10 =	vor.u32 v0, v13  }
0x2f3: {  	[tilespmem:v4+s20+$0x0] =	vst.idx.add.f32.msk $0xffff, v2;
	v4 =	vcvt.f32.s32 v12;
	v6 =	vand.u32 $0xFF0, v6;
	v7 =	vor.u32 v0, v7  }
0x2f4: {  	[tilespmem:v5+s20+$0x0] =	vst.idx.add.f32.msk $0xffff, v2;
	v5 =	vcvt.f32.s32 v8;
	v9 =	vand.u32 $0xFF0, v9;
	v6 =	vor.u32 v0, v6  }
0x2f5: {  	[tilespmem:v16+s20+$0x0] =	vst.idx.add.f32.msk $0xffff, v2;
	v4 =	vand.u32 $0xFF0, v4;
	v9 =	vor.u32 v0, v9  }
0x2f6: {  	v5 =	vand.u32 $0xFF0, v5;
	v4 =	vor.u32 v0, v4;
	[tilespmem:v11+s20+$0x0] =	vst.idx.add.f32.msk $0xffff, v2  }
0x2f7: {  	s30 =	sshll.u32 s29, $0x2;
	p0 =	seq.s32 s29, $0x3;
	v5 =	vor.u32 v0, v5;
	[tilespmem:v10+s20+$0x0] =	vst.idx.add.f32.msk $0xffff, v2  }
0x2f8: {  	s0 =	sadd.s32 @!p0 $0x4, s30;
	[tilespmem:v7+s20+$0x0] =	vst.idx.add.f32.msk $0xffff, v2  }
0x2f9: {  	s2 =	sshrl.u32 @!p0 s0, $0x4;
	s0 =	sshll.u32 @!p0 s0, $0xA;
	[tilespmem:v6+s20+$0x0] =	vst.idx.add.f32.msk $0xffff, v2  }
0x2fa: {  	s2 =	sadd.s32 @!p0 s2, s13;
	s0 =	sand.u32 @!p0 $0x3000, s0;
	[tilespmem:v9+s20+$0x0] =	vst.idx.add.f32.msk $0xffff, v2  }
0x2fb: {  	s2 =	sshll.u32 @!p0 s2, $0xE;
	s0 =	sadd.s32 @!p0 s1, s0;
	[tilespmem:v4+s20+$0x0] =	vst.idx.add.f32.msk $0xffff, v2  }
0x2fc: {  	s7 =	simm.s32 $0x0;
	s0 =	sadd.s32 @!p0 s2, s0;
	s2 =	simm.s32 @!p0 $0x0;
	[tilespmem:v5+s20+$0x0] =	vst.idx.add.f32.msk $0xffff, v2  }
0x2fd: {  	[tilespmem:s2], [sflag:$0x1] =	stream.linear.gather @!p0 [hbm4b:s0+s2], $0x4000, $0x38;
	[tilespmem:$0x12200] =	vst v63  }
0x2fe: {  	s6 =	simm.s32 $0x0;
	s2 =	sand.u32 $0x3000, s7  }
0x2ff: {  	s0 =	sand.u32 $0xC00, s6;
	s6 =	simm.s32 $0x0;
	_ =	swait.ge [sflag:s21], $0x4000  }
0x300: {  	s6 =	sand.u32 $0x380, s6;
	s0 =	sor.u32 s0, s2;
	[sflag:s21] =	ssyncset.done $0x0  }
0x301: {  	s0 =	sor.u32 s6, s0;
	[sflag:s21] =	ssyncadd.s32 $0xFFFFC000  }
0x302: {  	v4 =	vld [tilespmem:s0+$0x4070]  }
0x303: {  	v5 =	vld [tilespmem:s0+$0x4000]  }
0x304: {  	v6 =	vld [tilespmem:s0+$0x4010]  }
0x305: {  	v7 =	vld [tilespmem:s0+$0x4020]  }
0x306: {  	v8 =	vld [tilespmem:s0+$0x4030]  }
0x307: {  	v9 =	vld [tilespmem:s0+$0x4040]  }
0x308: {  	v10 =	vld [tilespmem:s0+$0x4050];
	v4 =	vmul.f32 $4.096000000e+03, v4  }
0x309: {  	v11 =	vld [tilespmem:s0+$0x4060]  }
0x30a: {  	s31 =	simm.s32 $0x400;
	s6 =	simm.s32 $0x80;
	v5 =	vmul.f32 $4.096000000e+03, v5;
	v4 =	vtrunc.f32 v4  }
0x30b: {  	s7 =	simm.s32 $0x20;
	s2 =	sand.u32 $0xC00, s31;
	s0 =	sand.u32 $0x3000, s6;
	v6 =	vmul.f32 $4.096000000e+03, v6;
	v4 =	vcvt.f32.s32 v4  }
0x30c: {  	s6 =	sand.u32 $0x380, s7;
	s0 =	sor.u32 s2, s0;
	v7 =	vmul.f32 $4.096000000e+03, v7;
	v8 =	vmul.f32 $4.096000000e+03, v8  }
0x30d: {  	s0 =	sor.u32 s6, s0;
	v9 =	vmul.f32 $4.096000000e+03, v9;
	v10 =	vmul.f32 $4.096000000e+03, v10;
	v4 =	vand.u32 $0xFF0, v4  }
0x30e: {  	v12 =	vld [tilespmem:s0+$0x4070];
	v11 =	vmul.f32 $4.096000000e+03, v11;
	v5 =	vtrunc.f32 v5;
	v4 =	vor.u32 v3, v4  }
0x30f: {  	v6 =	vtrunc.f32 v6;
	v7 =	vtrunc.f32 v7  }
0x310: {  	v8 =	vtrunc.f32 v8;
	v9 =	vtrunc.f32 v9  }
0x311: {  	v10 =	vtrunc.f32 v10;
	v5 =	vcvt.f32.s32 v5  }
0x312: {  	v13 =	vld [tilespmem:s0+$0x4000];
	v11 =	vtrunc.f32 v11;
	v6 =	vcvt.f32.s32 v6  }
0x313: {  	v20 =	vmul.f32 $4.096000000e+03, v12;
	v5 =	vand.u32 $0xFF0, v5;
	[tilespmem:v4+s20+$0x0] =	vst.idx.add.f32.msk $0xffff, v2;
	v4 =	vcvt.f32.s32 v7  }
0x314: {  	v14 =	vld [tilespmem:s0+$0x4010];
	v6 =	vand.u32 $0xFF0, v6;
	v7 =	vcvt.f32.s32 v8;
	v8 =	vcvt.f32.s32 v9  }
0x315: {  	v17 =	vld [tilespmem:s0+$0x4030];
	v5 =	vor.u32 v3, v5;
	v9 =	vcvt.f32.s32 v10;
	v10 =	vcvt.f32.s32 v11  }
0x316: {  	v18 =	vor.u32 v3, v6;
	v11 =	vld [tilespmem:s0+$0x4020];
	v4 =	vand.u32 $0xFF0, v4;
	v7 =	vand.u32 $0xFF0, v7  }
0x317: {  	v15 =	vand.u32 $0xFF0, v8;
	v19 =	vand.u32 $0xFF0, v10;
	v10 =	vld [tilespmem:s0+$0x4040];
	v8 =	vor.u32 v3, v4  }
0x318: {  	v21 =	vmul.f32 $4.096000000e+03, v13;
	v12 =	vld [tilespmem:s0+$0x4050];
	v16 =	vand.u32 $0xFF0, v9;
	v7 =	vor.u32 v3, v7  }
0x319: {  	v9 =	vld [tilespmem:s0+$0x4060];
	v6 =	vor.u32 v3, v15;
	v15 =	vmul.f32 $4.096000000e+03, v14;
	v14 =	vtrunc.f32 v20  }
0x31a: {  	[tilespmem:v5+s20+$0x0] =	vst.idx.add.f32.msk $0xffff, v2;
	v4 =	vor.u32 v3, v16;
	v16 =	vcvt.f32.s32 v14;
	v14 =	vmul.f32 $4.096000000e+03, v17  }
0x31b: {  	s2 =	simm.s32 $0x8;
	[tilespmem:v18+s20+$0x0] =	vst.idx.add.f32.msk $0xffff, v2;
	v5 =	vor.u32 v3, v19;
	v13 =	vmul.f32 $4.096000000e+03, v11;
	v11 =	vtrunc.f32 v21  }
.LBB2_35:
0x31c: {  	s2 =	sadd.s32 $0x8, s2;
	v15 =	vtrunc.f32 v15;
	v10 =	vmul.f32 $4.096000000e+03, v10;
	v16 =	vand.u32 $0xFF0, v16;
	[tilespmem:v8+s20+$0x0] =	vst.idx.add.f32.msk $0xffff, v2  }
0x31d: {  	v8 =	vtrunc.f32 v13;
	s31 =	sadd.s32 $0x400, s31;
	s0 =	sshll.u32 s2, $0x4;
	p1 =	slt.u32 s2, $0x3F8;
	v12 =	vmul.f32 $4.096000000e+03, v12;
	v13 =	vor.u32 v3, v16;
	[tilespmem:v7+s20+$0x0] =	vst.idx.add.f32.msk $0xffff, v2  }
0x31e: {  	s6 =	sand.u32 $0xC00, s31;
	s7 =	sshll.u32 s2, $0x2;
	v7 =	vtrunc.f32 v14;
	s0 =	sand.u32 $0x3000, s0;
	v9 =	vmul.f32 $4.096000000e+03, v9;
	[tilespmem:v6+s20+$0x0] =	vst.idx.add.f32.msk $0xffff, v2  }
0x31f: {  	s7 =	sand.u32 $0x380, s7;
	v6 =	vtrunc.f32 v10;
	s0 =	sor.u32 s6, s0;
	v10 =	vtrunc.f32 v12;
	[tilespmem:v4+s20+$0x0] =	vst.idx.add.f32.msk $0xffff, v2  }
0x320: {  	v4 =	vcvt.f32.s32 v11;
	s0 =	sor.u32 s7, s0;
	v9 =	vtrunc.f32 v9;
	[tilespmem:v5+s20+$0x0] =	vst.idx.add.f32.msk $0xffff, v2  }
0x321: {  	v8 =	vcvt.f32.s32 v8;
	v11 =	vcvt.f32.s32 v15;
	v5 =	vld [tilespmem:s0+$0x4070]  }
0x322: {  	v7 =	vcvt.f32.s32 v7;
	v6 =	vcvt.f32.s32 v6;
	v4 =	vand.u32 $0xFF0, v4;
	[tilespmem:v13+s20+$0x0] =	vst.idx.add.f32.msk $0xffff, v2  }
0x323: {  	v10 =	vcvt.f32.s32 v10;
	v11 =	vand.u32 $0xFF0, v11;
	v9 =	vcvt.f32.s32 v9;
	v12 =	vld [tilespmem:s0+$0x4000]  }
0x324: {  	v8 =	vand.u32 $0xFF0, v8;
	v7 =	vand.u32 $0xFF0, v7;
	v6 =	vand.u32 $0xFF0, v6;
	v13 =	vld [tilespmem:s0+$0x4010]  }
0x325: {  	v17 =	vor.u32 v3, v4;
	v4 =	vand.u32 $0xFF0, v10;
	v9 =	vand.u32 $0xFF0, v9;
	v14 =	vld [tilespmem:s0+$0x4020]  }
0x326: {  	v8 =	vor.u32 v3, v8;
	v7 =	vor.u32 v3, v7;
	v19 =	vor.u32 v3, v11;
	v18 =	vld [tilespmem:s0+$0x4030]  }
.Ltmp16:
0x327: {  	v6 =	vor.u32 v3, v6;
	v4 =	vor.u32 v3, v4;
	v11 =	vmul.f32 $4.096000000e+03, v5;
	v10 =	vld [tilespmem:s0+$0x4040];
	(pc) =	sbr.rel @p1 .LBB2_35-.Ltmp16, $4  }
0x328: {  	v5 =	vor.u32 v3, v9;
	v20 =	vmul.f32 $4.096000000e+03, v12;
	v12 =	vld [tilespmem:s0+$0x4050]  }
0x329: {  	v11 =	vtrunc.f32 v11;
	v15 =	vmul.f32 $4.096000000e+03, v13;
	v9 =	vld [tilespmem:s0+$0x4060]  }
0x32a: {  	v16 =	vcvt.f32.s32 v11;
	v13 =	vmul.f32 $4.096000000e+03, v14;
	[tilespmem:v17+s20+$0x0] =	vst.idx.add.f32.msk $0xffff, v2  }
0x32b: {  	v11 =	vtrunc.f32 v20;
	v14 =	vmul.f32 $4.096000000e+03, v18;
	[tilespmem:v19+s20+$0x0] =	vst.idx.add.f32.msk $0xffff, v2  }
0x32c: {  	v15 =	vtrunc.f32 v15  }
0x32d: {  	v10 =	vmul.f32 $4.096000000e+03, v10;
	v13 =	vtrunc.f32 v13  }
0x32e: {  	v16 =	vand.u32 $0xFF0, v16;
	v11 =	vcvt.f32.s32 v11;
	v12 =	vmul.f32 $4.096000000e+03, v12  }
0x32f: {  	v14 =	vtrunc.f32 v14;
	v16 =	vor.u32 v3, v16;
	v15 =	vcvt.f32.s32 v15  }
0x330: {  	[tilespmem:v7+s20+$0x0] =	vst.idx.add.f32.msk $0xffff, v2;
	v9 =	vmul.f32 $4.096000000e+03, v9;
	v10 =	vtrunc.f32 v10;
	v11 =	vand.u32 $0xFF0, v11  }
0x331: {  	[tilespmem:v6+s20+$0x0] =	vst.idx.add.f32.msk $0xffff, v2;
	v7 =	vcvt.f32.s32 v14;
	v11 =	vor.u32 v3, v11;
	v6 =	vcvt.f32.s32 v10  }
0x332: {  	[tilespmem:v8+s20+$0x0] =	vst.idx.add.f32.msk $0xffff, v2;
	v8 =	vtrunc.f32 v9;
	v9 =	vcvt.f32.s32 v13;
	v13 =	vand.u32 $0xFF0, v15  }
0x333: {  	v12 =	vtrunc.f32 v12;
	v7 =	vand.u32 $0xFF0, v7;
	v10 =	vor.u32 v3, v13  }
0x334: {  	[tilespmem:v4+s20+$0x0] =	vst.idx.add.f32.msk $0xffff, v2;
	v4 =	vcvt.f32.s32 v12;
	v6 =	vand.u32 $0xFF0, v6;
	v7 =	vor.u32 v3, v7  }
0x335: {  	[tilespmem:v5+s20+$0x0] =	vst.idx.add.f32.msk $0xffff, v2;
	v5 =	vcvt.f32.s32 v8;
	v9 =	vand.u32 $0xFF0, v9;
	v6 =	vor.u32 v3, v6  }
0x336: {  	[tilespmem:v16+s20+$0x0] =	vst.idx.add.f32.msk $0xffff, v2;
	v4 =	vand.u32 $0xFF0, v4;
	v9 =	vor.u32 v3, v9  }
0x337: {  	v5 =	vand.u32 $0xFF0, v5;
	v4 =	vor.u32 v3, v4;
	[tilespmem:v11+s20+$0x0] =	vst.idx.add.f32.msk $0xffff, v2  }
0x338: {  	v5 =	vor.u32 v3, v5;
	[tilespmem:v10+s20+$0x0] =	vst.idx.add.f32.msk $0xffff, v2  }
0x339: {  	s0 =	sadd.s32 @!p0 $0x5, s30;
	[tilespmem:v7+s20+$0x0] =	vst.idx.add.f32.msk $0xffff, v2  }
0x33a: {  	s2 =	sshrl.u32 @!p0 s0, $0x4;
	s0 =	sshll.u32 @!p0 s0, $0xA;
	[tilespmem:v6+s20+$0x0] =	vst.idx.add.f32.msk $0xffff, v2  }
0x33b: {  	s2 =	sadd.s32 @!p0 s2, s13;
	s0 =	sand.u32 @!p0 $0x3000, s0;
	[tilespmem:v9+s20+$0x0] =	vst.idx.add.f32.msk $0xffff, v2  }
0x33c: {  	s6 =	simm.s32 @!p0 $0x4000;
	s2 =	sshll.u32 @!p0 s2, $0xE;
	s0 =	sadd.s32 @!p0 s3, s0;
	[tilespmem:v4+s20+$0x0] =	vst.idx.add.f32.msk $0xffff, v2  }
0x33d: {  	s7 =	simm.s32 $0x0;
	s0 =	sadd.s32 @!p0 s2, s0;
	s2 =	simm.s32 @!p0 $0x0;
	[tilespmem:v5+s20+$0x0] =	vst.idx.add.f32.msk $0xffff, v2  }
0x33e: {  	[tilespmem:s6], [sflag:$0x2] =	stream.linear.gather @!p0 [hbm4b:s0+s2], $0x4000, $0x38;
	[tilespmem:$0x12200] =	vst v63  }
0x33f: {  	s6 =	simm.s32 $0x0;
	s0 =	sand.u32 $0xC00, s7  }
0x340: {  	s7 =	simm.s32 $0x0;
	_ =	swait.ge [sflag:s22], $0x4000;
	s2 =	sand.u32 $0x3000, s6  }
0x341: {  	s6 =	sand.u32 $0x380, s7;
	[sflag:s22] =	ssyncset.done $0x0;
	s0 =	sor.u32 s0, s2  }
0x342: {  	[sflag:s22] =	ssyncadd.s32 $0xFFFFC000;
	s0 =	sor.u32 s6, s0  }
0x343: {  	v4 =	vld [tilespmem:s0+$0x8070]  }
0x344: {  	v5 =	vld [tilespmem:s0+$0x8000]  }
0x345: {  	v6 =	vld [tilespmem:s0+$0x8010]  }
0x346: {  	v7 =	vld [tilespmem:s0+$0x8020]  }
0x347: {  	v8 =	vld [tilespmem:s0+$0x8030]  }
0x348: {  	v9 =	vld [tilespmem:s0+$0x8040]  }
0x349: {  	v10 =	vld [tilespmem:s0+$0x8050];
	v4 =	vmul.f32 $4.096000000e+03, v4  }
0x34a: {  	v11 =	vld [tilespmem:s0+$0x8060]  }
0x34b: {  	s31 =	simm.s32 $0x400;
	s6 =	simm.s32 $0x80;
	v5 =	vmul.f32 $4.096000000e+03, v5;
	v4 =	vtrunc.f32 v4  }
0x34c: {  	s7 =	simm.s32 $0x20;
	s2 =	sand.u32 $0xC00, s31;
	s0 =	sand.u32 $0x3000, s6;
	v6 =	vmul.f32 $4.096000000e+03, v6;
	v4 =	vcvt.f32.s32 v4  }
0x34d: {  	s6 =	sand.u32 $0x380, s7;
	s0 =	sor.u32 s2, s0;
	v7 =	vmul.f32 $4.096000000e+03, v7;
	v8 =	vmul.f32 $4.096000000e+03, v8  }
0x34e: {  	s0 =	sor.u32 s6, s0;
	v9 =	vmul.f32 $4.096000000e+03, v9;
	v10 =	vmul.f32 $4.096000000e+03, v10;
	v4 =	vand.u32 $0xFF0, v4  }
0x34f: {  	v12 =	vld [tilespmem:s0+$0x8070];
	v11 =	vmul.f32 $4.096000000e+03, v11;
	v5 =	vtrunc.f32 v5;
	v4 =	vor.u32 v0, v4  }
0x350: {  	v6 =	vtrunc.f32 v6;
	v7 =	vtrunc.f32 v7  }
0x351: {  	v8 =	vtrunc.f32 v8;
	v9 =	vtrunc.f32 v9  }
0x352: {  	v10 =	vtrunc.f32 v10;
	v5 =	vcvt.f32.s32 v5  }
0x353: {  	v13 =	vld [tilespmem:s0+$0x8000];
	v11 =	vtrunc.f32 v11;
	v6 =	vcvt.f32.s32 v6  }
0x354: {  	v20 =	vmul.f32 $4.096000000e+03, v12;
	v5 =	vand.u32 $0xFF0, v5;
	[tilespmem:v4+s20+$0x0] =	vst.idx.add.f32.msk $0xffff, v2;
	v4 =	vcvt.f32.s32 v7  }
0x355: {  	v14 =	vld [tilespmem:s0+$0x8010];
	v6 =	vand.u32 $0xFF0, v6;
	v7 =	vcvt.f32.s32 v8;
	v8 =	vcvt.f32.s32 v9  }
0x356: {  	v17 =	vld [tilespmem:s0+$0x8030];
	v5 =	vor.u32 v0, v5;
	v9 =	vcvt.f32.s32 v10;
	v10 =	vcvt.f32.s32 v11  }
0x357: {  	v18 =	vor.u32 v0, v6;
	v11 =	vld [tilespmem:s0+$0x8020];
	v4 =	vand.u32 $0xFF0, v4;
	v7 =	vand.u32 $0xFF0, v7  }
0x358: {  	v15 =	vand.u32 $0xFF0, v8;
	v19 =	vand.u32 $0xFF0, v10;
	v10 =	vld [tilespmem:s0+$0x8040];
	v8 =	vor.u32 v0, v4  }
0x359: {  	v21 =	vmul.f32 $4.096000000e+03, v13;
	v12 =	vld [tilespmem:s0+$0x8050];
	v16 =	vand.u32 $0xFF0, v9;
	v7 =	vor.u32 v0, v7  }
0x35a: {  	v9 =	vld [tilespmem:s0+$0x8060];
	v6 =	vor.u32 v0, v15;
	v15 =	vmul.f32 $4.096000000e+03, v14;
	v14 =	vtrunc.f32 v20  }
0x35b: {  	[tilespmem:v5+s20+$0x0] =	vst.idx.add.f32.msk $0xffff, v2;
	v4 =	vor.u32 v0, v16;
	v16 =	vcvt.f32.s32 v14;
	v14 =	vmul.f32 $4.096000000e+03, v17  }
0x35c: {  	s2 =	simm.s32 $0x8;
	[tilespmem:v18+s20+$0x0] =	vst.idx.add.f32.msk $0xffff, v2;
	v5 =	vor.u32 v0, v19;
	v13 =	vmul.f32 $4.096000000e+03, v11;
	v11 =	vtrunc.f32 v21  }
.LBB2_37:
0x35d: {  	s2 =	sadd.s32 $0x8, s2;
	v15 =	vtrunc.f32 v15;
	v10 =	vmul.f32 $4.096000000e+03, v10;
	v16 =	vand.u32 $0xFF0, v16;
	[tilespmem:v8+s20+$0x0] =	vst.idx.add.f32.msk $0xffff, v2  }
0x35e: {  	v8 =	vtrunc.f32 v13;
	s31 =	sadd.s32 $0x400, s31;
	s0 =	sshll.u32 s2, $0x4;
	p1 =	slt.u32 s2, $0x3F8;
	v12 =	vmul.f32 $4.096000000e+03, v12;
	v13 =	vor.u32 v0, v16;
	[tilespmem:v7+s20+$0x0] =	vst.idx.add.f32.msk $0xffff, v2  }
0x35f: {  	s6 =	sand.u32 $0xC00, s31;
	s7 =	sshll.u32 s2, $0x2;
	v7 =	vtrunc.f32 v14;
	s0 =	sand.u32 $0x3000, s0;
	v9 =	vmul.f32 $4.096000000e+03, v9;
	[tilespmem:v6+s20+$0x0] =	vst.idx.add.f32.msk $0xffff, v2  }
0x360: {  	s7 =	sand.u32 $0x380, s7;
	v6 =	vtrunc.f32 v10;
	s0 =	sor.u32 s6, s0;
	v10 =	vtrunc.f32 v12;
	[tilespmem:v4+s20+$0x0] =	vst.idx.add.f32.msk $0xffff, v2  }
0x361: {  	v4 =	vcvt.f32.s32 v11;
	s0 =	sor.u32 s7, s0;
	v9 =	vtrunc.f32 v9;
	[tilespmem:v5+s20+$0x0] =	vst.idx.add.f32.msk $0xffff, v2  }
0x362: {  	v8 =	vcvt.f32.s32 v8;
	v11 =	vcvt.f32.s32 v15;
	v5 =	vld [tilespmem:s0+$0x8070]  }
0x363: {  	v7 =	vcvt.f32.s32 v7;
	v6 =	vcvt.f32.s32 v6;
	v4 =	vand.u32 $0xFF0, v4;
	[tilespmem:v13+s20+$0x0] =	vst.idx.add.f32.msk $0xffff, v2  }
0x364: {  	v10 =	vcvt.f32.s32 v10;
	v11 =	vand.u32 $0xFF0, v11;
	v9 =	vcvt.f32.s32 v9;
	v12 =	vld [tilespmem:s0+$0x8000]  }
0x365: {  	v8 =	vand.u32 $0xFF0, v8;
	v7 =	vand.u32 $0xFF0, v7;
	v6 =	vand.u32 $0xFF0, v6;
	v13 =	vld [tilespmem:s0+$0x8010]  }
0x366: {  	v17 =	vor.u32 v0, v4;
	v4 =	vand.u32 $0xFF0, v10;
	v9 =	vand.u32 $0xFF0, v9;
	v14 =	vld [tilespmem:s0+$0x8020]  }
0x367: {  	v8 =	vor.u32 v0, v8;
	v7 =	vor.u32 v0, v7;
	v19 =	vor.u32 v0, v11;
	v18 =	vld [tilespmem:s0+$0x8030]  }
.Ltmp17:
0x368: {  	v6 =	vor.u32 v0, v6;
	v4 =	vor.u32 v0, v4;
	v11 =	vmul.f32 $4.096000000e+03, v5;
	v10 =	vld [tilespmem:s0+$0x8040];
	(pc) =	sbr.rel @p1 .LBB2_37-.Ltmp17, $4  }
0x369: {  	v5 =	vor.u32 v0, v9;
	v20 =	vmul.f32 $4.096000000e+03, v12;
	v12 =	vld [tilespmem:s0+$0x8050]  }
0x36a: {  	v11 =	vtrunc.f32 v11;
	v15 =	vmul.f32 $4.096000000e+03, v13;
	v9 =	vld [tilespmem:s0+$0x8060]  }
0x36b: {  	v16 =	vcvt.f32.s32 v11;
	v13 =	vmul.f32 $4.096000000e+03, v14;
	[tilespmem:v17+s20+$0x0] =	vst.idx.add.f32.msk $0xffff, v2  }
0x36c: {  	v11 =	vtrunc.f32 v20;
	v14 =	vmul.f32 $4.096000000e+03, v18;
	[tilespmem:v19+s20+$0x0] =	vst.idx.add.f32.msk $0xffff, v2  }
0x36d: {  	v15 =	vtrunc.f32 v15  }
0x36e: {  	v10 =	vmul.f32 $4.096000000e+03, v10;
	v13 =	vtrunc.f32 v13  }
0x36f: {  	v16 =	vand.u32 $0xFF0, v16;
	v11 =	vcvt.f32.s32 v11;
	v12 =	vmul.f32 $4.096000000e+03, v12  }
0x370: {  	v14 =	vtrunc.f32 v14;
	v16 =	vor.u32 v0, v16;
	v15 =	vcvt.f32.s32 v15  }
0x371: {  	[tilespmem:v7+s20+$0x0] =	vst.idx.add.f32.msk $0xffff, v2;
	v9 =	vmul.f32 $4.096000000e+03, v9;
	v10 =	vtrunc.f32 v10;
	v11 =	vand.u32 $0xFF0, v11  }
0x372: {  	[tilespmem:v6+s20+$0x0] =	vst.idx.add.f32.msk $0xffff, v2;
	v7 =	vcvt.f32.s32 v14;
	v11 =	vor.u32 v0, v11;
	v6 =	vcvt.f32.s32 v10  }
0x373: {  	[tilespmem:v8+s20+$0x0] =	vst.idx.add.f32.msk $0xffff, v2;
	v8 =	vtrunc.f32 v9;
	v9 =	vcvt.f32.s32 v13;
	v13 =	vand.u32 $0xFF0, v15  }
0x374: {  	v12 =	vtrunc.f32 v12;
	v7 =	vand.u32 $0xFF0, v7;
	v10 =	vor.u32 v0, v13  }
0x375: {  	[tilespmem:v4+s20+$0x0] =	vst.idx.add.f32.msk $0xffff, v2;
	v4 =	vcvt.f32.s32 v12;
	v6 =	vand.u32 $0xFF0, v6;
	v7 =	vor.u32 v0, v7  }
0x376: {  	[tilespmem:v5+s20+$0x0] =	vst.idx.add.f32.msk $0xffff, v2;
	v5 =	vcvt.f32.s32 v8;
	v9 =	vand.u32 $0xFF0, v9;
	v6 =	vor.u32 v0, v6  }
0x377: {  	[tilespmem:v16+s20+$0x0] =	vst.idx.add.f32.msk $0xffff, v2;
	v4 =	vand.u32 $0xFF0, v4;
	v9 =	vor.u32 v0, v9  }
0x378: {  	v5 =	vand.u32 $0xFF0, v5;
	v4 =	vor.u32 v0, v4;
	[tilespmem:v11+s20+$0x0] =	vst.idx.add.f32.msk $0xffff, v2  }
0x379: {  	v5 =	vor.u32 v0, v5;
	[tilespmem:v10+s20+$0x0] =	vst.idx.add.f32.msk $0xffff, v2  }
0x37a: {  	s0 =	sadd.s32 @!p0 $0x6, s30;
	[tilespmem:v7+s20+$0x0] =	vst.idx.add.f32.msk $0xffff, v2  }
0x37b: {  	s2 =	sshrl.u32 @!p0 s0, $0x4;
	s0 =	sshll.u32 @!p0 s0, $0xA;
	[tilespmem:v6+s20+$0x0] =	vst.idx.add.f32.msk $0xffff, v2  }
0x37c: {  	s2 =	sadd.s32 @!p0 s2, s13;
	s0 =	sand.u32 @!p0 $0x3800, s0;
	[tilespmem:v9+s20+$0x0] =	vst.idx.add.f32.msk $0xffff, v2  }
0x37d: {  	s6 =	simm.s32 @!p0 $0x8000;
	s2 =	sshll.u32 @!p0 s2, $0xE;
	s0 =	sadd.s32 @!p0 s1, s0;
	[tilespmem:v4+s20+$0x0] =	vst.idx.add.f32.msk $0xffff, v2  }
0x37e: {  	s7 =	simm.s32 $0x0;
	s0 =	sadd.s32 @!p0 s2, s0;
	s2 =	simm.s32 @!p0 $0x0;
	[tilespmem:v5+s20+$0x0] =	vst.idx.add.f32.msk $0xffff, v2  }
0x37f: {  	[tilespmem:s6], [sflag:$0x3] =	stream.linear.gather @!p0 [hbm4b:s0+s2], $0x4000, $0x38;
	[tilespmem:$0x12200] =	vst v63  }
0x380: {  	s6 =	simm.s32 $0x0;
	s0 =	sand.u32 $0xC00, s7  }
0x381: {  	s7 =	simm.s32 $0x0;
	_ =	swait.ge [sflag:s23], $0x4000;
	s2 =	sand.u32 $0x3000, s6  }
0x382: {  	s6 =	sand.u32 $0x380, s7;
	[sflag:s23] =	ssyncset.done $0x0;
	s0 =	sor.u32 s0, s2  }
0x383: {  	[sflag:s23] =	ssyncadd.s32 $0xFFFFC000;
	s0 =	sor.u32 s6, s0  }
0x384: {  	v4 =	vld [tilespmem:s0+$0xC070]  }
0x385: {  	v5 =	vld [tilespmem:s0+$0xC000]  }
0x386: {  	v6 =	vld [tilespmem:s0+$0xC010]  }
0x387: {  	v7 =	vld [tilespmem:s0+$0xC020]  }
0x388: {  	v8 =	vld [tilespmem:s0+$0xC030]  }
0x389: {  	v9 =	vld [tilespmem:s0+$0xC040]  }
0x38a: {  	v10 =	vld [tilespmem:s0+$0xC050];
	v4 =	vmul.f32 $4.096000000e+03, v4  }
0x38b: {  	v11 =	vld [tilespmem:s0+$0xC060]  }
0x38c: {  	s31 =	simm.s32 $0x400;
	s6 =	simm.s32 $0x80;
	v5 =	vmul.f32 $4.096000000e+03, v5;
	v4 =	vtrunc.f32 v4  }
0x38d: {  	s7 =	simm.s32 $0x20;
	s2 =	sand.u32 $0xC00, s31;
	s0 =	sand.u32 $0x3000, s6;
	v6 =	vmul.f32 $4.096000000e+03, v6;
	v4 =	vcvt.f32.s32 v4  }
0x38e: {  	s6 =	sand.u32 $0x380, s7;
	s0 =	sor.u32 s2, s0;
	v7 =	vmul.f32 $4.096000000e+03, v7;
	v8 =	vmul.f32 $4.096000000e+03, v8  }
0x38f: {  	s0 =	sor.u32 s6, s0;
	v9 =	vmul.f32 $4.096000000e+03, v9;
	v10 =	vmul.f32 $4.096000000e+03, v10;
	v4 =	vand.u32 $0xFF0, v4  }
0x390: {  	v12 =	vld [tilespmem:s0+$0xC070];
	v11 =	vmul.f32 $4.096000000e+03, v11;
	v5 =	vtrunc.f32 v5;
	v4 =	vor.u32 v3, v4  }
0x391: {  	v6 =	vtrunc.f32 v6;
	v7 =	vtrunc.f32 v7  }
0x392: {  	v8 =	vtrunc.f32 v8;
	v9 =	vtrunc.f32 v9  }
0x393: {  	v10 =	vtrunc.f32 v10;
	v5 =	vcvt.f32.s32 v5  }
0x394: {  	v13 =	vld [tilespmem:s0+$0xC000];
	v11 =	vtrunc.f32 v11;
	v6 =	vcvt.f32.s32 v6  }
0x395: {  	v20 =	vmul.f32 $4.096000000e+03, v12;
	v5 =	vand.u32 $0xFF0, v5;
	[tilespmem:v4+s20+$0x0] =	vst.idx.add.f32.msk $0xffff, v2;
	v4 =	vcvt.f32.s32 v7  }
0x396: {  	v14 =	vld [tilespmem:s0+$0xC010];
	v6 =	vand.u32 $0xFF0, v6;
	v7 =	vcvt.f32.s32 v8;
	v8 =	vcvt.f32.s32 v9  }
0x397: {  	v17 =	vld [tilespmem:s0+$0xC030];
	v5 =	vor.u32 v3, v5;
	v9 =	vcvt.f32.s32 v10;
	v10 =	vcvt.f32.s32 v11  }
0x398: {  	v18 =	vor.u32 v3, v6;
	v11 =	vld [tilespmem:s0+$0xC020];
	v4 =	vand.u32 $0xFF0, v4;
	v7 =	vand.u32 $0xFF0, v7  }
0x399: {  	v15 =	vand.u32 $0xFF0, v8;
	v19 =	vand.u32 $0xFF0, v10;
	v10 =	vld [tilespmem:s0+$0xC040];
	v8 =	vor.u32 v3, v4  }
0x39a: {  	v21 =	vmul.f32 $4.096000000e+03, v13;
	v12 =	vld [tilespmem:s0+$0xC050];
	v16 =	vand.u32 $0xFF0, v9;
	v7 =	vor.u32 v3, v7  }
0x39b: {  	v9 =	vld [tilespmem:s0+$0xC060];
	v6 =	vor.u32 v3, v15;
	v15 =	vmul.f32 $4.096000000e+03, v14;
	v14 =	vtrunc.f32 v20  }
0x39c: {  	[tilespmem:v5+s20+$0x0] =	vst.idx.add.f32.msk $0xffff, v2;
	v4 =	vor.u32 v3, v16;
	v16 =	vcvt.f32.s32 v14;
	v14 =	vmul.f32 $4.096000000e+03, v17  }
0x39d: {  	s2 =	simm.s32 $0x8;
	[tilespmem:v18+s20+$0x0] =	vst.idx.add.f32.msk $0xffff, v2;
	v5 =	vor.u32 v3, v19;
	v13 =	vmul.f32 $4.096000000e+03, v11;
	v11 =	vtrunc.f32 v21  }
.LBB2_39:
0x39e: {  	s2 =	sadd.s32 $0x8, s2;
	v15 =	vtrunc.f32 v15;
	v10 =	vmul.f32 $4.096000000e+03, v10;
	v16 =	vand.u32 $0xFF0, v16;
	[tilespmem:v8+s20+$0x0] =	vst.idx.add.f32.msk $0xffff, v2  }
0x39f: {  	v8 =	vtrunc.f32 v13;
	s31 =	sadd.s32 $0x400, s31;
	s0 =	sshll.u32 s2, $0x4;
	p1 =	slt.u32 s2, $0x3F8;
	v12 =	vmul.f32 $4.096000000e+03, v12;
	v13 =	vor.u32 v3, v16;
	[tilespmem:v7+s20+$0x0] =	vst.idx.add.f32.msk $0xffff, v2  }
0x3a0: {  	s6 =	sand.u32 $0xC00, s31;
	s7 =	sshll.u32 s2, $0x2;
	v7 =	vtrunc.f32 v14;
	s0 =	sand.u32 $0x3000, s0;
	v9 =	vmul.f32 $4.096000000e+03, v9;
	[tilespmem:v6+s20+$0x0] =	vst.idx.add.f32.msk $0xffff, v2  }
0x3a1: {  	s7 =	sand.u32 $0x380, s7;
	v6 =	vtrunc.f32 v10;
	s0 =	sor.u32 s6, s0;
	v10 =	vtrunc.f32 v12;
	[tilespmem:v4+s20+$0x0] =	vst.idx.add.f32.msk $0xffff, v2  }
0x3a2: {  	v4 =	vcvt.f32.s32 v11;
	s0 =	sor.u32 s7, s0;
	v9 =	vtrunc.f32 v9;
	[tilespmem:v5+s20+$0x0] =	vst.idx.add.f32.msk $0xffff, v2  }
0x3a3: {  	v8 =	vcvt.f32.s32 v8;
	v11 =	vcvt.f32.s32 v15;
	v5 =	vld [tilespmem:s0+$0xC070]  }
0x3a4: {  	v7 =	vcvt.f32.s32 v7;
	v6 =	vcvt.f32.s32 v6;
	v4 =	vand.u32 $0xFF0, v4;
	[tilespmem:v13+s20+$0x0] =	vst.idx.add.f32.msk $0xffff, v2  }
0x3a5: {  	v10 =	vcvt.f32.s32 v10;
	v11 =	vand.u32 $0xFF0, v11;
	v9 =	vcvt.f32.s32 v9;
	v12 =	vld [tilespmem:s0+$0xC000]  }
0x3a6: {  	v8 =	vand.u32 $0xFF0, v8;
	v7 =	vand.u32 $0xFF0, v7;
	v6 =	vand.u32 $0xFF0, v6;
	v13 =	vld [tilespmem:s0+$0xC010]  }
0x3a7: {  	v17 =	vor.u32 v3, v4;
	v4 =	vand.u32 $0xFF0, v10;
	v9 =	vand.u32 $0xFF0, v9;
	v14 =	vld [tilespmem:s0+$0xC020]  }
0x3a8: {  	v8 =	vor.u32 v3, v8;
	v7 =	vor.u32 v3, v7;
	v19 =	vor.u32 v3, v11;
	v18 =	vld [tilespmem:s0+$0xC030]  }
.Ltmp18:
0x3a9: {  	v6 =	vor.u32 v3, v6;
	v4 =	vor.u32 v3, v4;
	v11 =	vmul.f32 $4.096000000e+03, v5;
	v10 =	vld [tilespmem:s0+$0xC040];
	(pc) =	sbr.rel @p1 .LBB2_39-.Ltmp18, $4  }
0x3aa: {  	v5 =	vor.u32 v3, v9;
	v20 =	vmul.f32 $4.096000000e+03, v12;
	v12 =	vld [tilespmem:s0+$0xC050]  }
0x3ab: {  	v11 =	vtrunc.f32 v11;
	v15 =	vmul.f32 $4.096000000e+03, v13;
	v9 =	vld [tilespmem:s0+$0xC060]  }
0x3ac: {  	v16 =	vcvt.f32.s32 v11;
	v13 =	vmul.f32 $4.096000000e+03, v14;
	[tilespmem:v17+s20+$0x0] =	vst.idx.add.f32.msk $0xffff, v2  }
0x3ad: {  	v11 =	vtrunc.f32 v20;
	v14 =	vmul.f32 $4.096000000e+03, v18;
	[tilespmem:v19+s20+$0x0] =	vst.idx.add.f32.msk $0xffff, v2  }
0x3ae: {  	v15 =	vtrunc.f32 v15;
	v10 =	vmul.f32 $4.096000000e+03, v10  }
0x3af: {  	v13 =	vtrunc.f32 v13;
	v11 =	vcvt.f32.s32 v11  }
0x3b0: {  	v12 =	vmul.f32 $4.096000000e+03, v12;
	v14 =	vtrunc.f32 v14  }
0x3b1: {  	v16 =	vand.u32 $0xFF0, v16;
	v15 =	vcvt.f32.s32 v15;
	v59 =	vcvt.f32.s32 v13  }
0x3b2: {  	v16 =	vor.u32 v3, v16;
	v9 =	vmul.f32 $4.096000000e+03, v9;
	v10 =	vtrunc.f32 v10  }
0x3b3: {  	[tilespmem:v8+s20+$0x0] =	vst.idx.add.f32.msk $0xffff, v2;
	v11 =	vand.u32 $0xFF0, v11;
	v60 =	vcvt.f32.s32 v14;
	v12 =	vtrunc.f32 v12  }
0x3b4: {  	[tilespmem:v7+s20+$0x0] =	vst.idx.add.f32.msk $0xffff, v2;
	v61 =	vand.u32 $0xFF0, v15;
	v11 =	vor.u32 v3, v11;
	v62 =	vcvt.f32.s32 v10  }
0x3b5: {  	[tilespmem:v6+s20+$0x0] =	vst.idx.add.f32.msk $0xffff, v2;
	v58 =	vtrunc.f32 v9;
	v9 =	vand.u32 $0xFF0, v59;
	v63 =	vor.u32 v3, v61  }
0x3b6: {  	[tilespmem:v4+s20+$0x0] =	vst.idx.add.f32.msk $0xffff, v2;
	v4 =	vcvt.f32.s32 v12;
	v7 =	vand.u32 $0xFF0, v60;
	v9 =	vor.u32 v3, v9  }
0x3b7: {  	[tilespmem:v5+s20+$0x0] =	vst.idx.add.f32.msk $0xffff, v2;
	v5 =	vcvt.f32.s32 v58;
	v6 =	vand.u32 $0xFF0, v62;
	v7 =	vor.u32 v3, v7  }
0x3b8: {  	[tilespmem:v16+s20+$0x0] =	vst.idx.add.f32.msk $0xffff, v2;
	v4 =	vand.u32 $0xFF0, v4;
	v6 =	vor.u32 v3, v6  }
0x3b9: {  	v5 =	vand.u32 $0xFF0, v5;
	v4 =	vor.u32 v3, v4;
	[tilespmem:v11+s20+$0x0] =	vst.idx.add.f32.msk $0xffff, v2  }
0x3ba: {  	v5 =	vor.u32 v3, v5;
	[tilespmem:v63+s20+$0x0] =	vst.idx.add.f32.msk $0xffff, v2  }
.Ltmp19:
0x3bb: {  	[tilespmem:v9+s20+$0x0] =	vst.idx.add.f32.msk $0xffff, v2;
	(pc) =	sbr.rel @p0 .LBB2_41-.Ltmp19, $4  }
0x3bc: {  	[tilespmem:v7+s20+$0x0] =	vst.idx.add.f32.msk $0xffff, v2  }
0x3bd: {  	[tilespmem:v6+s20+$0x0] =	vst.idx.add.f32.msk $0xffff, v2  }
0x3be: {  	[tilespmem:v4+s20+$0x0] =	vst.idx.add.f32.msk $0xffff, v2  }
0x3bf: {  	[tilespmem:v5+s20+$0x0] =	vst.idx.add.f32.msk $0xffff, v2  }
0x3c0: {  	s0 =	sadd.s32 $0x7, s30  }
.Ltmp20:
0x3c1: {  	s2 =	sshrl.u32 s0, $0x4;
	s0 =	sshll.u32 s0, $0xA;
	(pc) =	sbr.rel .LBB2_32-.Ltmp20, $4  }
0x3c2: {  	s2 =	sadd.s32 s2, s13;
	s0 =	sand.u32 $0x3800, s0  }
0x3c3: {  	s2 =	sshll.u32 s2, $0xE;
	s0 =	sadd.s32 s3, s0  }
0x3c4: {  	s29 =	sadd.s32 $0x1, s29;
	s0 =	sadd.s32 s2, s0  }
0x3c5: {  	[tilespmem:s18], [sflag:$0x4] =	stream.linear.gather [hbm4b:s0+s4], $0x4000, $0x38;
	[tilespmem:$0x12200] =	vst v63  }
.LBB2_41:
0x3c6: {  	s28 =	simm.s32 $0x10020  }
0x3c7: {  	v4 =	vld [tilespmem:s28+$0x10]  }
0x3c8: {  	v5 =	vld [tilespmem:s28+$0xFFFFFFE0];
	_ =	sdelay $0x1  }
0x3c9: {  	v6 =	vld [tilespmem:s28+$0xFFFFFFF0];
	_ =	sdelay $0x1  }
0x3ca: {  	(xrf2) =	vadd.scan.msk.f32 $0xffff, v4  }
0x3cb: {  	(xrf2) =	vadd.scan.msk.f32 $0xffff, v5;
	_ =	sdelay $0x1  }
0x3cc: {  	v7 =	vld [tilespmem:s28+$0x0];
	(xrf2) =	vadd.scan.msk.f32 $0xffff, v6;
	_ =	sdelay $0x1  }
0x3cd: {  	s0 =	simm.s32 $0x1;
	s6 =	simm.s32 $0x10060  }
0x3ce: {  	s2 =	simm.s32 $0x0;
	v5 =	vmov s0;
	v6 =	vld [tilespmem:s6+$0x10]  }
0x3cf: {  	v4 =	vmov s2;
	v5 =	vand.u32 $0xFFFFFFFD, v5  }
0x3d0: {  	s7 =	simm.s32 $0x3;
	v4 =	vand.u32 $0xFFFFFFFC, v4;
	(xrf2) =	vadd.scan.msk.f32 $0xffff, v7  }
0x3d1: {  	v8 =	vld [tilespmem:s6+$0xFFFFFFE0];
	v4 =	vbroadcast v4, $0x0;
	v7 =	vmov s7  }
0x3d2: {  	v9 =	vbroadcast v5, $0x0;
	v5, _, _ =	vpop (xrf2)  }
0x3d3: {  	v11, _, _ =	vpop (xrf2);
	(xrf2) =	vadd.scan.msk.f32 $0xffff, v6  }
0x3d4: {  	v10 =	vld [tilespmem:s6+$0xFFFFFFF0];
	s7 =	simm.s32 $0x2;
	v5 =	vbroadcast v5, $0xF  }
0x3d5: {  	v6 =	vmov s7;
	v11 =	vbroadcast v11, $0xF;
	v12, _, _ =	vpop (xrf2)  }
0x3d6: {  	(xrf2) =	vadd.scan.msk.f32 $0xffff, v8;
	v6 =	vand.u32 $0xFFFFFFFE, v6;
	[tilespmem:v7+s24+$0x0] =	vst.idx.msk $0x1, v5;
	v7 =	vbroadcast v12, $0xF  }
0x3d7: {  	v5 =	vld [tilespmem:s6+$0x0];
	[tilespmem:v4+s24+$0x0] =	vst.idx.msk $0x1, v11;
	v4 =	vbroadcast v6, $0x0;
	_ =	sdelay $0x1  }
0x3d8: {  	s29 =	simm.s32 $0x100A0;
	s30 =	simm.s32 $0xC;
	(xrf2) =	vadd.scan.msk.f32 $0xffff, v10  }
0x3d9: {  	s31 =	simm.s32 $0x7;
	s28 =	simm.s32 $0x8;
	s2 =	simm.s32 $0x4;
	v6 =	vld [tilespmem:s29+$0x10];
	[tilespmem:v9+s24+$0x0] =	vst.idx.msk $0x1, v7;
	v7, _, _ =	vpop (xrf2)  }
.LBB2_42:
0x3da: {  	p0 =	slt.u32 s30, $0x1FC;
	v8 =	vld [tilespmem:s29+$0xFFFFFFF0];
	v9 =	vmov s2;
	v10 =	vmov s31;
	v7 =	vbroadcast v7, $0xF  }
0x3db: {  	v9 =	vand.u32 $0xFFFFFFFC, v9;
	(xrf2) =	vadd.scan.msk.f32 $0xffff, v5;
	v5 =	vld [tilespmem:s29+$0x0]  }
0x3dc: {  	s0 =	sadd.s32 $0x1, s2;
	v11 =	vld [tilespmem:s29+$0xFFFFFFE0];
	v9 =	vbroadcast v9, $0x0;
	v12, _, _ =	vpop (xrf2);
	[tilespmem:v4+s24+$0x0] =	vst.idx.msk $0x1, v7  }
0x3dd: {  	v13 =	vmov s0;
	v7 =	vbroadcast v12, $0xF  }
0x3de: {  	(xrf2) =	vadd.scan.msk.f32 $0xffff, v6;
	v6 =	vand.u32 $0xFFFFFFFD, v13  }
0x3df: {  	s0 =	sadd.s32 $0x2, s2;
	s2 =	smov.u32 s28;
	s28 =	smov.u32 s30;
	v12 =	vbroadcast v6, $0x0;
	[tilespmem:v10+s24+$0x0] =	vst.idx.msk $0x1, v7;
	v4, _, _ =	vpop (xrf2)  }
0x3e0: {  	v10 =	vmov s0;
	v4 =	vbroadcast v4, $0xF  }
.Ltmp21:
0x3e1: {  	v7 =	vand.u32 $0xFFFFFFFE, v10;
	(xrf2) =	vadd.scan.msk.f32 $0xffff, v11;
	(pc) =	sbr.rel @p0 .LBB2_42-.Ltmp21, $4  }
0x3e2: {  	[tilespmem:v9+s24+$0x0] =	vst.idx.msk $0x1, v4;
	v4 =	vbroadcast v7, $0x0;
	v6, _, _ =	vpop (xrf2)  }
0x3e3: {  	v9 =	vbroadcast v6, $0xF  }
0x3e4: {  	s29 =	sadd.s32 $0x40, s29;
	(xrf2) =	vadd.scan.msk.f32 $0xffff, v8  }
0x3e5: {  	s30 =	sadd.s32 $0x4, s30;
	s31 =	sadd.s32 $0x3, s2;
	v6 =	vld [tilespmem:s29+$0x10];
	[tilespmem:v12+s24+$0x0] =	vst.idx.msk $0x1, v9;
	v7, _, _ =	vpop (xrf2)  }
0x3e6: {  	v8 =	vld [tilespmem:s29+$0xFFFFFFE0]  }
0x3e7: {  	v9 =	vld [tilespmem:s29+$0xFFFFFFF0]  }
0x3e8: {  	v10 =	vld [tilespmem:s29+$0x0]  }
0x3e9: {  	(xrf2) =	vadd.scan.msk.f32 $0xffff, v5  }
0x3ea: {  	(xrf2) =	vadd.scan.msk.f32 $0xffff, v6  }
0x3eb: {  	(xrf2) =	vadd.scan.msk.f32 $0xffff, v8  }
0x3ec: {  	v5 =	vmov s2;
	v49 =	vmov s31;
	s0 =	sadd.s32 $0x1, s2;
	(xrf2) =	vadd.scan.msk.f32 $0xffff, v9  }
0x3ed: {  	v7 =	vbroadcast v7, $0xF;
	s7 =	sadd.s32 $0x2, s2;
	v5 =	vand.u32 $0xFFFFFFFC, v5;
	v50 =	vmov s0;
	(xrf2) =	vadd.scan.msk.f32 $0xffff, v10  }
0x3ee: {  	v52 =	vmov s7;
	v5 =	vbroadcast v5, $0x0;
	v8 =	vand.u32 $0xFFFFFFFD, v50  }
0x3ef: {  	s29 =	sadd.s32 $0x3, s28;
	v12 =	vmov s28;
	v8 =	vbroadcast v8, $0x0;
	v10 =	vand.u32 $0xFFFFFFFE, v52  }
0x3f0: {  	s30 =	sadd.s32 $0x1, s28;
	s31 =	sadd.s32 $0x2, s28;
	v13 =	vmov s29;
	v12 =	vand.u32 $0xFFFFFFFC, v12;
	v51, _, _ =	vpop (xrf2);
	v10 =	vbroadcast v10, $0x0  }
0x3f1: {  	v14 =	vmov s30;
	v54 =	vmov s31;
	v11, _, _ =	vpop (xrf2);
	v9 =	vbroadcast v51, $0xF  }
0x3f2: {  	[tilespmem:v4+s24+$0x0] =	vst.idx.msk $0x1, v7;
	v4 =	vbroadcast v12, $0x0;
	v53 =	vand.u32 $0xFFFFFFFD, v14;
	v11 =	vbroadcast v11, $0xF;
	v15, _, _ =	vpop (xrf2)  }
0x3f3: {  	v57 =	vand.u32 $0xFFFFFFFE, v54;
	v7 =	vbroadcast v53, $0x0;
	[tilespmem:v49+s24+$0x0] =	vst.idx.msk $0x1, v9;
	v56 =	vbroadcast v15, $0xF;
	v55, _, _ =	vpop (xrf2)  }
0x3f4: {  	[tilespmem:v5+s24+$0x0] =	vst.idx.msk $0x1, v11;
	v9 =	vbroadcast v57, $0x0;
	v5 =	vbroadcast v55, $0xF;
	v58, _, _ =	vpop (xrf2)  }
0x3f5: {  	[tilespmem:v8+s24+$0x0] =	vst.idx.msk $0x1, v56;
	v59 =	vbroadcast v58, $0xF;
	v60, _, _ =	vpop (xrf2)  }
0x3f6: {  	[tilespmem:v10+s24+$0x0] =	vst.idx.msk $0x1, v5;
	v5 =	vbroadcast v60, $0xF;
	v61, _, _ =	vpop (xrf2)  }
0x3f7: {  	[tilespmem:v13+s24+$0x0] =	vst.idx.msk $0x1, v59;
	v62 =	vbroadcast v61, $0xF;
	v63, _, _ =	vpop (xrf2)  }
0x3f8: {  	s26 =	sadd.s32 $0x1, s26;
	[tilespmem:v4+s24+$0x0] =	vst.idx.msk $0x1, v5;
	v4 =	vbroadcast v63, $0xF  }
0x3f9: {  	p0 =	sne.s32 s26, s15;
	[tilespmem:v7+s24+$0x0] =	vst.idx.msk $0x1, v62  }
.Ltmp22:
0x3fa: {  	[tilespmem:v9+s24+$0x0] =	vst.idx.msk $0x1, v4;
	(pc) =	sbr.rel @p0 .LBB2_1-.Ltmp22, $4  }
0x3fb: {  	[hbm4b:s14+s4] =	stream.linear.scatter [tilespmem:s24], [sflag:$0x5], $0x200, $0x38;
	[tilespmem:$0x12200] =	vst v63  }
0x3fc: {  	_ =	swait.ge [sflag:s25], $0x200  }
0x3fd: {  	[sflag:s25] =	ssyncset.done $0x0  }
0x3fe: {  	[sflag:s25] =	ssyncadd.s32 $0xFFFFFE00  }
0x3ff: {  	_ =	sfence.sel $0x180000  }
0x400: {  	[bflag:$0x0] =	sbarrier.arrive $0xFFFF  }
0x401: {  	_ =	strace $0x90000047  }
0x402: {  	s0 =	stileid.u32;
	[bflag:$0x2] =	sbarrier.arrive $0xFFFF  }
0x403: {  	p0 =	sne.s32 s0, $0x0;
	s0 =	rddreg [dreg:$0x3]  }
0x404: {  	s0 =	sadd.s32 @!p0 $0x100000, s0  }
0x405: {  	[sflag:s0] =	ssyncadd.tile.s32 @!p0 $0x1;
	_ =	shalt  }
.Lfunc_end2:
_tile_overlayer_lowered:
.L_overlay_start_2:
0x406: {  	(tag) =	ssettag $0x2  }
0x407: {  	s0 =	rddreg [dreg:$0x0];
	s2 =	stileid.u32  }
0x408: {  	s1 =	rddreg [dreg:$0x1];
	p0 =	sne.s32 s2, $0x0  }
0x409: {  	s3 =	rddreg [dreg:$0x2];
	[bflag:$0x3] =	sbarrier.arrive $0xFFFF;
	s2 =	simm.s32 @!p0 $0x1C05  }
0x40a: {  	[timem:s3], [sflag:s2] =	dma.local @!p0 [hbm:s0], s1  }
0x40b: {  	s0 =	simm.s32 @!p0 $0x5  }
0x40c: {  	_ =	swait.ge @!p0 [sflag:s0], s1  }
0x40d: {  	s1 =	ssub.s32 @!p0 $0x0, s1;
	[sflag:s0] =	ssyncset.done @!p0 $0x0  }
0x40e: {  	[sflag:s0] =	ssyncadd.s32 @!p0 s1  }
0x40f: {  	[bflag:$0x3] =	sbarrier.arrive $0xFFFF  }
0x410: {  	_ =	shalt  }

</sc_bundles>
